<compile_context>
chip_gen: v7x
topology: tpu7x:2x2x1
jax: 0.10.2.dev20260603
libtpu: 0.0.44.dev20260713+nightly
codegen_flags: <defaults>
</compile_context>

<pallas_src>
import functools

import jax
import jax.numpy as jnp
from jax import lax
from jax.experimental import pallas as pl
from jax.experimental.pallas import tpu as pltpu
from jax.experimental.pallas import tpu_sc as plsc

NC = 2
NS = 16
NW = NC * NS

def _mesh():
    return plsc.VectorSubcoreMesh(
        core_axis_name="c", subcore_axis_name="s", num_cores=NC, num_subcores=NS
    )


def _worker_id():
    return lax.axis_index("s") * NC + lax.axis_index("c")


@functools.lru_cache(maxsize=None)
def _sc_gather3(n, e, d):
    cg = 200
    ew = e // NW
    assert ew % cg == 0

    nchunks = ew // cg

    @functools.partial(
        pl.kernel,
        out_type=(
            jax.ShapeDtypeStruct((e, d), jnp.float32),
            jax.ShapeDtypeStruct((e, d), jnp.float32),
            jax.ShapeDtypeStruct((e, d), jnp.float32),
        ),
        mesh=_mesh(),
        scratch_types=[
            pltpu.VMEM((ew,), jnp.int32),
            pltpu.VMEM((ew,), jnp.int32),
            pltpu.VMEM((cg, d), jnp.float32),
            pltpu.VMEM((cg, d), jnp.float32),
            pltpu.SemaphoreType.DMA,
            pltpu.SemaphoreType.DMA,
        ],
    )
    def k(q_hbm, k_hbm, v_hbm, tgt_hbm, src_hbm, qt_hbm, ks_hbm, vs_hbm,
          tidx_v, sidx_v, rows_a, rows_b, sem_a, sem_b):
        base = _worker_id() * ew
        pltpu.sync_copy(tgt_hbm.at[pl.ds(base, ew)], tidx_v)
        pltpu.sync_copy(src_hbm.at[pl.ds(base, ew)], sidx_v)

        def run(tbl, idx_v, out):
            def body(i):
                da = pltpu.async_copy(
                    tbl.at[idx_v.at[pl.ds(i * cg, cg)]], rows_a, sem_a)
                db = pltpu.async_copy(
                    tbl.at[idx_v.at[pl.ds((i + 1) * cg, cg)]], rows_b, sem_b)
                da.wait()
                pltpu.sync_copy(rows_a, out.at[pl.ds(base + i * cg, cg)])
                db.wait()
                pltpu.sync_copy(rows_b, out.at[pl.ds(base + (i + 1) * cg, cg)])

            pl.loop(0, nchunks - 1, step=2)(body)
            if nchunks % 2 == 1:
                i = nchunks - 1
                pltpu.async_copy(
                    tbl.at[idx_v.at[pl.ds(i * cg, cg)]], rows_a, sem_a).wait()
                pltpu.sync_copy(rows_a, out.at[pl.ds(base + i * cg, cg)])

        run(q_hbm, tidx_v, qt_hbm)
        run(k_hbm, sidx_v, ks_hbm)
        run(v_hbm, sidx_v, vs_hbm)

    return k


@functools.lru_cache(maxsize=None)
def _sc_den(n, e):
    cd = 200
    ec = e // NC
    et = ec // NS
    assert et % cd == 0

    @functools.partial(
        pl.kernel,
        out_type=jax.ShapeDtypeStruct((NC, n, 128), jnp.float32),
        mesh=_mesh(),
        scratch_types=[
            pltpu.VMEM((cd,), jnp.int32),
            pltpu.VMEM((cd, 128), jnp.float32),
            pltpu.VMEM_SHARED((n, 128), jnp.float32),
            pltpu.SemaphoreType.DMA,
        ],
    )
    def k(ex_hbm, tgt_hbm, z_hbm, denp_hbm, idx_v, ex_v, acc_sh, sem):
        cid = lax.axis_index("c")
        sid = lax.axis_index("s")

        @pl.when(sid == 0)
        def _():
            pltpu.sync_copy(z_hbm, acc_sh)

        plsc.subcore_barrier()
        base = cid * ec + sid * et

        def body(i):
            off = base + i * cd
            pltpu.sync_copy(tgt_hbm.at[pl.ds(off, cd)], idx_v)
            pltpu.sync_copy(ex_hbm.at[pl.ds(off, cd)], ex_v)
            pltpu.sync_copy(ex_v, acc_sh.at[idx_v], add=True)

        pl.loop(0, et // cd)(body)
        plsc.subcore_barrier()

        @pl.when(sid == 0)
        def _():
            pltpu.sync_copy(acc_sh, denp_hbm.at[cid])

    return k


@functools.lru_cache(maxsize=None)
def _sc_wgather(n, e):
    c6 = 200
    ew = e // NW
    assert ew % c6 == 0

    @functools.partial(
        pl.kernel,
        out_type=jax.ShapeDtypeStruct((e, 16), jnp.float32),
        mesh=_mesh(),
        scratch_types=[
            pltpu.VMEM((c6,), jnp.int32),
            pltpu.VMEM((c6, 16), jnp.float32),
            pltpu.VMEM((c6, 128), jnp.float32),
            pltpu.VMEM((c6, 16), jnp.float32),
            pltpu.SemaphoreType.DMA,
        ],
    )
    def k(denc_hbm, ex_hbm, tgt_hbm, attn_hbm, idx_v, ex_v, den_v, w_v, sem):
        base = _worker_id() * ew

        def body(i):
            off = base + i * c6
            pltpu.sync_copy(tgt_hbm.at[pl.ds(off, c6)], idx_v)
            pltpu.sync_copy(ex_hbm.at[pl.ds(off, c6)], ex_v)
            pltpu.async_copy(denc_hbm.at[idx_v], den_v, sem).wait()

            def row(r):
                w_v[r, :] = ex_v[r, :] / den_v[r, pl.ds(0, 16)]

            pl.loop(0, c6)(row)
            pltpu.sync_copy(w_v, attn_hbm.at[pl.ds(off, c6)])

        pl.loop(0, ew // c6)(body)

    return k


@functools.lru_cache(maxsize=None)
def _sc_scatter_out(n, e, hw):
    c8 = 200
    et = e // NS
    assert et % c8 == 0

    @functools.partial(
        pl.kernel,
        out_type=jax.ShapeDtypeStruct((NC, n, hw), jnp.float32),
        mesh=_mesh(),
        scratch_types=[
            pltpu.VMEM((c8,), jnp.int32),
            pltpu.VMEM((c8, hw), jnp.float32),
            pltpu.VMEM_SHARED((n, hw), jnp.float32),
            pltpu.SemaphoreType.DMA,
        ],
    )
    def k(wv_hbm, tgt_hbm, z_hbm, outp_hbm, idx_v, wv_v, acc_sh, sem):
        cid = lax.axis_index("c")
        sid = lax.axis_index("s")

        @pl.when(sid == 0)
        def _():
            pltpu.sync_copy(z_hbm, acc_sh)

        plsc.subcore_barrier()
        base = sid * et

        def body(i):
            off = base + i * c8
            pltpu.sync_copy(tgt_hbm.at[pl.ds(off, c8)], idx_v)
            pltpu.sync_copy(wv_hbm.at[cid, pl.ds(off, c8)], wv_v)
            pltpu.sync_copy(wv_v, acc_sh.at[idx_v], add=True)

        pl.loop(0, et // c8)(body)
        plsc.subcore_barrier()

        @pl.when(sid == 0)
        def _():
            pltpu.sync_copy(acc_sh, outp_hbm.at[cid])

    return k


def _tc_qkv(x, wqt, wkt, wvt):
    n, d = x.shape
    r = 400
    assert n % r == 0

    def body(x_ref, wq_ref, wk_ref, wv_ref, q_ref, k_ref, v_ref):
        xb = x_ref[...]
        q_ref[...] = jnp.dot(xb, wq_ref[...], preferred_element_type=jnp.float32)
        k_ref[...] = jnp.dot(xb, wk_ref[...], preferred_element_type=jnp.float32)
        v_ref[...] = jnp.dot(xb, wv_ref[...], preferred_element_type=jnp.float32)

    w_spec = pl.BlockSpec((d, d), lambda i: (0, 0))
    rb_spec = pl.BlockSpec((r, d), lambda i: (i, 0))
    sd = jax.ShapeDtypeStruct((n, d), jnp.float32)
    return pl.pallas_call(
        body,
        grid=(n // r,),
        in_specs=[rb_spec, w_spec, w_spec, w_spec],
        out_specs=(rb_spec, rb_spec, rb_spec),
        out_shape=(sd, sd, sd),
    )(x, wqt, wkt, wvt)


def _tc_mlp(edge_attr, w1t, b1, w2t, b2):
    e, ed = edge_attr.shape
    d = w1t.shape[1]
    h = w2t.shape[1]
    r = 1000
    assert e % r == 0

    def body(ea_ref, w1_ref, b1_ref, w2_ref, b2_ref, o_ref):
        hmid = jnp.dot(ea_ref[...], w1_ref[...], preferred_element_type=jnp.float32)
        hmid = hmid + b1_ref[...]
        hmid = hmid * 0.5 * (1.0 + lax.erf(hmid * (2.0 ** -0.5)))
        o_ref[...] = (
            jnp.dot(hmid, w2_ref[...], preferred_element_type=jnp.float32)
            + b2_ref[...]
        )

    return pl.pallas_call(
        body,
        grid=(e // r,),
        in_specs=[
            pl.BlockSpec((r, ed), lambda i: (i, 0)),
            pl.BlockSpec((ed, d), lambda i: (0, 0)),
            pl.BlockSpec((1, d), lambda i: (0, 0)),
            pl.BlockSpec((d, h), lambda i: (0, 0)),
            pl.BlockSpec((1, h), lambda i: (0, 0)),
        ],
        out_specs=pl.BlockSpec((r, h), lambda i: (i, 0)),
        out_shape=jax.ShapeDtypeStruct((e, h), jnp.float32),
    )(edge_attr, w1t, b1, w2t, b2)


def _tc_scores_uv(qt, ks, bias, vs, nheads, scale):
    e, d = qt.shape
    hd = d // nheads
    hw = d // 2
    r = 1000
    assert e % r == 0

    def body(q_ref, k_ref, b_ref, v_ref, ex128_ref, ex16_ref, uv_ref):
        p = q_ref[...] * k_ref[...]
        s = jnp.concatenate(
            [
                jnp.sum(p[:, h * hd:(h + 1) * hd], axis=1, keepdims=True)
                for h in range(nheads)
            ],
            axis=1,
        )
        ex = jnp.exp(s * scale + b_ref[...])
        ex128_ref[...] = jnp.concatenate(
            [ex, jnp.zeros((r, 128 - nheads), jnp.float32)], axis=1
        )
        ex16_ref[...] = jnp.concatenate(
            [ex, jnp.zeros((r, 16 - nheads), jnp.float32)], axis=1
        )
        vb = v_ref[...]
        full = jnp.concatenate(
            [
                vb[:, h * hd:(h + 1) * hd] * ex[:, h:h + 1]
                for h in range(nheads)
            ],
            axis=1,
        )
        uv_ref[...] = jnp.stack([full[:, :hw], full[:, hw:]], axis=0)

    return pl.pallas_call(
        body,
        grid=(e // r,),
        in_specs=[
            pl.BlockSpec((r, d), lambda i: (i, 0)),
            pl.BlockSpec((r, d), lambda i: (i, 0)),
            pl.BlockSpec((r, nheads), lambda i: (i, 0)),
            pl.BlockSpec((r, d), lambda i: (i, 0)),
        ],
        out_specs=(
            pl.BlockSpec((r, 128), lambda i: (i, 0)),
            pl.BlockSpec((r, 16), lambda i: (i, 0)),
            pl.BlockSpec((2, r, hw), lambda i: (0, i, 0)),
        ),
        out_shape=(
            jax.ShapeDtypeStruct((e, 128), jnp.float32),
            jax.ShapeDtypeStruct((e, 16), jnp.float32),
            jax.ShapeDtypeStruct((2, e, hw), jnp.float32),
        ),
    )(qt, ks, bias, vs)


def _tc_dencomb(denp, nheads):
    _, n, wpad = denp.shape
    r = 400
    assert n % r == 0

    def body(dp_ref, dc_ref):
        den = (dp_ref[0] + dp_ref[1])[:, :nheads]
        dc_ref[...] = jnp.concatenate(
            [den, jnp.ones((r, 128 - nheads), jnp.float32)], axis=1
        )

    return pl.pallas_call(
        body,
        grid=(n // r,),
        in_specs=[pl.BlockSpec((2, r, wpad), lambda i: (0, i, 0))],
        out_specs=pl.BlockSpec((r, 128), lambda i: (i, 0)),
        out_shape=jax.ShapeDtypeStruct((n, 128), jnp.float32),
    )(denp)


def _tc_proj(noutp, denp, wt_top, wt_bot, bo, nheads):
    _, n, hw = noutp.shape
    d = wt_top.shape[1]
    hd = d // nheads
    hpc = hw // hd
    r = 400
    assert n % r == 0

    def body(np_ref, dp_ref, wt_ref, wb_ref, bo_ref, o_ref):
        den = dp_ref[0] + dp_ref[1]
        den = jnp.where(den > 0.0, den, 1.0)
        halves = []
        for c in range(2):
            nb = np_ref[c]
            halves.append(
                jnp.concatenate(
                    [
                        nb[:, h * hd:(h + 1) * hd]
                        / den[:, c * hpc + h:c * hpc + h + 1]
                        for h in range(hpc)
                    ],
                    axis=1,
                )
            )
        o_ref[...] = (
            jnp.dot(halves[0], wt_ref[...], preferred_element_type=jnp.float32)
            + jnp.dot(halves[1], wb_ref[...], preferred_element_type=jnp.float32)
            + bo_ref[...]
        )

    return pl.pallas_call(
        body,
        grid=(n // r,),
        in_specs=[
            pl.BlockSpec((2, r, hw), lambda i: (0, i, 0)),
            pl.BlockSpec((2, r, 128), lambda i: (0, i, 0)),
            pl.BlockSpec((hw, d), lambda i: (0, 0)),
            pl.BlockSpec((hw, d), lambda i: (0, 0)),
            pl.BlockSpec((1, d), lambda i: (0, 0)),
        ],
        out_specs=pl.BlockSpec((r, d), lambda i: (i, 0)),
        out_shape=jax.ShapeDtypeStruct((n, d), jnp.float32),
    )(noutp, denp, wt_top, wt_bot, bo)


def kernel(x, edge_index, edge_attr, Wq, Wk, Wv, W1, b1, W2, b2, Wo, bo):
    n, d = x.shape
    e = edge_index.shape[1]
    nheads = W2.shape[0]
    hd = d // nheads
    scale = float(hd) ** -0.5
    hw = d // 2

    src = edge_index[0]
    tgt = edge_index[1]

    q, k, v = _tc_qkv(x, Wq.T, Wk.T, Wv.T)
    bias = _tc_mlp(edge_attr, W1.T, b1[None, :], W2.T, b2[None, :])

    qt, ks, vs = _sc_gather3(n, e, d)(q, k, v, tgt, src)
    ex128, ex16, uv = _tc_scores_uv(qt, ks, bias, vs, nheads, scale)

    z128 = jnp.zeros((n, hw), jnp.float32)
    denp = _sc_den(n, e)(ex128, tgt, z128)
    denc = _tc_dencomb(denp, nheads)
    attn16 = _sc_wgather(n, e)(denc, ex16, tgt)

    noutp = _sc_scatter_out(n, e, hw)(uv, tgt, z128)

    wot = Wo.T
    out = _tc_proj(noutp, denp, wot[:hw], wot[hw:], bo[None, :], nheads)
    return out, attn16[:, :nheads]

# --- scband reference (transcript-rebuilt; emitter-appended) ---
"""Pipeline reference for scband-sparse-multi-head-attention-17849884082434 (READ-ONLY COPY).

The authoritative reference and input builder live on the scoring server;
editing this copy changes nothing except your own understanding.
"""

import jax, jax.numpy as jnp
import numpy as np

N = 10000
E = 160000
D = 256
H = 8
HD = D // H
ED = 16
SCALE = HD ** (-0.5)


def setup_inputs(seed: int = 0) -> dict:
    key = jax.random.key(seed)
    ks = jax.random.split(key, 12)
    x = jax.random.normal(ks[0], (N, D), dtype=jnp.float32)
    edge_index = jax.random.randint(ks[1], (2, E), 0, N, dtype=jnp.int32)
    edge_attr = jax.random.normal(ks[2], (E, ED), dtype=jnp.float32)
    Wq = jax.random.normal(ks[3], (D, D), dtype=jnp.float32) * (D ** -0.5)
    Wk = jax.random.normal(ks[4], (D, D), dtype=jnp.float32) * (D ** -0.5)
    Wv = jax.random.normal(ks[5], (D, D), dtype=jnp.float32) * (D ** -0.5)
    W1 = jax.random.normal(ks[6], (D, ED), dtype=jnp.float32) * (ED ** -0.5)
    b1 = jnp.zeros((D,), dtype=jnp.float32)
    W2 = jax.random.normal(ks[7], (H, D), dtype=jnp.float32) * (D ** -0.5)
    b2 = jnp.zeros((H,), dtype=jnp.float32)
    Wo = jax.random.normal(ks[8], (D, D), dtype=jnp.float32) * (D ** -0.5)
    bo = jnp.zeros((D,), dtype=jnp.float32)
    return {"x": x, "edge_index": edge_index, "edge_attr": edge_attr,
            "Wq": Wq, "Wk": Wk, "Wv": Wv,
            "W1": W1, "b1": b1, "W2": W2, "b2": b2,
            "Wo": Wo, "bo": bo}


def reference(x, edge_index, edge_attr, Wq, Wk, Wv, W1, b1, W2, b2, Wo, bo):
    num_particles = x.shape[0]
    Q = (x @ Wq.T).reshape(num_particles, H, HD)
    K = (x @ Wk.T).reshape(num_particles, H, HD)
    V = (x @ Wv.T).reshape(num_particles, H, HD)
    src = edge_index[0]
    tgt = edge_index[1]
    # per-edge attention scores: (E, H)
    Q_tgt = jnp.take(Q, tgt, axis=0)
    K_src = jnp.take(K, src, axis=0)
    attn_scores = (Q_tgt * K_src).sum(axis=-1) * SCALE
    # edge bias: Linear -> GELU(erf) -> Linear, (E, H)
    h = edge_attr @ W1.T + b1
    h = jax.nn.gelu(h, approximate=False)
    edge_bias = h @ W2.T + b2
    attn_scores = attn_scores + edge_bias
    # scatter_softmax over edges grouped by target node
    seg_max = jax.ops.segment_max(attn_scores, tgt, num_segments=num_particles)
    ex = jnp.exp(attn_scores - jnp.take(seg_max, tgt, axis=0))
    den = jax.ops.segment_sum(ex, tgt, num_segments=num_particles)
    attn_weights = ex / jnp.take(den, tgt, axis=0)
    # weighted aggregation of V
    V_src = jnp.take(V, src, axis=0)
    weighted_V = attn_weights[:, :, None] * V_src
    out = jax.ops.segment_sum(weighted_V, tgt, num_segments=num_particles)
    out = out.reshape(num_particles, D)
    out = out @ Wo.T + bo
    return (out, attn_weights)

if __name__ == "__main__":
    import jax
    _d = setup_inputs()
    print(jax.jit(kernel)(*tuple(_d.values())))

</pallas_src>

<mosaic_0001>
#map = affine_map<(d0, d1) -> (0, 0)>
#map1 = affine_map<(d0, d1) -> (0)>
module attributes {stable_mosaic.version = 14 : i64} {
  func.func @k(%arg0: i32, %arg1: i32, %arg2: memref<10000x256xf32, #tpu.memory_space<hbm>>, %arg3: memref<10000x256xf32, #tpu.memory_space<hbm>>, %arg4: memref<10000x256xf32, #tpu.memory_space<hbm>>, %arg5: memref<160000xi32, #tpu.memory_space<hbm>>, %arg6: memref<160000xi32, #tpu.memory_space<hbm>>, %arg7: memref<160000x256xf32, #tpu.memory_space<hbm>>, %arg8: memref<160000x256xf32, #tpu.memory_space<hbm>>, %arg9: memref<160000x256xf32, #tpu.memory_space<hbm>>, %arg10: memref<5000xi32, #tpu.memory_space<vmem>>, %arg11: memref<5000xi32, #tpu.memory_space<vmem>>, %arg12: memref<200x256xf32, #tpu.memory_space<vmem>>, %arg13: memref<200x256xf32, #tpu.memory_space<vmem>>, %arg14: memref<!tpu.dma_semaphore, #tpu.memory_space<semaphore_mem>>, %arg15: memref<!tpu.dma_semaphore, #tpu.memory_space<semaphore_mem>>) attributes {dimension_semantics = [#tpu.dimension_semantics<core_parallel>, #tpu.dimension_semantics<subcore_parallel>], iteration_bounds = array<i64: 2, 16>, scalar_prefetch = 0 : i64, scratch_operands = 6 : i64, tpu.core_type = #tpu.core_type<sc_vector_subcore>, window_params = [{transform_indices = #map}, {transform_indices = #map}, {transform_indices = #map}, {transform_indices = #map1}, {transform_indices = #map1}, {transform_indices = #map}, {transform_indices = #map}, {transform_indices = #map}]} {
    %mul3A = arith.constant 2 : i32
    %mul3A_0 = arith.muli %arg1, %mul3A : i32
    %add3A = arith.addi %mul3A_0, %arg0 : i32
    %mul3A_1 = arith.constant 5000 : i32
    %mul3A_2 = arith.muli %add3A, %mul3A_1 : i32
    "tpu.region"() ({
      %run_scoped3A = tpu.sem_alloc : memref<!tpu.dma_semaphore, #tpu.memory_space<semaphore_mem>>
      %dma_start3A_51 = tpu.memref_slice %arg5[%mul3A_2] : memref<160000xi32, #tpu.memory_space<hbm>> -> memref<5000xi32, #tpu.memory_space<hbm>>
      %dma_start3A_52 = tpu.memref_slice %arg5[%mul3A_2] : memref<160000xi32, #tpu.memory_space<hbm>> -> memref<5000xi32, #tpu.memory_space<hbm>>
      tpu.enqueue_dma source(%dma_start3A_52 : memref<5000xi32, #tpu.memory_space<hbm>>) target(%arg10 : memref<5000xi32, #tpu.memory_space<vmem>>) target_semaphore(%run_scoped3A : memref<!tpu.dma_semaphore, #tpu.memory_space<semaphore_mem>>)
      %dma_wait3A_53 = tpu.memref_slice %arg5[%mul3A_2] : memref<160000xi32, #tpu.memory_space<hbm>> -> memref<5000xi32, #tpu.memory_space<hbm>>
      %dma_wait3A_54 = tpu.memref_slice %arg5[%mul3A_2] : memref<160000xi32, #tpu.memory_space<hbm>> -> memref<5000xi32, #tpu.memory_space<hbm>>
      tpu.wait_dma2 semaphore(%run_scoped3A : memref<!tpu.dma_semaphore, #tpu.memory_space<semaphore_mem>>) src(%dma_wait3A_54 : memref<5000xi32, #tpu.memory_space<hbm>>) dst(%arg10 : memref<5000xi32, #tpu.memory_space<vmem>>)
      tpu.yield
    }) : () -> ()
    "tpu.region"() ({
      %run_scoped3A = tpu.sem_alloc : memref<!tpu.dma_semaphore, #tpu.memory_space<semaphore_mem>>
      %dma_start3A_51 = tpu.memref_slice %arg6[%mul3A_2] : memref<160000xi32, #tpu.memory_space<hbm>> -> memref<5000xi32, #tpu.memory_space<hbm>>
      %dma_start3A_52 = tpu.memref_slice %arg6[%mul3A_2] : memref<160000xi32, #tpu.memory_space<hbm>> -> memref<5000xi32, #tpu.memory_space<hbm>>
      tpu.enqueue_dma source(%dma_start3A_52 : memref<5000xi32, #tpu.memory_space<hbm>>) target(%arg11 : memref<5000xi32, #tpu.memory_space<vmem>>) target_semaphore(%run_scoped3A : memref<!tpu.dma_semaphore, #tpu.memory_space<semaphore_mem>>)
      %dma_wait3A_53 = tpu.memref_slice %arg6[%mul3A_2] : memref<160000xi32, #tpu.memory_space<hbm>> -> memref<5000xi32, #tpu.memory_space<hbm>>
      %dma_wait3A_54 = tpu.memref_slice %arg6[%mul3A_2] : memref<160000xi32, #tpu.memory_space<hbm>> -> memref<5000xi32, #tpu.memory_space<hbm>>
      tpu.wait_dma2 semaphore(%run_scoped3A : memref<!tpu.dma_semaphore, #tpu.memory_space<semaphore_mem>>) src(%dma_wait3A_54 : memref<5000xi32, #tpu.memory_space<hbm>>) dst(%arg11 : memref<5000xi32, #tpu.memory_space<vmem>>)
      tpu.yield
    }) : () -> ()
    %scan3A = arith.constant 0 : i32
    %scan3A_3 = arith.constant 12 : i32
    %scan3A_4 = arith.addi %scan3A, %scan3A_3 : i32
    %scan3A_5 = arith.constant 1 : i32
    scf.for %scan3A_51 = %scan3A to %scan3A_4 step %scan3A_5  : i32 {
      %mul3A_52 = arith.constant 2 : i32
      %mul3A_53 = arith.muli %scan3A_51, %mul3A_52 : i32
      %add3A_54 = arith.constant 0 : i32
      %add3A_55 = arith.addi %add3A_54, %mul3A_53 : i32
      %mul3A_56 = arith.constant 200 : i32
      %mul3A_57 = arith.muli %add3A_55, %mul3A_56 : i32
      %dma_start3A_58 = tpu.memref_slice %arg10[%mul3A_57] : memref<5000xi32, #tpu.memory_space<vmem>> -> memref<200xi32, #tpu.memory_space<vmem>>
      %dma_start3A_59 = arith.constant 0 : i32
      %dma_start3A_60 = arith.constant 0 : i32
      %dma_start3A_61 = tpu.memref_slice %arg2[%dma_start3A_59, %dma_start3A_60] : memref<10000x256xf32, #tpu.memory_space<hbm>> -> memref<10000x256xf32, #tpu.memory_space<hbm>>
      tpu.enqueue_indirect_dma source(%dma_start3A_61 : memref<10000x256xf32, #tpu.memory_space<hbm>>) target(%arg12 : memref<200x256xf32, #tpu.memory_space<vmem>>) offsets(%dma_start3A_58 : memref<200xi32, #tpu.memory_space<vmem>>) semaphore(%arg14 : memref<!tpu.dma_semaphore, #tpu.memory_space<semaphore_mem>>)
      %add3A_62 = arith.constant 1 : i32
      %add3A_63 = arith.addi %add3A_55, %add3A_62 : i32
      %mul3A_64 = arith.constant 200 : i32
      %mul3A_65 = arith.muli %add3A_63, %mul3A_64 : i32
      %dma_start3A_66 = tpu.memref_slice %arg10[%mul3A_65] : memref<5000xi32, #tpu.memory_space<vmem>> -> memref<200xi32, #tpu.memory_space<vmem>>
      %dma_start3A_67 = arith.constant 0 : i32
      %dma_start3A_68 = arith.constant 0 : i32
      %dma_start3A_69 = tpu.memref_slice %arg2[%dma_start3A_67, %dma_start3A_68] : memref<10000x256xf32, #tpu.memory_space<hbm>> -> memref<10000x256xf32, #tpu.memory_space<hbm>>
      tpu.enqueue_indirect_dma source(%dma_start3A_69 : memref<10000x256xf32, #tpu.memory_space<hbm>>) target(%arg13 : memref<200x256xf32, #tpu.memory_space<vmem>>) offsets(%dma_start3A_66 : memref<200xi32, #tpu.memory_space<vmem>>) semaphore(%arg15 : memref<!tpu.dma_semaphore, #tpu.memory_space<semaphore_mem>>)
      %dma_wait3A_70 = tpu.memref_slice %arg10[%mul3A_57] : memref<5000xi32, #tpu.memory_space<vmem>> -> memref<200xi32, #tpu.memory_space<vmem>>
      %dma_wait3A_71 = arith.constant 0 : i32
      %dma_wait3A_72 = arith.constant 0 : i32
      %dma_wait3A_73 = tpu.memref_slice %arg2[%dma_wait3A_71, %dma_wait3A_72] : memref<10000x256xf32, #tpu.memory_space<hbm>> -> memref<10000x256xf32, #tpu.memory_space<hbm>>
      tpu.wait_indirect_dma semaphore(%arg14 : memref<!tpu.dma_semaphore, #tpu.memory_space<semaphore_mem>>) src(%dma_wait3A_73 : memref<10000x256xf32, #tpu.memory_space<hbm>>) dst(%arg12 : memref<200x256xf32, #tpu.memory_space<vmem>>)
      %mul3A_74 = arith.constant 200 : i32
      %mul3A_75 = arith.muli %add3A_55, %mul3A_74 : i32
      %add3A_76 = arith.addi %mul3A_2, %mul3A_75 : i32
      "tpu.region"() ({
        %run_scoped3A = tpu.sem_alloc : memref<!tpu.dma_semaphore, #tpu.memory_space<semaphore_mem>>
        %dma_start3A_86 = arith.constant 0 : i32
        %dma_start3A_87 = tpu.memref_slice %arg7[%add3A_76, %dma_start3A_86] : memref<160000x256xf32, #tpu.memory_space<hbm>> -> memref<200x256xf32, #tpu.memory_space<hbm>>
        %dma_start3A_88 = arith.constant 0 : i32
        %dma_start3A_89 = tpu.memref_slice %arg7[%add3A_76, %dma_start3A_88] : memref<160000x256xf32, #tpu.memory_space<hbm>> -> memref<200x256xf32, #tpu.memory_space<hbm>>
        tpu.enqueue_dma source(%arg12 : memref<200x256xf32, #tpu.memory_space<vmem>>) target(%dma_start3A_89 : memref<200x256xf32, #tpu.memory_space<hbm>>) target_semaphore(%run_scoped3A : memref<!tpu.dma_semaphore, #tpu.memory_space<semaphore_mem>>)
        %dma_wait3A_90 = arith.constant 0 : i32
        %dma_wait3A_91 = tpu.memref_slice %arg7[%add3A_76, %dma_wait3A_90] : memref<160000x256xf32, #tpu.memory_space<hbm>> -> memref<200x256xf32, #tpu.memory_space<hbm>>
        %dma_wait3A_92 = arith.constant 0 : i32
        %dma_wait3A_93 = tpu.memref_slice %arg7[%add3A_76, %dma_wait3A_92] : memref<160000x256xf32, #tpu.memory_space<hbm>> -> memref<200x256xf32, #tpu.memory_space<hbm>>
        tpu.wait_dma2 semaphore(%run_scoped3A : memref<!tpu.dma_semaphore, #tpu.memory_space<semaphore_mem>>) src(%arg12 : memref<200x256xf32, #tpu.memory_space<vmem>>) dst(%dma_wait3A_93 : memref<200x256xf32, #tpu.memory_space<hbm>>)
        tpu.yield
      }) : () -> ()
      %dma_wait3A_77 = tpu.memref_slice %arg10[%mul3A_65] : memref<5000xi32, #tpu.memory_space<vmem>> -> memref<200xi32, #tpu.memory_space<vmem>>
      %dma_wait3A_78 = arith.constant 0 : i32
      %dma_wait3A_79 = arith.constant 0 : i32
      %dma_wait3A_80 = tpu.memref_slice %arg2[%dma_wait3A_78, %dma_wait3A_79] : memref<10000x256xf32, #tpu.memory_space<hbm>> -> memref<10000x256xf32, #tpu.memory_space<hbm>>
      tpu.wait_indirect_dma semaphore(%arg15 : memref<!tpu.dma_semaphore, #tpu.memory_space<semaphore_mem>>) src(%dma_wait3A_80 : memref<10000x256xf32, #tpu.memory_space<hbm>>) dst(%arg13 : memref<200x256xf32, #tpu.memory_space<vmem>>)
      %add3A_81 = arith.constant 1 : i32
      %add3A_82 = arith.addi %add3A_55, %add3A_81 : i32
      %mul3A_83 = arith.constant 200 : i32
      %mul3A_84 = arith.muli %add3A_82, %mul3A_83 : i32
      %add3A_85 = arith.addi %mul3A_2, %mul3A_84 : i32
      "tpu.region"() ({
        %run_scoped3A = tpu.sem_alloc : memref<!tpu.dma_semaphore, #tpu.memory_space<semaphore_mem>>
        %dma_start3A_86 = arith.constant 0 : i32
        %dma_start3A_87 = tpu.memref_slice %arg7[%add3A_85, %dma_start3A_86] : memref<160000x256xf32, #tpu.memory_space<hbm>> -> memref<200x256xf32, #tpu.memory_space<hbm>>
        %dma_start3A_88 = arith.constant 0 : i32
        %dma_start3A_89 = tpu.memref_slice %arg7[%add3A_85, %dma_start3A_88] : memref<160000x256xf32, #tpu.memory_space<hbm>> -> memref<200x256xf32, #tpu.memory_space<hbm>>
        tpu.enqueue_dma source(%arg13 : memref<200x256xf32, #tpu.memory_space<vmem>>) target(%dma_start3A_89 : memref<200x256xf32, #tpu.memory_space<hbm>>) target_semaphore(%run_scoped3A : memref<!tpu.dma_semaphore, #tpu.memory_space<semaphore_mem>>)
        %dma_wait3A_90 = arith.constant 0 : i32
        %dma_wait3A_91 = tpu.memref_slice %arg7[%add3A_85, %dma_wait3A_90] : memref<160000x256xf32, #tpu.memory_space<hbm>> -> memref<200x256xf32, #tpu.memory_space<hbm>>
        %dma_wait3A_92 = arith.constant 0 : i32
        %dma_wait3A_93 = tpu.memref_slice %arg7[%add3A_85, %dma_wait3A_92] : memref<160000x256xf32, #tpu.memory_space<hbm>> -> memref<200x256xf32, #tpu.memory_space<hbm>>
        tpu.wait_dma2 semaphore(%run_scoped3A : memref<!tpu.dma_semaphore, #tpu.memory_space<semaphore_mem>>) src(%arg13 : memref<200x256xf32, #tpu.memory_space<vmem>>) dst(%dma_wait3A_93 : memref<200x256xf32, #tpu.memory_space<hbm>>)
        tpu.yield
      }) : () -> ()
    }
    %scan3A_6 = arith.constant 12 : i32
    %dma_start3A = arith.constant 4800 : i32
    %dma_start3A_7 = tpu.memref_slice %arg10[%dma_start3A] : memref<5000xi32, #tpu.memory_space<vmem>> -> memref<200xi32, #tpu.memory_space<vmem>>
    %dma_start3A_8 = arith.constant 0 : i32
    %dma_start3A_9 = arith.constant 0 : i32
    %dma_start3A_10 = tpu.memref_slice %arg2[%dma_start3A_8, %dma_start3A_9] : memref<10000x256xf32, #tpu.memory_space<hbm>> -> memref<10000x256xf32, #tpu.memory_space<hbm>>
    tpu.enqueue_indirect_dma source(%dma_start3A_10 : memref<10000x256xf32, #tpu.memory_space<hbm>>) target(%arg12 : memref<200x256xf32, #tpu.memory_space<vmem>>) offsets(%dma_start3A_7 : memref<200xi32, #tpu.memory_space<vmem>>) semaphore(%arg14 : memref<!tpu.dma_semaphore, #tpu.memory_space<semaphore_mem>>)
    %dma_wait3A = arith.constant 4800 : i32
    %dma_wait3A_11 = tpu.memref_slice %arg10[%dma_wait3A] : memref<5000xi32, #tpu.memory_space<vmem>> -> memref<200xi32, #tpu.memory_space<vmem>>
    %dma_wait3A_12 = arith.constant 0 : i32
    %dma_wait3A_13 = arith.constant 0 : i32
    %dma_wait3A_14 = tpu.memref_slice %arg2[%dma_wait3A_12, %dma_wait3A_13] : memref<10000x256xf32, #tpu.memory_space<hbm>> -> memref<10000x256xf32, #tpu.memory_space<hbm>>
    tpu.wait_indirect_dma semaphore(%arg14 : memref<!tpu.dma_semaphore, #tpu.memory_space<semaphore_mem>>) src(%dma_wait3A_14 : memref<10000x256xf32, #tpu.memory_space<hbm>>) dst(%arg12 : memref<200x256xf32, #tpu.memory_space<vmem>>)
    %add3A_15 = arith.constant 4800 : i32
    %add3A_16 = arith.addi %mul3A_2, %add3A_15 : i32
    "tpu.region"() ({
      %run_scoped3A = tpu.sem_alloc : memref<!tpu.dma_semaphore, #tpu.memory_space<semaphore_mem>>
      %dma_start3A_51 = arith.constant 0 : i32
      %dma_start3A_52 = tpu.memref_slice %arg7[%add3A_16, %dma_start3A_51] : memref<160000x256xf32, #tpu.memory_space<hbm>> -> memref<200x256xf32, #tpu.memory_space<hbm>>
      %dma_start3A_53 = arith.constant 0 : i32
      %dma_start3A_54 = tpu.memref_slice %arg7[%add3A_16, %dma_start3A_53] : memref<160000x256xf32, #tpu.memory_space<hbm>> -> memref<200x256xf32, #tpu.memory_space<hbm>>
      tpu.enqueue_dma source(%arg12 : memref<200x256xf32, #tpu.memory_space<vmem>>) target(%dma_start3A_54 : memref<200x256xf32, #tpu.memory_space<hbm>>) target_semaphore(%run_scoped3A : memref<!tpu.dma_semaphore, #tpu.memory_space<semaphore_mem>>)
      %dma_wait3A_55 = arith.constant 0 : i32
      %dma_wait3A_56 = tpu.memref_slice %arg7[%add3A_16, %dma_wait3A_55] : memref<160000x256xf32, #tpu.memory_space<hbm>> -> memref<200x256xf32, #tpu.memory_space<hbm>>
      %dma_wait3A_57 = arith.constant 0 : i32
      %dma_wait3A_58 = tpu.memref_slice %arg7[%add3A_16, %dma_wait3A_57] : memref<160000x256xf32, #tpu.memory_space<hbm>> -> memref<200x256xf32, #tpu.memory_space<hbm>>
      tpu.wait_dma2 semaphore(%run_scoped3A : memref<!tpu.dma_semaphore, #tpu.memory_space<semaphore_mem>>) src(%arg12 : memref<200x256xf32, #tpu.memory_space<vmem>>) dst(%dma_wait3A_58 : memref<200x256xf32, #tpu.memory_space<hbm>>)
      tpu.yield
    }) : () -> ()
    %scan3A_17 = arith.constant 0 : i32
    %scan3A_18 = arith.constant 12 : i32
    %scan3A_19 = arith.addi %scan3A_17, %scan3A_18 : i32
    %scan3A_20 = arith.constant 1 : i32
    scf.for %scan3A_51 = %scan3A_17 to %scan3A_19 step %scan3A_20  : i32 {
      %mul3A_52 = arith.constant 2 : i32
      %mul3A_53 = arith.muli %scan3A_51, %mul3A_52 : i32
      %add3A_54 = arith.constant 0 : i32
      %add3A_55 = arith.addi %add3A_54, %mul3A_53 : i32
      %mul3A_56 = arith.constant 200 : i32
      %mul3A_57 = arith.muli %add3A_55, %mul3A_56 : i32
      %dma_start3A_58 = tpu.memref_slice %arg11[%mul3A_57] : memref<5000xi32, #tpu.memory_space<vmem>> -> memref<200xi32, #tpu.memory_space<vmem>>
      %dma_start3A_59 = arith.constant 0 : i32
      %dma_start3A_60 = arith.constant 0 : i32
      %dma_start3A_61 = tpu.memref_slice %arg3[%dma_start3A_59, %dma_start3A_60] : memref<10000x256xf32, #tpu.memory_space<hbm>> -> memref<10000x256xf32, #tpu.memory_space<hbm>>
      tpu.enqueue_indirect_dma source(%dma_start3A_61 : memref<10000x256xf32, #tpu.memory_space<hbm>>) target(%arg12 : memref<200x256xf32, #tpu.memory_space<vmem>>) offsets(%dma_start3A_58 : memref<200xi32, #tpu.memory_space<vmem>>) semaphore(%arg14 : memref<!tpu.dma_semaphore, #tpu.memory_space<semaphore_mem>>)
      %add3A_62 = arith.constant 1 : i32
      %add3A_63 = arith.addi %add3A_55, %add3A_62 : i32
      %mul3A_64 = arith.constant 200 : i32
      %mul3A_65 = arith.muli %add3A_63, %mul3A_64 : i32
      %dma_start3A_66 = tpu.memref_slice %arg11[%mul3A_65] : memref<5000xi32, #tpu.memory_space<vmem>> -> memref<200xi32, #tpu.memory_space<vmem>>
      %dma_start3A_67 = arith.constant 0 : i32
      %dma_start3A_68 = arith.constant 0 : i32
      %dma_start3A_69 = tpu.memref_slice %arg3[%dma_start3A_67, %dma_start3A_68] : memref<10000x256xf32, #tpu.memory_space<hbm>> -> memref<10000x256xf32, #tpu.memory_space<hbm>>
      tpu.enqueue_indirect_dma source(%dma_start3A_69 : memref<10000x256xf32, #tpu.memory_space<hbm>>) target(%arg13 : memref<200x256xf32, #tpu.memory_space<vmem>>) offsets(%dma_start3A_66 : memref<200xi32, #tpu.memory_space<vmem>>) semaphore(%arg15 : memref<!tpu.dma_semaphore, #tpu.memory_space<semaphore_mem>>)
      %dma_wait3A_70 = tpu.memref_slice %arg11[%mul3A_57] : memref<5000xi32, #tpu.memory_space<vmem>> -> memref<200xi32, #tpu.memory_space<vmem>>
      %dma_wait3A_71 = arith.constant 0 : i32
      %dma_wait3A_72 = arith.constant 0 : i32
      %dma_wait3A_73 = tpu.memref_slice %arg3[%dma_wait3A_71, %dma_wait3A_72] : memref<10000x256xf32, #tpu.memory_space<hbm>> -> memref<10000x256xf32, #tpu.memory_space<hbm>>
      tpu.wait_indirect_dma semaphore(%arg14 : memref<!tpu.dma_semaphore, #tpu.memory_space<semaphore_mem>>) src(%dma_wait3A_73 : memref<10000x256xf32, #tpu.memory_space<hbm>>) dst(%arg12 : memref<200x256xf32, #tpu.memory_space<vmem>>)
      %mul3A_74 = arith.constant 200 : i32
      %mul3A_75 = arith.muli %add3A_55, %mul3A_74 : i32
      %add3A_76 = arith.addi %mul3A_2, %mul3A_75 : i32
      "tpu.region"() ({
        %run_scoped3A = tpu.sem_alloc : memref<!tpu.dma_semaphore, #tpu.memory_space<semaphore_mem>>
        %dma_start3A_86 = arith.constant 0 : i32
        %dma_start3A_87 = tpu.memref_slice %arg8[%add3A_76, %dma_start3A_86] : memref<160000x256xf32, #tpu.memory_space<hbm>> -> memref<200x256xf32, #tpu.memory_space<hbm>>
        %dma_start3A_88 = arith.constant 0 : i32
        %dma_start3A_89 = tpu.memref_slice %arg8[%add3A_76, %dma_start3A_88] : memref<160000x256xf32, #tpu.memory_space<hbm>> -> memref<200x256xf32, #tpu.memory_space<hbm>>
        tpu.enqueue_dma source(%arg12 : memref<200x256xf32, #tpu.memory_space<vmem>>) target(%dma_start3A_89 : memref<200x256xf32, #tpu.memory_space<hbm>>) target_semaphore(%run_scoped3A : memref<!tpu.dma_semaphore, #tpu.memory_space<semaphore_mem>>)
        %dma_wait3A_90 = arith.constant 0 : i32
        %dma_wait3A_91 = tpu.memref_slice %arg8[%add3A_76, %dma_wait3A_90] : memref<160000x256xf32, #tpu.memory_space<hbm>> -> memref<200x256xf32, #tpu.memory_space<hbm>>
        %dma_wait3A_92 = arith.constant 0 : i32
        %dma_wait3A_93 = tpu.memref_slice %arg8[%add3A_76, %dma_wait3A_92] : memref<160000x256xf32, #tpu.memory_space<hbm>> -> memref<200x256xf32, #tpu.memory_space<hbm>>
        tpu.wait_dma2 semaphore(%run_scoped3A : memref<!tpu.dma_semaphore, #tpu.memory_space<semaphore_mem>>) src(%arg12 : memref<200x256xf32, #tpu.memory_space<vmem>>) dst(%dma_wait3A_93 : memref<200x256xf32, #tpu.memory_space<hbm>>)
        tpu.yield
      }) : () -> ()
      %dma_wait3A_77 = tpu.memref_slice %arg11[%mul3A_65] : memref<5000xi32, #tpu.memory_space<vmem>> -> memref<200xi32, #tpu.memory_space<vmem>>
      %dma_wait3A_78 = arith.constant 0 : i32
      %dma_wait3A_79 = arith.constant 0 : i32
      %dma_wait3A_80 = tpu.memref_slice %arg3[%dma_wait3A_78, %dma_wait3A_79] : memref<10000x256xf32, #tpu.memory_space<hbm>> -> memref<10000x256xf32, #tpu.memory_space<hbm>>
      tpu.wait_indirect_dma semaphore(%arg15 : memref<!tpu.dma_semaphore, #tpu.memory_space<semaphore_mem>>) src(%dma_wait3A_80 : memref<10000x256xf32, #tpu.memory_space<hbm>>) dst(%arg13 : memref<200x256xf32, #tpu.memory_space<vmem>>)
      %add3A_81 = arith.constant 1 : i32
      %add3A_82 = arith.addi %add3A_55, %add3A_81 : i32
      %mul3A_83 = arith.constant 200 : i32
      %mul3A_84 = arith.muli %add3A_82, %mul3A_83 : i32
      %add3A_85 = arith.addi %mul3A_2, %mul3A_84 : i32
      "tpu.region"() ({
        %run_scoped3A = tpu.sem_alloc : memref<!tpu.dma_semaphore, #tpu.memory_space<semaphore_mem>>
        %dma_start3A_86 = arith.constant 0 : i32
        %dma_start3A_87 = tpu.memref_slice %arg8[%add3A_85, %dma_start3A_86] : memref<160000x256xf32, #tpu.memory_space<hbm>> -> memref<200x256xf32, #tpu.memory_space<hbm>>
        %dma_start3A_88 = arith.constant 0 : i32
        %dma_start3A_89 = tpu.memref_slice %arg8[%add3A_85, %dma_start3A_88] : memref<160000x256xf32, #tpu.memory_space<hbm>> -> memref<200x256xf32, #tpu.memory_space<hbm>>
        tpu.enqueue_dma source(%arg13 : memref<200x256xf32, #tpu.memory_space<vmem>>) target(%dma_start3A_89 : memref<200x256xf32, #tpu.memory_space<hbm>>) target_semaphore(%run_scoped3A : memref<!tpu.dma_semaphore, #tpu.memory_space<semaphore_mem>>)
        %dma_wait3A_90 = arith.constant 0 : i32
        %dma_wait3A_91 = tpu.memref_slice %arg8[%add3A_85, %dma_wait3A_90] : memref<160000x256xf32, #tpu.memory_space<hbm>> -> memref<200x256xf32, #tpu.memory_space<hbm>>
        %dma_wait3A_92 = arith.constant 0 : i32
        %dma_wait3A_93 = tpu.memref_slice %arg8[%add3A_85, %dma_wait3A_92] : memref<160000x256xf32, #tpu.memory_space<hbm>> -> memref<200x256xf32, #tpu.memory_space<hbm>>
        tpu.wait_dma2 semaphore(%run_scoped3A : memref<!tpu.dma_semaphore, #tpu.memory_space<semaphore_mem>>) src(%arg13 : memref<200x256xf32, #tpu.memory_space<vmem>>) dst(%dma_wait3A_93 : memref<200x256xf32, #tpu.memory_space<hbm>>)
        tpu.yield
      }) : () -> ()
    }
    %scan3A_21 = arith.constant 12 : i32
    %dma_start3A_22 = arith.constant 4800 : i32
    %dma_start3A_23 = tpu.memref_slice %arg11[%dma_start3A_22] : memref<5000xi32, #tpu.memory_space<vmem>> -> memref<200xi32, #tpu.memory_space<vmem>>
    %dma_start3A_24 = arith.constant 0 : i32
    %dma_start3A_25 = arith.constant 0 : i32
    %dma_start3A_26 = tpu.memref_slice %arg3[%dma_start3A_24, %dma_start3A_25] : memref<10000x256xf32, #tpu.memory_space<hbm>> -> memref<10000x256xf32, #tpu.memory_space<hbm>>
    tpu.enqueue_indirect_dma source(%dma_start3A_26 : memref<10000x256xf32, #tpu.memory_space<hbm>>) target(%arg12 : memref<200x256xf32, #tpu.memory_space<vmem>>) offsets(%dma_start3A_23 : memref<200xi32, #tpu.memory_space<vmem>>) semaphore(%arg14 : memref<!tpu.dma_semaphore, #tpu.memory_space<semaphore_mem>>)
    %dma_wait3A_27 = arith.constant 4800 : i32
    %dma_wait3A_28 = tpu.memref_slice %arg11[%dma_wait3A_27] : memref<5000xi32, #tpu.memory_space<vmem>> -> memref<200xi32, #tpu.memory_space<vmem>>
    %dma_wait3A_29 = arith.constant 0 : i32
    %dma_wait3A_30 = arith.constant 0 : i32
    %dma_wait3A_31 = tpu.memref_slice %arg3[%dma_wait3A_29, %dma_wait3A_30] : memref<10000x256xf32, #tpu.memory_space<hbm>> -> memref<10000x256xf32, #tpu.memory_space<hbm>>
    tpu.wait_indirect_dma semaphore(%arg14 : memref<!tpu.dma_semaphore, #tpu.memory_space<semaphore_mem>>) src(%dma_wait3A_31 : memref<10000x256xf32, #tpu.memory_space<hbm>>) dst(%arg12 : memref<200x256xf32, #tpu.memory_space<vmem>>)
    %add3A_32 = arith.constant 4800 : i32
    %add3A_33 = arith.addi %mul3A_2, %add3A_32 : i32
    "tpu.region"() ({
      %run_scoped3A = tpu.sem_alloc : memref<!tpu.dma_semaphore, #tpu.memory_space<semaphore_mem>>
      %dma_start3A_51 = arith.constant 0 : i32
      %dma_start3A_52 = tpu.memref_slice %arg8[%add3A_33, %dma_start3A_51] : memref<160000x256xf32, #tpu.memory_space<hbm>> -> memref<200x256xf32, #tpu.memory_space<hbm>>
      %dma_start3A_53 = arith.constant 0 : i32
      %dma_start3A_54 = tpu.memref_slice %arg8[%add3A_33, %dma_start3A_53] : memref<160000x256xf32, #tpu.memory_space<hbm>> -> memref<200x256xf32, #tpu.memory_space<hbm>>
      tpu.enqueue_dma source(%arg12 : memref<200x256xf32, #tpu.memory_space<vmem>>) target(%dma_start3A_54 : memref<200x256xf32, #tpu.memory_space<hbm>>) target_semaphore(%run_scoped3A : memref<!tpu.dma_semaphore, #tpu.memory_space<semaphore_mem>>)
      %dma_wait3A_55 = arith.constant 0 : i32
      %dma_wait3A_56 = tpu.memref_slice %arg8[%add3A_33, %dma_wait3A_55] : memref<160000x256xf32, #tpu.memory_space<hbm>> -> memref<200x256xf32, #tpu.memory_space<hbm>>
      %dma_wait3A_57 = arith.constant 0 : i32
      %dma_wait3A_58 = tpu.memref_slice %arg8[%add3A_33, %dma_wait3A_57] : memref<160000x256xf32, #tpu.memory_space<hbm>> -> memref<200x256xf32, #tpu.memory_space<hbm>>
      tpu.wait_dma2 semaphore(%run_scoped3A : memref<!tpu.dma_semaphore, #tpu.memory_space<semaphore_mem>>) src(%arg12 : memref<200x256xf32, #tpu.memory_space<vmem>>) dst(%dma_wait3A_58 : memref<200x256xf32, #tpu.memory_space<hbm>>)
      tpu.yield
    }) : () -> ()
    %scan3A_34 = arith.constant 0 : i32
    %scan3A_35 = arith.constant 12 : i32
    %scan3A_36 = arith.addi %scan3A_34, %scan3A_35 : i32
    %scan3A_37 = arith.constant 1 : i32
    scf.for %scan3A_51 = %scan3A_34 to %scan3A_36 step %scan3A_37  : i32 {
      %mul3A_52 = arith.constant 2 : i32
      %mul3A_53 = arith.muli %scan3A_51, %mul3A_52 : i32
      %add3A_54 = arith.constant 0 : i32
      %add3A_55 = arith.addi %add3A_54, %mul3A_53 : i32
      %mul3A_56 = arith.constant 200 : i32
      %mul3A_57 = arith.muli %add3A_55, %mul3A_56 : i32
      %dma_start3A_58 = tpu.memref_slice %arg11[%mul3A_57] : memref<5000xi32, #tpu.memory_space<vmem>> -> memref<200xi32, #tpu.memory_space<vmem>>
      %dma_start3A_59 = arith.constant 0 : i32
      %dma_start3A_60 = arith.constant 0 : i32
      %dma_start3A_61 = tpu.memref_slice %arg4[%dma_start3A_59, %dma_start3A_60] : memref<10000x256xf32, #tpu.memory_space<hbm>> -> memref<10000x256xf32, #tpu.memory_space<hbm>>
      tpu.enqueue_indirect_dma source(%dma_start3A_61 : memref<10000x256xf32, #tpu.memory_space<hbm>>) target(%arg12 : memref<200x256xf32, #tpu.memory_space<vmem>>) offsets(%dma_start3A_58 : memref<200xi32, #tpu.memory_space<vmem>>) semaphore(%arg14 : memref<!tpu.dma_semaphore, #tpu.memory_space<semaphore_mem>>)
      %add3A_62 = arith.constant 1 : i32
      %add3A_63 = arith.addi %add3A_55, %add3A_62 : i32
      %mul3A_64 = arith.constant 200 : i32
      %mul3A_65 = arith.muli %add3A_63, %mul3A_64 : i32
      %dma_start3A_66 = tpu.memref_slice %arg11[%mul3A_65] : memref<5000xi32, #tpu.memory_space<vmem>> -> memref<200xi32, #tpu.memory_space<vmem>>
      %dma_start3A_67 = arith.constant 0 : i32
      %dma_start3A_68 = arith.constant 0 : i32
      %dma_start3A_69 = tpu.memref_slice %arg4[%dma_start3A_67, %dma_start3A_68] : memref<10000x256xf32, #tpu.memory_space<hbm>> -> memref<10000x256xf32, #tpu.memory_space<hbm>>
      tpu.enqueue_indirect_dma source(%dma_start3A_69 : memref<10000x256xf32, #tpu.memory_space<hbm>>) target(%arg13 : memref<200x256xf32, #tpu.memory_space<vmem>>) offsets(%dma_start3A_66 : memref<200xi32, #tpu.memory_space<vmem>>) semaphore(%arg15 : memref<!tpu.dma_semaphore, #tpu.memory_space<semaphore_mem>>)
      %dma_wait3A_70 = tpu.memref_slice %arg11[%mul3A_57] : memref<5000xi32, #tpu.memory_space<vmem>> -> memref<200xi32, #tpu.memory_space<vmem>>
      %dma_wait3A_71 = arith.constant 0 : i32
      %dma_wait3A_72 = arith.constant 0 : i32
      %dma_wait3A_73 = tpu.memref_slice %arg4[%dma_wait3A_71, %dma_wait3A_72] : memref<10000x256xf32, #tpu.memory_space<hbm>> -> memref<10000x256xf32, #tpu.memory_space<hbm>>
      tpu.wait_indirect_dma semaphore(%arg14 : memref<!tpu.dma_semaphore, #tpu.memory_space<semaphore_mem>>) src(%dma_wait3A_73 : memref<10000x256xf32, #tpu.memory_space<hbm>>) dst(%arg12 : memref<200x256xf32, #tpu.memory_space<vmem>>)
      %mul3A_74 = arith.constant 200 : i32
      %mul3A_75 = arith.muli %add3A_55, %mul3A_74 : i32
      %add3A_76 = arith.addi %mul3A_2, %mul3A_75 : i32
      "tpu.region"() ({
        %run_scoped3A = tpu.sem_alloc : memref<!tpu.dma_semaphore, #tpu.memory_space<semaphore_mem>>
        %dma_start3A_86 = arith.constant 0 : i32
        %dma_start3A_87 = tpu.memref_slice %arg9[%add3A_76, %dma_start3A_86] : memref<160000x256xf32, #tpu.memory_space<hbm>> -> memref<200x256xf32, #tpu.memory_space<hbm>>
        %dma_start3A_88 = arith.constant 0 : i32
        %dma_start3A_89 = tpu.memref_slice %arg9[%add3A_76, %dma_start3A_88] : memref<160000x256xf32, #tpu.memory_space<hbm>> -> memref<200x256xf32, #tpu.memory_space<hbm>>
        tpu.enqueue_dma source(%arg12 : memref<200x256xf32, #tpu.memory_space<vmem>>) target(%dma_start3A_89 : memref<200x256xf32, #tpu.memory_space<hbm>>) target_semaphore(%run_scoped3A : memref<!tpu.dma_semaphore, #tpu.memory_space<semaphore_mem>>)
        %dma_wait3A_90 = arith.constant 0 : i32
        %dma_wait3A_91 = tpu.memref_slice %arg9[%add3A_76, %dma_wait3A_90] : memref<160000x256xf32, #tpu.memory_space<hbm>> -> memref<200x256xf32, #tpu.memory_space<hbm>>
        %dma_wait3A_92 = arith.constant 0 : i32
        %dma_wait3A_93 = tpu.memref_slice %arg9[%add3A_76, %dma_wait3A_92] : memref<160000x256xf32, #tpu.memory_space<hbm>> -> memref<200x256xf32, #tpu.memory_space<hbm>>
        tpu.wait_dma2 semaphore(%run_scoped3A : memref<!tpu.dma_semaphore, #tpu.memory_space<semaphore_mem>>) src(%arg12 : memref<200x256xf32, #tpu.memory_space<vmem>>) dst(%dma_wait3A_93 : memref<200x256xf32, #tpu.memory_space<hbm>>)
        tpu.yield
      }) : () -> ()
      %dma_wait3A_77 = tpu.memref_slice %arg11[%mul3A_65] : memref<5000xi32, #tpu.memory_space<vmem>> -> memref<200xi32, #tpu.memory_space<vmem>>
      %dma_wait3A_78 = arith.constant 0 : i32
      %dma_wait3A_79 = arith.constant 0 : i32
      %dma_wait3A_80 = tpu.memref_slice %arg4[%dma_wait3A_78, %dma_wait3A_79] : memref<10000x256xf32, #tpu.memory_space<hbm>> -> memref<10000x256xf32, #tpu.memory_space<hbm>>
      tpu.wait_indirect_dma semaphore(%arg15 : memref<!tpu.dma_semaphore, #tpu.memory_space<semaphore_mem>>) src(%dma_wait3A_80 : memref<10000x256xf32, #tpu.memory_space<hbm>>) dst(%arg13 : memref<200x256xf32, #tpu.memory_space<vmem>>)
      %add3A_81 = arith.constant 1 : i32
      %add3A_82 = arith.addi %add3A_55, %add3A_81 : i32
      %mul3A_83 = arith.constant 200 : i32
      %mul3A_84 = arith.muli %add3A_82, %mul3A_83 : i32
      %add3A_85 = arith.addi %mul3A_2, %mul3A_84 : i32
      "tpu.region"() ({
        %run_scoped3A = tpu.sem_alloc : memref<!tpu.dma_semaphore, #tpu.memory_space<semaphore_mem>>
        %dma_start3A_86 = arith.constant 0 : i32
        %dma_start3A_87 = tpu.memref_slice %arg9[%add3A_85, %dma_start3A_86] : memref<160000x256xf32, #tpu.memory_space<hbm>> -> memref<200x256xf32, #tpu.memory_space<hbm>>
        %dma_start3A_88 = arith.constant 0 : i32
        %dma_start3A_89 = tpu.memref_slice %arg9[%add3A_85, %dma_start3A_88] : memref<160000x256xf32, #tpu.memory_space<hbm>> -> memref<200x256xf32, #tpu.memory_space<hbm>>
        tpu.enqueue_dma source(%arg13 : memref<200x256xf32, #tpu.memory_space<vmem>>) target(%dma_start3A_89 : memref<200x256xf32, #tpu.memory_space<hbm>>) target_semaphore(%run_scoped3A : memref<!tpu.dma_semaphore, #tpu.memory_space<semaphore_mem>>)
        %dma_wait3A_90 = arith.constant 0 : i32
        %dma_wait3A_91 = tpu.memref_slice %arg9[%add3A_85, %dma_wait3A_90] : memref<160000x256xf32, #tpu.memory_space<hbm>> -> memref<200x256xf32, #tpu.memory_space<hbm>>
        %dma_wait3A_92 = arith.constant 0 : i32
        %dma_wait3A_93 = tpu.memref_slice %arg9[%add3A_85, %dma_wait3A_92] : memref<160000x256xf32, #tpu.memory_space<hbm>> -> memref<200x256xf32, #tpu.memory_space<hbm>>
        tpu.wait_dma2 semaphore(%run_scoped3A : memref<!tpu.dma_semaphore, #tpu.memory_space<semaphore_mem>>) src(%arg13 : memref<200x256xf32, #tpu.memory_space<vmem>>) dst(%dma_wait3A_93 : memref<200x256xf32, #tpu.memory_space<hbm>>)
        tpu.yield
      }) : () -> ()
    }
    %scan3A_38 = arith.constant 12 : i32
    %dma_start3A_39 = arith.constant 4800 : i32
    %dma_start3A_40 = tpu.memref_slice %arg11[%dma_start3A_39] : memref<5000xi32, #tpu.memory_space<vmem>> -> memref<200xi32, #tpu.memory_space<vmem>>
    %dma_start3A_41 = arith.constant 0 : i32
    %dma_start3A_42 = arith.constant 0 : i32
    %dma_start3A_43 = tpu.memref_slice %arg4[%dma_start3A_41, %dma_start3A_42] : memref<10000x256xf32, #tpu.memory_space<hbm>> -> memref<10000x256xf32, #tpu.memory_space<hbm>>
    tpu.enqueue_indirect_dma source(%dma_start3A_43 : memref<10000x256xf32, #tpu.memory_space<hbm>>) target(%arg12 : memref<200x256xf32, #tpu.memory_space<vmem>>) offsets(%dma_start3A_40 : memref<200xi32, #tpu.memory_space<vmem>>) semaphore(%arg14 : memref<!tpu.dma_semaphore, #tpu.memory_space<semaphore_mem>>)
    %dma_wait3A_44 = arith.constant 4800 : i32
    %dma_wait3A_45 = tpu.memref_slice %arg11[%dma_wait3A_44] : memref<5000xi32, #tpu.memory_space<vmem>> -> memref<200xi32, #tpu.memory_space<vmem>>
    %dma_wait3A_46 = arith.constant 0 : i32
    %dma_wait3A_47 = arith.constant 0 : i32
    %dma_wait3A_48 = tpu.memref_slice %arg4[%dma_wait3A_46, %dma_wait3A_47] : memref<10000x256xf32, #tpu.memory_space<hbm>> -> memref<10000x256xf32, #tpu.memory_space<hbm>>
    tpu.wait_indirect_dma semaphore(%arg14 : memref<!tpu.dma_semaphore, #tpu.memory_space<semaphore_mem>>) src(%dma_wait3A_48 : memref<10000x256xf32, #tpu.memory_space<hbm>>) dst(%arg12 : memref<200x256xf32, #tpu.memory_space<vmem>>)
    %add3A_49 = arith.constant 4800 : i32
    %add3A_50 = arith.addi %mul3A_2, %add3A_49 : i32
    "tpu.region"() ({
      %run_scoped3A = tpu.sem_alloc : memref<!tpu.dma_semaphore, #tpu.memory_space<semaphore_mem>>
      %dma_start3A_51 = arith.constant 0 : i32
      %dma_start3A_52 = tpu.memref_slice %arg9[%add3A_50, %dma_start3A_51] : memref<160000x256xf32, #tpu.memory_space<hbm>> -> memref<200x256xf32, #tpu.memory_space<hbm>>
      %dma_start3A_53 = arith.constant 0 : i32
      %dma_start3A_54 = tpu.memref_slice %arg9[%add3A_50, %dma_start3A_53] : memref<160000x256xf32, #tpu.memory_space<hbm>> -> memref<200x256xf32, #tpu.memory_space<hbm>>
      tpu.enqueue_dma source(%arg12 : memref<200x256xf32, #tpu.memory_space<vmem>>) target(%dma_start3A_54 : memref<200x256xf32, #tpu.memory_space<hbm>>) target_semaphore(%run_scoped3A : memref<!tpu.dma_semaphore, #tpu.memory_space<semaphore_mem>>)
      %dma_wait3A_55 = arith.constant 0 : i32
      %dma_wait3A_56 = tpu.memref_slice %arg9[%add3A_50, %dma_wait3A_55] : memref<160000x256xf32, #tpu.memory_space<hbm>> -> memref<200x256xf32, #tpu.memory_space<hbm>>
      %dma_wait3A_57 = arith.constant 0 : i32
      %dma_wait3A_58 = tpu.memref_slice %arg9[%add3A_50, %dma_wait3A_57] : memref<160000x256xf32, #tpu.memory_space<hbm>> -> memref<200x256xf32, #tpu.memory_space<hbm>>
      tpu.wait_dma2 semaphore(%run_scoped3A : memref<!tpu.dma_semaphore, #tpu.memory_space<semaphore_mem>>) src(%arg12 : memref<200x256xf32, #tpu.memory_space<vmem>>) dst(%dma_wait3A_58 : memref<200x256xf32, #tpu.memory_space<hbm>>)
      tpu.yield
    }) : () -> ()
    return
  }
}

#map = affine_map<(d0, d1) -> (0, 0, 0)>
#map1 = affine_map<(d0, d1) -> (0)>
#map2 = affine_map<(d0, d1) -> (0, 0)>
module attributes {stable_mosaic.version = 14 : i64} {
  func.func @k(%arg0: i32, %arg1: i32, %arg2: memref<2x160000x128xf32, #tpu.memory_space<hbm>>, %arg3: memref<160000xi32, #tpu.memory_space<hbm>>, %arg4: memref<10000x128xf32, #tpu.memory_space<hbm>>, %arg5: memref<2x10000x128xf32, #tpu.memory_space<hbm>>, %arg6: memref<200xi32, #tpu.memory_space<vmem>>, %arg7: memref<200x128xf32, #tpu.memory_space<vmem>>, %arg8: memref<10000x128xf32, #tpu.memory_space<vmem_shared>>, %arg9: memref<!tpu.dma_semaphore, #tpu.memory_space<semaphore_mem>>) attributes {dimension_semantics = [#tpu.dimension_semantics<core_parallel>, #tpu.dimension_semantics<subcore_parallel>], iteration_bounds = array<i64: 2, 16>, scalar_prefetch = 0 : i64, scratch_operands = 4 : i64, tpu.core_type = #tpu.core_type<sc_vector_subcore>, window_params = [{transform_indices = #map}, {transform_indices = #map1}, {transform_indices = #map2}, {transform_indices = #map}]} {
    %eq3A = arith.constant 0 : i32
    %eq3A_0 = arith.cmpi eq, %arg1, %eq3A : i32
    %convert_element_type3A = arith.extui %eq3A_0 : i1 to i32
    %cond3A = arith.constant 0 : i32
    %cond3A_1 = arith.cmpi ne, %convert_element_type3A, %cond3A : i32
    scf.if %cond3A_1 {
      "tpu.region"() ({
        %run_scoped3A = tpu.sem_alloc : memref<!tpu.dma_semaphore, #tpu.memory_space<semaphore_mem>>
        tpu.enqueue_dma source(%arg4 : memref<10000x128xf32, #tpu.memory_space<hbm>>) target(%arg8 : memref<10000x128xf32, #tpu.memory_space<vmem_shared>>) target_semaphore(%run_scoped3A : memref<!tpu.dma_semaphore, #tpu.memory_space<semaphore_mem>>)
        tpu.wait_dma2 semaphore(%run_scoped3A : memref<!tpu.dma_semaphore, #tpu.memory_space<semaphore_mem>>) src(%arg4 : memref<10000x128xf32, #tpu.memory_space<hbm>>) dst(%arg8 : memref<10000x128xf32, #tpu.memory_space<vmem_shared>>)
        tpu.yield
      }) : () -> ()
    } else {
    }
    %barrier3A = arith.constant 0 : index
    tpu.barrier barrier_id(%barrier3A)
    %mul3A = arith.constant 10000 : i32
    %mul3A_2 = arith.muli %arg1, %mul3A : i32
    %scan3A = arith.constant 0 : i32
    %scan3A_3 = arith.constant 50 : i32
    %scan3A_4 = arith.addi %scan3A, %scan3A_3 : i32
    %scan3A_5 = arith.constant 1 : i32
    scf.for %scan3A_13 = %scan3A to %scan3A_4 step %scan3A_5  : i32 {
      %mul3A_14 = arith.constant 1 : i32
      %mul3A_15 = arith.muli %scan3A_13, %mul3A_14 : i32
      %add3A = arith.constant 0 : i32
      %add3A_16 = arith.addi %add3A, %mul3A_15 : i32
      %mul3A_17 = arith.constant 200 : i32
      %mul3A_18 = arith.muli %add3A_16, %mul3A_17 : i32
      %add3A_19 = arith.addi %mul3A_2, %mul3A_18 : i32
      "tpu.region"() ({
        %run_scoped3A = tpu.sem_alloc : memref<!tpu.dma_semaphore, #tpu.memory_space<semaphore_mem>>
        %dma_start3A = tpu.memref_slice %arg3[%add3A_19] : memref<160000xi32, #tpu.memory_space<hbm>> -> memref<200xi32, #tpu.memory_space<hbm>>
        %dma_start3A_20 = tpu.memref_slice %arg3[%add3A_19] : memref<160000xi32, #tpu.memory_space<hbm>> -> memref<200xi32, #tpu.memory_space<hbm>>
        tpu.enqueue_dma source(%dma_start3A_20 : memref<200xi32, #tpu.memory_space<hbm>>) target(%arg6 : memref<200xi32, #tpu.memory_space<vmem>>) target_semaphore(%run_scoped3A : memref<!tpu.dma_semaphore, #tpu.memory_space<semaphore_mem>>)
        %dma_wait3A = tpu.memref_slice %arg3[%add3A_19] : memref<160000xi32, #tpu.memory_space<hbm>> -> memref<200xi32, #tpu.memory_space<hbm>>
        %dma_wait3A_21 = tpu.memref_slice %arg3[%add3A_19] : memref<160000xi32, #tpu.memory_space<hbm>> -> memref<200xi32, #tpu.memory_space<hbm>>
        tpu.wait_dma2 semaphore(%run_scoped3A : memref<!tpu.dma_semaphore, #tpu.memory_space<semaphore_mem>>) src(%dma_wait3A_21 : memref<200xi32, #tpu.memory_space<hbm>>) dst(%arg6 : memref<200xi32, #tpu.memory_space<vmem>>)
        tpu.yield
      }) : () -> ()
      "tpu.region"() ({
        %run_scoped3A = tpu.sem_alloc : memref<!tpu.dma_semaphore, #tpu.memory_space<semaphore_mem>>
        %dma_start3A = arith.constant 0 : i32
        %dma_start3A_20 = tpu.memref_slice %arg2[%arg0, %add3A_19, %dma_start3A] : memref<2x160000x128xf32, #tpu.memory_space<hbm>> -> memref<1x200x128xf32, #tpu.memory_space<hbm>>
        %dma_start3A_21 = tpu.memref_squeeze %dma_start3A_20 : memref<1x200x128xf32, #tpu.memory_space<hbm>> -> memref<200x128xf32, #tpu.memory_space<hbm>>
        %dma_start3A_22 = arith.constant 0 : i32
        %dma_start3A_23 = tpu.memref_slice %arg2[%arg0, %add3A_19, %dma_start3A_22] : memref<2x160000x128xf32, #tpu.memory_space<hbm>> -> memref<1x200x128xf32, #tpu.memory_space<hbm>>
        %dma_start3A_24 = tpu.memref_squeeze %dma_start3A_23 : memref<1x200x128xf32, #tpu.memory_space<hbm>> -> memref<200x128xf32, #tpu.memory_space<hbm>>
        tpu.enqueue_dma source(%dma_start3A_24 : memref<200x128xf32, #tpu.memory_space<hbm>>) target(%arg7 : memref<200x128xf32, #tpu.memory_space<vmem>>) target_semaphore(%run_scoped3A : memref<!tpu.dma_semaphore, #tpu.memory_space<semaphore_mem>>)
        %dma_wait3A = arith.constant 0 : i32
        %dma_wait3A_25 = tpu.memref_slice %arg2[%arg0, %add3A_19, %dma_wait3A] : memref<2x160000x128xf32, #tpu.memory_space<hbm>> -> memref<1x200x128xf32, #tpu.memory_space<hbm>>
        %dma_wait3A_26 = tpu.memref_squeeze %dma_wait3A_25 : memref<1x200x128xf32, #tpu.memory_space<hbm>> -> memref<200x128xf32, #tpu.memory_space<hbm>>
        %dma_wait3A_27 = arith.constant 0 : i32
        %dma_wait3A_28 = tpu.memref_slice %arg2[%arg0, %add3A_19, %dma_wait3A_27] : memref<2x160000x128xf32, #tpu.memory_space<hbm>> -> memref<1x200x128xf32, #tpu.memory_space<hbm>>
        %dma_wait3A_29 = tpu.memref_squeeze %dma_wait3A_28 : memref<1x200x128xf32, #tpu.memory_space<hbm>> -> memref<200x128xf32, #tpu.memory_space<hbm>>
        tpu.wait_dma2 semaphore(%run_scoped3A : memref<!tpu.dma_semaphore, #tpu.memory_space<semaphore_mem>>) src(%dma_wait3A_29 : memref<200x128xf32, #tpu.memory_space<hbm>>) dst(%arg7 : memref<200x128xf32, #tpu.memory_space<vmem>>)
        tpu.yield
      }) : () -> ()
      "tpu.region"() ({
        %run_scoped3A = tpu.sem_alloc : memref<!tpu.dma_semaphore, #tpu.memory_space<semaphore_mem>>
        %dma_start3A = arith.constant 0 : i32
        %dma_start3A_20 = arith.constant 0 : i32
        %dma_start3A_21 = tpu.memref_slice %arg8[%dma_start3A, %dma_start3A_20] : memref<10000x128xf32, #tpu.memory_space<vmem_shared>> -> memref<10000x128xf32, #tpu.memory_space<vmem_shared>>
        tpu.enqueue_indirect_dma source(%arg7 : memref<200x128xf32, #tpu.memory_space<vmem>>) target(%dma_start3A_21 : memref<10000x128xf32, #tpu.memory_space<vmem_shared>>) offsets(%arg6 : memref<200xi32, #tpu.memory_space<vmem>>) semaphore(%run_scoped3A : memref<!tpu.dma_semaphore, #tpu.memory_space<semaphore_mem>>) {add = true}
        %dma_wait3A = arith.constant 0 : i32
        %dma_wait3A_22 = arith.constant 0 : i32
        %dma_wait3A_23 = tpu.memref_slice %arg8[%dma_wait3A, %dma_wait3A_22] : memref<10000x128xf32, #tpu.memory_space<vmem_shared>> -> memref<10000x128xf32, #tpu.memory_space<vmem_shared>>
        tpu.wait_indirect_dma semaphore(%run_scoped3A : memref<!tpu.dma_semaphore, #tpu.memory_space<semaphore_mem>>) src(%arg7 : memref<200x128xf32, #tpu.memory_space<vmem>>) dst(%dma_wait3A_23 : memref<10000x128xf32, #tpu.memory_space<vmem_shared>>)
        tpu.yield
      }) : () -> ()
    }
    %scan3A_6 = arith.constant 50 : i32
    %barrier3A_7 = arith.constant 0 : index
    tpu.barrier barrier_id(%barrier3A_7)
    %eq3A_8 = arith.constant 0 : i32
    %eq3A_9 = arith.cmpi eq, %arg1, %eq3A_8 : i32
    %convert_element_type3A_10 = arith.extui %eq3A_9 : i1 to i32
    %cond3A_11 = arith.constant 0 : i32
    %cond3A_12 = arith.cmpi ne, %convert_element_type3A_10, %cond3A_11 : i32
    scf.if %cond3A_12 {
      "tpu.region"() ({
        %run_scoped3A = tpu.sem_alloc : memref<!tpu.dma_semaphore, #tpu.memory_space<semaphore_mem>>
        %dma_start3A = arith.constant 0 : i32
        %dma_start3A_13 = arith.constant 0 : i32
        %dma_start3A_14 = tpu.memref_slice %arg5[%arg0, %dma_start3A, %dma_start3A_13] : memref<2x10000x128xf32, #tpu.memory_space<hbm>> -> memref<1x10000x128xf32, #tpu.memory_space<hbm>>
        %dma_start3A_15 = tpu.memref_squeeze %dma_start3A_14 : memref<1x10000x128xf32, #tpu.memory_space<hbm>> -> memref<10000x128xf32, #tpu.memory_space<hbm>>
        tpu.enqueue_dma source(%arg8 : memref<10000x128xf32, #tpu.memory_space<vmem_shared>>) target(%dma_start3A_15 : memref<10000x128xf32, #tpu.memory_space<hbm>>) target_semaphore(%run_scoped3A : memref<!tpu.dma_semaphore, #tpu.memory_space<semaphore_mem>>)
        %dma_wait3A = arith.constant 0 : i32
        %dma_wait3A_16 = arith.constant 0 : i32
        %dma_wait3A_17 = tpu.memref_slice %arg5[%arg0, %dma_wait3A, %dma_wait3A_16] : memref<2x10000x128xf32, #tpu.memory_space<hbm>> -> memref<1x10000x128xf32, #tpu.memory_space<hbm>>
        %dma_wait3A_18 = tpu.memref_squeeze %dma_wait3A_17 : memref<1x10000x128xf32, #tpu.memory_space<hbm>> -> memref<10000x128xf32, #tpu.memory_space<hbm>>
        tpu.wait_dma2 semaphore(%run_scoped3A : memref<!tpu.dma_semaphore, #tpu.memory_space<semaphore_mem>>) src(%arg8 : memref<10000x128xf32, #tpu.memory_space<vmem_shared>>) dst(%dma_wait3A_18 : memref<10000x128xf32, #tpu.memory_space<hbm>>)
        tpu.yield
      }) : () -> ()
    } else {
    }
    return
  }
}

#map = affine_map<(d0, d1) -> (0, 0)>
#map1 = affine_map<(d0, d1) -> (0)>
module attributes {stable_mosaic.version = 14 : i64} {
  func.func @k(%arg0: i32, %arg1: i32, %arg2: memref<10000x128xf32, #tpu.memory_space<hbm>>, %arg3: memref<160000x16xf32, #tpu.memory_space<hbm>>, %arg4: memref<160000xi32, #tpu.memory_space<hbm>>, %arg5: memref<160000x16xf32, #tpu.memory_space<hbm>>, %arg6: memref<200xi32, #tpu.memory_space<vmem>>, %arg7: memref<200x16xf32, #tpu.memory_space<vmem>>, %arg8: memref<200x128xf32, #tpu.memory_space<vmem>>, %arg9: memref<200x16xf32, #tpu.memory_space<vmem>>, %arg10: memref<!tpu.dma_semaphore, #tpu.memory_space<semaphore_mem>>) attributes {dimension_semantics = [#tpu.dimension_semantics<core_parallel>, #tpu.dimension_semantics<subcore_parallel>], iteration_bounds = array<i64: 2, 16>, scalar_prefetch = 0 : i64, scratch_operands = 5 : i64, tpu.core_type = #tpu.core_type<sc_vector_subcore>, window_params = [{transform_indices = #map}, {transform_indices = #map}, {transform_indices = #map1}, {transform_indices = #map}]} {
    %mul3A = arith.constant 2 : i32
    %mul3A_0 = arith.muli %arg1, %mul3A : i32
    %add3A = arith.addi %mul3A_0, %arg0 : i32
    %mul3A_1 = arith.constant 5000 : i32
    %mul3A_2 = arith.muli %add3A, %mul3A_1 : i32
    %scan3A = arith.constant 0 : i32
    %scan3A_3 = arith.constant 25 : i32
    %scan3A_4 = arith.addi %scan3A, %scan3A_3 : i32
    %scan3A_5 = arith.constant 1 : i32
    scf.for %scan3A_7 = %scan3A to %scan3A_4 step %scan3A_5  : i32 {
      %mul3A_8 = arith.constant 1 : i32
      %mul3A_9 = arith.muli %scan3A_7, %mul3A_8 : i32
      %add3A_10 = arith.constant 0 : i32
      %add3A_11 = arith.addi %add3A_10, %mul3A_9 : i32
      %mul3A_12 = arith.constant 200 : i32
      %mul3A_13 = arith.muli %add3A_11, %mul3A_12 : i32
      %add3A_14 = arith.addi %mul3A_2, %mul3A_13 : i32
      "tpu.region"() ({
        %run_scoped3A = tpu.sem_alloc : memref<!tpu.dma_semaphore, #tpu.memory_space<semaphore_mem>>
        %dma_start3A_24 = tpu.memref_slice %arg4[%add3A_14] : memref<160000xi32, #tpu.memory_space<hbm>> -> memref<200xi32, #tpu.memory_space<hbm>>
        %dma_start3A_25 = tpu.memref_slice %arg4[%add3A_14] : memref<160000xi32, #tpu.memory_space<hbm>> -> memref<200xi32, #tpu.memory_space<hbm>>
        tpu.enqueue_dma source(%dma_start3A_25 : memref<200xi32, #tpu.memory_space<hbm>>) target(%arg6 : memref<200xi32, #tpu.memory_space<vmem>>) target_semaphore(%run_scoped3A : memref<!tpu.dma_semaphore, #tpu.memory_space<semaphore_mem>>)
        %dma_wait3A_26 = tpu.memref_slice %arg4[%add3A_14] : memref<160000xi32, #tpu.memory_space<hbm>> -> memref<200xi32, #tpu.memory_space<hbm>>
        %dma_wait3A_27 = tpu.memref_slice %arg4[%add3A_14] : memref<160000xi32, #tpu.memory_space<hbm>> -> memref<200xi32, #tpu.memory_space<hbm>>
        tpu.wait_dma2 semaphore(%run_scoped3A : memref<!tpu.dma_semaphore, #tpu.memory_space<semaphore_mem>>) src(%dma_wait3A_27 : memref<200xi32, #tpu.memory_space<hbm>>) dst(%arg6 : memref<200xi32, #tpu.memory_space<vmem>>)
        tpu.yield
      }) : () -> ()
      "tpu.region"() ({
        %run_scoped3A = tpu.sem_alloc : memref<!tpu.dma_semaphore, #tpu.memory_space<semaphore_mem>>
        %dma_start3A_24 = arith.constant 0 : i32
        %dma_start3A_25 = tpu.memref_slice %arg3[%add3A_14, %dma_start3A_24] : memref<160000x16xf32, #tpu.memory_space<hbm>> -> memref<200x16xf32, #tpu.memory_space<hbm>>
        %dma_start3A_26 = arith.constant 0 : i32
        %dma_start3A_27 = tpu.memref_slice %arg3[%add3A_14, %dma_start3A_26] : memref<160000x16xf32, #tpu.memory_space<hbm>> -> memref<200x16xf32, #tpu.memory_space<hbm>>
        tpu.enqueue_dma source(%dma_start3A_27 : memref<200x16xf32, #tpu.memory_space<hbm>>) target(%arg7 : memref<200x16xf32, #tpu.memory_space<vmem>>) target_semaphore(%run_scoped3A : memref<!tpu.dma_semaphore, #tpu.memory_space<semaphore_mem>>)
        %dma_wait3A_28 = arith.constant 0 : i32
        %dma_wait3A_29 = tpu.memref_slice %arg3[%add3A_14, %dma_wait3A_28] : memref<160000x16xf32, #tpu.memory_space<hbm>> -> memref<200x16xf32, #tpu.memory_space<hbm>>
        %dma_wait3A_30 = arith.constant 0 : i32
        %dma_wait3A_31 = tpu.memref_slice %arg3[%add3A_14, %dma_wait3A_30] : memref<160000x16xf32, #tpu.memory_space<hbm>> -> memref<200x16xf32, #tpu.memory_space<hbm>>
        tpu.wait_dma2 semaphore(%run_scoped3A : memref<!tpu.dma_semaphore, #tpu.memory_space<semaphore_mem>>) src(%dma_wait3A_31 : memref<200x16xf32, #tpu.memory_space<hbm>>) dst(%arg7 : memref<200x16xf32, #tpu.memory_space<vmem>>)
        tpu.yield
      }) : () -> ()
      %dma_start3A = arith.constant 0 : i32
      %dma_start3A_15 = arith.constant 0 : i32
      %dma_start3A_16 = tpu.memref_slice %arg2[%dma_start3A, %dma_start3A_15] : memref<10000x128xf32, #tpu.memory_space<hbm>> -> memref<10000x128xf32, #tpu.memory_space<hbm>>
      tpu.enqueue_indirect_dma source(%dma_start3A_16 : memref<10000x128xf32, #tpu.memory_space<hbm>>) target(%arg8 : memref<200x128xf32, #tpu.memory_space<vmem>>) offsets(%arg6 : memref<200xi32, #tpu.memory_space<vmem>>) semaphore(%arg10 : memref<!tpu.dma_semaphore, #tpu.memory_space<semaphore_mem>>)
      %dma_wait3A = arith.constant 0 : i32
      %dma_wait3A_17 = arith.constant 0 : i32
      %dma_wait3A_18 = tpu.memref_slice %arg2[%dma_wait3A, %dma_wait3A_17] : memref<10000x128xf32, #tpu.memory_space<hbm>> -> memref<10000x128xf32, #tpu.memory_space<hbm>>
      tpu.wait_indirect_dma semaphore(%arg10 : memref<!tpu.dma_semaphore, #tpu.memory_space<semaphore_mem>>) src(%dma_wait3A_18 : memref<10000x128xf32, #tpu.memory_space<hbm>>) dst(%arg8 : memref<200x128xf32, #tpu.memory_space<vmem>>)
      %scan3A_19 = arith.constant 0 : i32
      %scan3A_20 = arith.constant 200 : i32
      %scan3A_21 = arith.addi %scan3A_19, %scan3A_20 : i32
      %scan3A_22 = arith.constant 1 : i32
      scf.for %scan3A_24 = %scan3A_19 to %scan3A_21 step %scan3A_22  : i32 {
        %mul3A_25 = arith.constant 1 : i32
        %mul3A_26 = arith.muli %scan3A_24, %mul3A_25 : i32
        %add3A_27 = arith.constant 0 : i32
        %add3A_28 = arith.addi %add3A_27, %mul3A_26 : i32
        %get3A = arith.index_cast %add3A_28 : i32 to index
        %get3A_29 = arith.constant 0 : index
        %get3A_30 = tpu.vector_load %arg7[%get3A, %get3A_29] {strides = array<i32>} : memref<200x16xf32, #tpu.memory_space<vmem>>, vector<1x16xf32>,
        %get3A_31 = vector.shape_cast %get3A_30 : vector<1x16xf32> to vector<16xf32>
        %get3A_32 = arith.index_cast %add3A_28 : i32 to index
        %get3A_33 = arith.constant 0 : index
        %get3A_34 = tpu.vector_load %arg8[%get3A_32, %get3A_33] {strides = array<i32>} : memref<200x128xf32, #tpu.memory_space<vmem>>, vector<1x16xf32>,
        %get3A_35 = vector.shape_cast %get3A_34 : vector<1x16xf32> to vector<16xf32>
        %div3A = arith.divf %get3A_31, %get3A_35 : vector<16xf32>
        %swap3A = arith.index_cast %add3A_28 : i32 to index
        %swap3A_36 = arith.constant 0 : index
        %swap3A_37 = tpu.vector_load %arg9[%swap3A, %swap3A_36] {strides = array<i32>} : memref<200x16xf32, #tpu.memory_space<vmem>>, vector<1x16xf32>,
        %swap3A_38 = vector.shape_cast %swap3A_37 : vector<1x16xf32> to vector<16xf32>
        %swap3A_39 = vector.shape_cast %div3A : vector<16xf32> to vector<1x16xf32>
        tpu.vector_store %arg9[%swap3A, %swap3A_36], %swap3A_39 {strides = array<i32>} : memref<200x16xf32, #tpu.memory_space<vmem>>, vector<1x16xf32>,
      }
      %scan3A_23 = arith.constant 200 : i32
      "tpu.region"() ({
        %run_scoped3A = tpu.sem_alloc : memref<!tpu.dma_semaphore, #tpu.memory_space<semaphore_mem>>
        %dma_start3A_24 = arith.constant 0 : i32
        %dma_start3A_25 = tpu.memref_slice %arg5[%add3A_14, %dma_start3A_24] : memref<160000x16xf32, #tpu.memory_space<hbm>> -> memref<200x16xf32, #tpu.memory_space<hbm>>
        %dma_start3A_26 = arith.constant 0 : i32
        %dma_start3A_27 = tpu.memref_slice %arg5[%add3A_14, %dma_start3A_26] : memref<160000x16xf32, #tpu.memory_space<hbm>> -> memref<200x16xf32, #tpu.memory_space<hbm>>
        tpu.enqueue_dma source(%arg9 : memref<200x16xf32, #tpu.memory_space<vmem>>) target(%dma_start3A_27 : memref<200x16xf32, #tpu.memory_space<hbm>>) target_semaphore(%run_scoped3A : memref<!tpu.dma_semaphore, #tpu.memory_space<semaphore_mem>>)
        %dma_wait3A_28 = arith.constant 0 : i32
        %dma_wait3A_29 = tpu.memref_slice %arg5[%add3A_14, %dma_wait3A_28] : memref<160000x16xf32, #tpu.memory_space<hbm>> -> memref<200x16xf32, #tpu.memory_space<hbm>>
        %dma_wait3A_30 = arith.constant 0 : i32
        %dma_wait3A_31 = tpu.memref_slice %arg5[%add3A_14, %dma_wait3A_30] : memref<160000x16xf32, #tpu.memory_space<hbm>> -> memref<200x16xf32, #tpu.memory_space<hbm>>
        tpu.wait_dma2 semaphore(%run_scoped3A : memref<!tpu.dma_semaphore, #tpu.memory_space<semaphore_mem>>) src(%arg9 : memref<200x16xf32, #tpu.memory_space<vmem>>) dst(%dma_wait3A_31 : memref<200x16xf32, #tpu.memory_space<hbm>>)
        tpu.yield
      }) : () -> ()
    }
    %scan3A_6 = arith.constant 25 : i32
    return
  }
}

#map = affine_map<(d0, d1) -> (0, 0)>
#map1 = affine_map<(d0, d1) -> (0)>
#map2 = affine_map<(d0, d1) -> (0, 0, 0)>
module attributes {stable_mosaic.version = 14 : i64} {
  func.func @k(%arg0: i32, %arg1: i32, %arg2: memref<160000x128xf32, #tpu.memory_space<hbm>>, %arg3: memref<160000xi32, #tpu.memory_space<hbm>>, %arg4: memref<10000x128xf32, #tpu.memory_space<hbm>>, %arg5: memref<2x10000x128xf32, #tpu.memory_space<hbm>>, %arg6: memref<200xi32, #tpu.memory_space<vmem>>, %arg7: memref<200x128xf32, #tpu.memory_space<vmem>>, %arg8: memref<10000x128xf32, #tpu.memory_space<vmem_shared>>, %arg9: memref<!tpu.dma_semaphore, #tpu.memory_space<semaphore_mem>>) attributes {dimension_semantics = [#tpu.dimension_semantics<core_parallel>, #tpu.dimension_semantics<subcore_parallel>], iteration_bounds = array<i64: 2, 16>, scalar_prefetch = 0 : i64, scratch_operands = 4 : i64, tpu.core_type = #tpu.core_type<sc_vector_subcore>, window_params = [{transform_indices = #map}, {transform_indices = #map1}, {transform_indices = #map}, {transform_indices = #map2}]} {
    %eq3A = arith.constant 0 : i32
    %eq3A_0 = arith.cmpi eq, %arg1, %eq3A : i32
    %convert_element_type3A = arith.extui %eq3A_0 : i1 to i32
    %cond3A = arith.constant 0 : i32
    %cond3A_1 = arith.cmpi ne, %convert_element_type3A, %cond3A : i32
    scf.if %cond3A_1 {
      "tpu.region"() ({
        %run_scoped3A = tpu.sem_alloc : memref<!tpu.dma_semaphore, #tpu.memory_space<semaphore_mem>>
        tpu.enqueue_dma source(%arg4 : memref<10000x128xf32, #tpu.memory_space<hbm>>) target(%arg8 : memref<10000x128xf32, #tpu.memory_space<vmem_shared>>) target_semaphore(%run_scoped3A : memref<!tpu.dma_semaphore, #tpu.memory_space<semaphore_mem>>)
        tpu.wait_dma2 semaphore(%run_scoped3A : memref<!tpu.dma_semaphore, #tpu.memory_space<semaphore_mem>>) src(%arg4 : memref<10000x128xf32, #tpu.memory_space<hbm>>) dst(%arg8 : memref<10000x128xf32, #tpu.memory_space<vmem_shared>>)
        tpu.yield
      }) : () -> ()
    } else {
    }
    %barrier3A = arith.constant 0 : index
    tpu.barrier barrier_id(%barrier3A)
    %mul3A = arith.constant 80000 : i32
    %mul3A_2 = arith.muli %arg0, %mul3A : i32
    %mul3A_3 = arith.constant 5000 : i32
    %mul3A_4 = arith.muli %arg1, %mul3A_3 : i32
    %add3A = arith.addi %mul3A_2, %mul3A_4 : i32
    %scan3A = arith.constant 0 : i32
    %scan3A_5 = arith.constant 25 : i32
    %scan3A_6 = arith.addi %scan3A, %scan3A_5 : i32
    %scan3A_7 = arith.constant 1 : i32
    scf.for %scan3A_15 = %scan3A to %scan3A_6 step %scan3A_7  : i32 {
      %mul3A_16 = arith.constant 1 : i32
      %mul3A_17 = arith.muli %scan3A_15, %mul3A_16 : i32
      %add3A_18 = arith.constant 0 : i32
      %add3A_19 = arith.addi %add3A_18, %mul3A_17 : i32
      %mul3A_20 = arith.constant 200 : i32
      %mul3A_21 = arith.muli %add3A_19, %mul3A_20 : i32
      %add3A_22 = arith.addi %add3A, %mul3A_21 : i32
      "tpu.region"() ({
        %run_scoped3A = tpu.sem_alloc : memref<!tpu.dma_semaphore, #tpu.memory_space<semaphore_mem>>
        %dma_start3A = tpu.memref_slice %arg3[%add3A_22] : memref<160000xi32, #tpu.memory_space<hbm>> -> memref<200xi32, #tpu.memory_space<hbm>>
        %dma_start3A_23 = tpu.memref_slice %arg3[%add3A_22] : memref<160000xi32, #tpu.memory_space<hbm>> -> memref<200xi32, #tpu.memory_space<hbm>>
        tpu.enqueue_dma source(%dma_start3A_23 : memref<200xi32, #tpu.memory_space<hbm>>) target(%arg6 : memref<200xi32, #tpu.memory_space<vmem>>) target_semaphore(%run_scoped3A : memref<!tpu.dma_semaphore, #tpu.memory_space<semaphore_mem>>)
        %dma_wait3A = tpu.memref_slice %arg3[%add3A_22] : memref<160000xi32, #tpu.memory_space<hbm>> -> memref<200xi32, #tpu.memory_space<hbm>>
        %dma_wait3A_24 = tpu.memref_slice %arg3[%add3A_22] : memref<160000xi32, #tpu.memory_space<hbm>> -> memref<200xi32, #tpu.memory_space<hbm>>
        tpu.wait_dma2 semaphore(%run_scoped3A : memref<!tpu.dma_semaphore, #tpu.memory_space<semaphore_mem>>) src(%dma_wait3A_24 : memref<200xi32, #tpu.memory_space<hbm>>) dst(%arg6 : memref<200xi32, #tpu.memory_space<vmem>>)
        tpu.yield
      }) : () -> ()
      "tpu.region"() ({
        %run_scoped3A = tpu.sem_alloc : memref<!tpu.dma_semaphore, #tpu.memory_space<semaphore_mem>>
        %dma_start3A = arith.constant 0 : i32
        %dma_start3A_23 = tpu.memref_slice %arg2[%add3A_22, %dma_start3A] : memref<160000x128xf32, #tpu.memory_space<hbm>> -> memref<200x128xf32, #tpu.memory_space<hbm>>
        %dma_start3A_24 = arith.constant 0 : i32
        %dma_start3A_25 = tpu.memref_slice %arg2[%add3A_22, %dma_start3A_24] : memref<160000x128xf32, #tpu.memory_space<hbm>> -> memref<200x128xf32, #tpu.memory_space<hbm>>
        tpu.enqueue_dma source(%dma_start3A_25 : memref<200x128xf32, #tpu.memory_space<hbm>>) target(%arg7 : memref<200x128xf32, #tpu.memory_space<vmem>>) target_semaphore(%run_scoped3A : memref<!tpu.dma_semaphore, #tpu.memory_space<semaphore_mem>>)
        %dma_wait3A = arith.constant 0 : i32
        %dma_wait3A_26 = tpu.memref_slice %arg2[%add3A_22, %dma_wait3A] : memref<160000x128xf32, #tpu.memory_space<hbm>> -> memref<200x128xf32, #tpu.memory_space<hbm>>
        %dma_wait3A_27 = arith.constant 0 : i32
        %dma_wait3A_28 = tpu.memref_slice %arg2[%add3A_22, %dma_wait3A_27] : memref<160000x128xf32, #tpu.memory_space<hbm>> -> memref<200x128xf32, #tpu.memory_space<hbm>>
        tpu.wait_dma2 semaphore(%run_scoped3A : memref<!tpu.dma_semaphore, #tpu.memory_space<semaphore_mem>>) src(%dma_wait3A_28 : memref<200x128xf32, #tpu.memory_space<hbm>>) dst(%arg7 : memref<200x128xf32, #tpu.memory_space<vmem>>)
        tpu.yield
      }) : () -> ()
      "tpu.region"() ({
        %run_scoped3A = tpu.sem_alloc : memref<!tpu.dma_semaphore, #tpu.memory_space<semaphore_mem>>
        %dma_start3A = arith.constant 0 : i32
        %dma_start3A_23 = arith.constant 0 : i32
        %dma_start3A_24 = tpu.memref_slice %arg8[%dma_start3A, %dma_start3A_23] : memref<10000x128xf32, #tpu.memory_space<vmem_shared>> -> memref<10000x128xf32, #tpu.memory_space<vmem_shared>>
        tpu.enqueue_indirect_dma source(%arg7 : memref<200x128xf32, #tpu.memory_space<vmem>>) target(%dma_start3A_24 : memref<10000x128xf32, #tpu.memory_space<vmem_shared>>) offsets(%arg6 : memref<200xi32, #tpu.memory_space<vmem>>) semaphore(%run_scoped3A : memref<!tpu.dma_semaphore, #tpu.memory_space<semaphore_mem>>) {add = true}
        %dma_wait3A = arith.constant 0 : i32
        %dma_wait3A_25 = arith.constant 0 : i32
        %dma_wait3A_26 = tpu.memref_slice %arg8[%dma_wait3A, %dma_wait3A_25] : memref<10000x128xf32, #tpu.memory_space<vmem_shared>> -> memref<10000x128xf32, #tpu.memory_space<vmem_shared>>
        tpu.wait_indirect_dma semaphore(%run_scoped3A : memref<!tpu.dma_semaphore, #tpu.memory_space<semaphore_mem>>) src(%arg7 : memref<200x128xf32, #tpu.memory_space<vmem>>) dst(%dma_wait3A_26 : memref<10000x128xf32, #tpu.memory_space<vmem_shared>>)
        tpu.yield
      }) : () -> ()
    }
    %scan3A_8 = arith.constant 25 : i32
    %barrier3A_9 = arith.constant 0 : index
    tpu.barrier barrier_id(%barrier3A_9)
    %eq3A_10 = arith.constant 0 : i32
    %eq3A_11 = arith.cmpi eq, %arg1, %eq3A_10 : i32
    %convert_element_type3A_12 = arith.extui %eq3A_11 : i1 to i32
    %cond3A_13 = arith.constant 0 : i32
    %cond3A_14 = arith.cmpi ne, %convert_element_type3A_12, %cond3A_13 : i32
    scf.if %cond3A_14 {
      "tpu.region"() ({
        %run_scoped3A = tpu.sem_alloc : memref<!tpu.dma_semaphore, #tpu.memory_space<semaphore_mem>>
        %dma_start3A = arith.constant 0 : i32
        %dma_start3A_15 = arith.constant 0 : i32
        %dma_start3A_16 = tpu.memref_slice %arg5[%arg0, %dma_start3A, %dma_start3A_15] : memref<2x10000x128xf32, #tpu.memory_space<hbm>> -> memref<1x10000x128xf32, #tpu.memory_space<hbm>>
        %dma_start3A_17 = tpu.memref_squeeze %dma_start3A_16 : memref<1x10000x128xf32, #tpu.memory_space<hbm>> -> memref<10000x128xf32, #tpu.memory_space<hbm>>
        tpu.enqueue_dma source(%arg8 : memref<10000x128xf32, #tpu.memory_space<vmem_shared>>) target(%dma_start3A_17 : memref<10000x128xf32, #tpu.memory_space<hbm>>) target_semaphore(%run_scoped3A : memref<!tpu.dma_semaphore, #tpu.memory_space<semaphore_mem>>)
        %dma_wait3A = arith.constant 0 : i32
        %dma_wait3A_18 = arith.constant 0 : i32
        %dma_wait3A_19 = tpu.memref_slice %arg5[%arg0, %dma_wait3A, %dma_wait3A_18] : memref<2x10000x128xf32, #tpu.memory_space<hbm>> -> memref<1x10000x128xf32, #tpu.memory_space<hbm>>
        %dma_wait3A_20 = tpu.memref_squeeze %dma_wait3A_19 : memref<1x10000x128xf32, #tpu.memory_space<hbm>> -> memref<10000x128xf32, #tpu.memory_space<hbm>>
        tpu.wait_dma2 semaphore(%run_scoped3A : memref<!tpu.dma_semaphore, #tpu.memory_space<semaphore_mem>>) src(%arg8 : memref<10000x128xf32, #tpu.memory_space<vmem_shared>>) dst(%dma_wait3A_20 : memref<10000x128xf32, #tpu.memory_space<hbm>>)
        tpu.yield
      }) : () -> ()
    } else {
    }
    return
  }
}

module attributes {stable_mosaic.version = 14 : i64} {
  func.func @body(%arg0: i32, %arg1: memref<400x256xf32, #tpu.memory_space<vmem>>, %arg2: memref<256x256xf32, #tpu.memory_space<vmem>>, %arg3: memref<256x256xf32, #tpu.memory_space<vmem>>, %arg4: memref<256x256xf32, #tpu.memory_space<vmem>>, %arg5: memref<400x256xf32, #tpu.memory_space<vmem>>, %arg6: memref<400x256xf32, #tpu.memory_space<vmem>>, %arg7: memref<400x256xf32, #tpu.memory_space<vmem>>) attributes {dimension_semantics = [#tpu.dimension_semantics<arbitrary>], iteration_bounds = array<i64: 25>, scalar_prefetch = 0 : i64, scratch_operands = 0 : i64, tpu.core_type = #tpu.core_type<tc>, window_params = [{transform_indices = @transform_0, window_bounds = array<i64: 400, 256>}, {pipeline_mode = #tpu.pipeline_mode<synchronous>, transform_indices = @transform_1, window_bounds = array<i64: 256, 256>}, {pipeline_mode = #tpu.pipeline_mode<synchronous>, transform_indices = @transform_2, window_bounds = array<i64: 256, 256>}, {pipeline_mode = #tpu.pipeline_mode<synchronous>, transform_indices = @transform_3, window_bounds = array<i64: 256, 256>}, {transform_indices = @transform_4, window_bounds = array<i64: 400, 256>}, {transform_indices = @transform_5, window_bounds = array<i64: 400, 256>}, {transform_indices = @transform_6, window_bounds = array<i64: 400, 256>}]} {
    %get3A = arith.constant 0 : index
    %get3A_0 = arith.constant 0 : index
    %get3A_1 = vector.load %arg1[%get3A, %get3A_0] : memref<400x256xf32, #tpu.memory_space<vmem>>, vector<400x256xf32>
    %get3A_2 = arith.constant 0 : index
    %get3A_3 = arith.constant 0 : index
    %get3A_4 = vector.load %arg2[%get3A_2, %get3A_3] : memref<256x256xf32, #tpu.memory_space<vmem>>, vector<256x256xf32>
    %dot_general3A = arith.constant dense<0.000000e+00> : vector<400x256xf32>
    %dot_general3A_5 = tpu.matmul %get3A_1, %get3A_4, %dot_general3A {dimension_numbers = #tpu.dot_dimension_numbers<[1], [0], [0], [1], [0, 0, 1, 1], [], []>, transpose_lhs_hint = false} : vector<400x256xf32>, vector<256x256xf32>, vector<400x256xf32> -> vector<400x256xf32>
    %swap3A = arith.constant 0 : index
    %swap3A_6 = arith.constant 0 : index
    %swap3A_7 = vector.load %arg5[%swap3A, %swap3A_6] : memref<400x256xf32, #tpu.memory_space<vmem>>, vector<400x256xf32>
    tpu.vector_store %arg5[%swap3A, %swap3A_6], %dot_general3A_5 {strides = array<i32>} : memref<400x256xf32, #tpu.memory_space<vmem>>, vector<400x256xf32>,
    %get3A_8 = arith.constant 0 : index
    %get3A_9 = arith.constant 0 : index
    %get3A_10 = vector.load %arg3[%get3A_8, %get3A_9] : memref<256x256xf32, #tpu.memory_space<vmem>>, vector<256x256xf32>
    %dot_general3A_11 = arith.constant dense<0.000000e+00> : vector<400x256xf32>
    %dot_general3A_12 = tpu.matmul %get3A_1, %get3A_10, %dot_general3A_11 {dimension_numbers = #tpu.dot_dimension_numbers<[1], [0], [0], [1], [0, 0, 1, 1], [], []>, transpose_lhs_hint = false} : vector<400x256xf32>, vector<256x256xf32>, vector<400x256xf32> -> vector<400x256xf32>
    %swap3A_13 = arith.constant 0 : index
    %swap3A_14 = arith.constant 0 : index
    %swap3A_15 = vector.load %arg6[%swap3A_13, %swap3A_14] : memref<400x256xf32, #tpu.memory_space<vmem>>, vector<400x256xf32>
    tpu.vector_store %arg6[%swap3A_13, %swap3A_14], %dot_general3A_12 {strides = array<i32>} : memref<400x256xf32, #tpu.memory_space<vmem>>, vector<400x256xf32>,
    %get3A_16 = arith.constant 0 : index
    %get3A_17 = arith.constant 0 : index
    %get3A_18 = vector.load %arg4[%get3A_16, %get3A_17] : memref<256x256xf32, #tpu.memory_space<vmem>>, vector<256x256xf32>
    %dot_general3A_19 = arith.constant dense<0.000000e+00> : vector<400x256xf32>
    %dot_general3A_20 = tpu.matmul %get3A_1, %get3A_18, %dot_general3A_19 {dimension_numbers = #tpu.dot_dimension_numbers<[1], [0], [0], [1], [0, 0, 1, 1], [], []>, transpose_lhs_hint = false} : vector<400x256xf32>, vector<256x256xf32>, vector<400x256xf32> -> vector<400x256xf32>
    %swap3A_21 = arith.constant 0 : index
    %swap3A_22 = arith.constant 0 : index
    %swap3A_23 = vector.load %arg7[%swap3A_21, %swap3A_22] : memref<400x256xf32, #tpu.memory_space<vmem>>, vector<400x256xf32>
    tpu.vector_store %arg7[%swap3A_21, %swap3A_22], %dot_general3A_20 {strides = array<i32>} : memref<400x256xf32, #tpu.memory_space<vmem>>, vector<400x256xf32>,
    return
  }
  func.func @transform_0(%arg0: i32) -> (i32, i32) {
    %c0_i32 = arith.constant 0 : i32
    %c0_i32_0 = arith.constant 0 : i32
    return %arg0, %c0_i32 : i32, i32
  }
  func.func @transform_1(%arg0: i32) -> (i32, i32) {
    %c0_i32 = arith.constant 0 : i32
    %c0_i32_0 = arith.constant 0 : i32
    %c0_i32_1 = arith.constant 0 : i32
    return %c0_i32, %c0_i32_0 : i32, i32
  }
  func.func @transform_2(%arg0: i32) -> (i32, i32) {
    %c0_i32 = arith.constant 0 : i32
    %c0_i32_0 = arith.constant 0 : i32
    %c0_i32_1 = arith.constant 0 : i32
    return %c0_i32, %c0_i32_0 : i32, i32
  }
  func.func @transform_3(%arg0: i32) -> (i32, i32) {
    %c0_i32 = arith.constant 0 : i32
    %c0_i32_0 = arith.constant 0 : i32
    %c0_i32_1 = arith.constant 0 : i32
    return %c0_i32, %c0_i32_0 : i32, i32
  }
  func.func @transform_4(%arg0: i32) -> (i32, i32) {
    %c0_i32 = arith.constant 0 : i32
    %c0_i32_0 = arith.constant 0 : i32
    return %arg0, %c0_i32 : i32, i32
  }
  func.func @transform_5(%arg0: i32) -> (i32, i32) {
    %c0_i32 = arith.constant 0 : i32
    %c0_i32_0 = arith.constant 0 : i32
    return %arg0, %c0_i32 : i32, i32
  }
  func.func @transform_6(%arg0: i32) -> (i32, i32) {
    %c0_i32 = arith.constant 0 : i32
    %c0_i32_0 = arith.constant 0 : i32
    return %arg0, %c0_i32 : i32, i32
  }
}

module attributes {stable_mosaic.version = 14 : i64} {
  func.func @body(%arg0: i32, %arg1: memref<1000x256xf32, #tpu.memory_space<vmem>>, %arg2: memref<1000x256xf32, #tpu.memory_space<vmem>>, %arg3: memref<1000x8xf32, #tpu.memory_space<vmem>>, %arg4: memref<1000x256xf32, #tpu.memory_space<vmem>>, %arg5: memref<1000x128xf32, #tpu.memory_space<vmem>>, %arg6: memref<1000x16xf32, #tpu.memory_space<vmem>>, %arg7: memref<2x1000x128xf32, #tpu.memory_space<vmem>>) attributes {dimension_semantics = [#tpu.dimension_semantics<arbitrary>], iteration_bounds = array<i64: 160>, scalar_prefetch = 0 : i64, scratch_operands = 0 : i64, tpu.core_type = #tpu.core_type<tc>, window_params = [{transform_indices = @transform_0, window_bounds = array<i64: 1000, 256>}, {transform_indices = @transform_1, window_bounds = array<i64: 1000, 256>}, {transform_indices = @transform_2, window_bounds = array<i64: 1000, 8>}, {transform_indices = @transform_3, window_bounds = array<i64: 1000, 256>}, {transform_indices = @transform_4, window_bounds = array<i64: 1000, 128>}, {transform_indices = @transform_5, window_bounds = array<i64: 1000, 16>}, {transform_indices = @transform_6, window_bounds = array<i64: 2, 1000, 128>}]} {
    %get3A = arith.constant 0 : index
    %get3A_0 = arith.constant 0 : index
    %get3A_1 = vector.load %arg1[%get3A, %get3A_0] : memref<1000x256xf32, #tpu.memory_space<vmem>>, vector<1000x256xf32>
    %get3A_2 = arith.constant 0 : index
    %get3A_3 = arith.constant 0 : index
    %get3A_4 = vector.load %arg2[%get3A_2, %get3A_3] : memref<1000x256xf32, #tpu.memory_space<vmem>>, vector<1000x256xf32>
    %mul3A = arith.mulf %get3A_1, %get3A_4 : vector<1000x256xf32>
    %slice3A = vector.extract_strided_slice %mul3A {offsets = [0, 0], sizes = [1000, 32], strides = [1, 1]} : vector<1000x256xf32> to vector<1000x32xf32>
    %reduce_sum3A = arith.constant dense<0.000000e+00> : vector<1000xf32>
    %reduce_sum3A_5 = vector.multi_reduction <add>, %slice3A, %reduce_sum3A [1] : vector<1000x32xf32> to vector<1000xf32>
    %broadcast_in_dim3A = vector.shape_cast %reduce_sum3A_5 : vector<1000xf32> to vector<1000x1xf32>
    %slice3A_6 = vector.extract_strided_slice %mul3A {offsets = [0, 32], sizes = [1000, 32], strides = [1, 1]} : vector<1000x256xf32> to vector<1000x32xf32>
    %reduce_sum3A_7 = arith.constant dense<0.000000e+00> : vector<1000xf32>
    %reduce_sum3A_8 = vector.multi_reduction <add>, %slice3A_6, %reduce_sum3A_7 [1] : vector<1000x32xf32> to vector<1000xf32>
    %broadcast_in_dim3A_9 = vector.shape_cast %reduce_sum3A_8 : vector<1000xf32> to vector<1000x1xf32>
    %slice3A_10 = vector.extract_strided_slice %mul3A {offsets = [0, 64], sizes = [1000, 32], strides = [1, 1]} : vector<1000x256xf32> to vector<1000x32xf32>
    %reduce_sum3A_11 = arith.constant dense<0.000000e+00> : vector<1000xf32>
    %reduce_sum3A_12 = vector.multi_reduction <add>, %slice3A_10, %reduce_sum3A_11 [1] : vector<1000x32xf32> to vector<1000xf32>
    %broadcast_in_dim3A_13 = vector.shape_cast %reduce_sum3A_12 : vector<1000xf32> to vector<1000x1xf32>
    %slice3A_14 = vector.extract_strided_slice %mul3A {offsets = [0, 96], sizes = [1000, 32], strides = [1, 1]} : vector<1000x256xf32> to vector<1000x32xf32>
    %reduce_sum3A_15 = arith.constant dense<0.000000e+00> : vector<1000xf32>
    %reduce_sum3A_16 = vector.multi_reduction <add>, %slice3A_14, %reduce_sum3A_15 [1] : vector<1000x32xf32> to vector<1000xf32>
    %broadcast_in_dim3A_17 = vector.shape_cast %reduce_sum3A_16 : vector<1000xf32> to vector<1000x1xf32>
    %slice3A_18 = vector.extract_strided_slice %mul3A {offsets = [0, 128], sizes = [1000, 32], strides = [1, 1]} : vector<1000x256xf32> to vector<1000x32xf32>
    %reduce_sum3A_19 = arith.constant dense<0.000000e+00> : vector<1000xf32>
    %reduce_sum3A_20 = vector.multi_reduction <add>, %slice3A_18, %reduce_sum3A_19 [1] : vector<1000x32xf32> to vector<1000xf32>
    %broadcast_in_dim3A_21 = vector.shape_cast %reduce_sum3A_20 : vector<1000xf32> to vector<1000x1xf32>
    %slice3A_22 = vector.extract_strided_slice %mul3A {offsets = [0, 160], sizes = [1000, 32], strides = [1, 1]} : vector<1000x256xf32> to vector<1000x32xf32>
    %reduce_sum3A_23 = arith.constant dense<0.000000e+00> : vector<1000xf32>
    %reduce_sum3A_24 = vector.multi_reduction <add>, %slice3A_22, %reduce_sum3A_23 [1] : vector<1000x32xf32> to vector<1000xf32>
    %broadcast_in_dim3A_25 = vector.shape_cast %reduce_sum3A_24 : vector<1000xf32> to vector<1000x1xf32>
    %slice3A_26 = vector.extract_strided_slice %mul3A {offsets = [0, 192], sizes = [1000, 32], strides = [1, 1]} : vector<1000x256xf32> to vector<1000x32xf32>
    %reduce_sum3A_27 = arith.constant dense<0.000000e+00> : vector<1000xf32>
    %reduce_sum3A_28 = vector.multi_reduction <add>, %slice3A_26, %reduce_sum3A_27 [1] : vector<1000x32xf32> to vector<1000xf32>
    %broadcast_in_dim3A_29 = vector.shape_cast %reduce_sum3A_28 : vector<1000xf32> to vector<1000x1xf32>
    %slice3A_30 = vector.extract_strided_slice %mul3A {offsets = [0, 224], sizes = [1000, 32], strides = [1, 1]} : vector<1000x256xf32> to vector<1000x32xf32>
    %reduce_sum3A_31 = arith.constant dense<0.000000e+00> : vector<1000xf32>
    %reduce_sum3A_32 = vector.multi_reduction <add>, %slice3A_30, %reduce_sum3A_31 [1] : vector<1000x32xf32> to vector<1000xf32>
    %broadcast_in_dim3A_33 = vector.shape_cast %reduce_sum3A_32 : vector<1000xf32> to vector<1000x1xf32>
    %concatenate3A = tpu.concatenate %broadcast_in_dim3A, %broadcast_in_dim3A_9, %broadcast_in_dim3A_13, %broadcast_in_dim3A_17, %broadcast_in_dim3A_21, %broadcast_in_dim3A_25, %broadcast_in_dim3A_29, %broadcast_in_dim3A_33 in 1 : vector<1000x1xf32>, vector<1000x1xf32>, vector<1000x1xf32>, vector<1000x1xf32>, vector<1000x1xf32>, vector<1000x1xf32>, vector<1000x1xf32>, vector<1000x1xf32> -> vector<1000x8xf32>
    %mul3A_34 = arith.constant 0.176776692 : f32
    %mul3A_35 = vector.broadcast %mul3A_34 : f32 to vector<1000x8xf32>
    %mul3A_36 = arith.mulf %concatenate3A, %mul3A_35 : vector<1000x8xf32>
    %get3A_37 = arith.constant 0 : index
    %get3A_38 = arith.constant 0 : index
    %get3A_39 = vector.load %arg3[%get3A_37, %get3A_38] : memref<1000x8xf32, #tpu.memory_space<vmem>>, vector<1000x8xf32>
    %add3A = arith.addf %mul3A_36, %get3A_39 : vector<1000x8xf32>
    %exp3A = math.exp %add3A : vector<1000x8xf32>
    %broadcast_in_dim3A_40 = arith.constant 0.000000e+00 : f32
    %broadcast_in_dim3A_41 = vector.broadcast %broadcast_in_dim3A_40 : f32 to vector<1000x120xf32>
    %concatenate3A_42 = tpu.concatenate %exp3A, %broadcast_in_dim3A_41 in 1 : vector<1000x8xf32>, vector<1000x120xf32> -> vector<1000x128xf32>
    %swap3A = arith.constant 0 : index
    %swap3A_43 = arith.constant 0 : index
    %swap3A_44 = vector.load %arg5[%swap3A, %swap3A_43] : memref<1000x128xf32, #tpu.memory_space<vmem>>, vector<1000x128xf32>
    tpu.vector_store %arg5[%swap3A, %swap3A_43], %concatenate3A_42 {strides = array<i32>} : memref<1000x128xf32, #tpu.memory_space<vmem>>, vector<1000x128xf32>,
    %broadcast_in_dim3A_45 = arith.constant 0.000000e+00 : f32
    %broadcast_in_dim3A_46 = vector.broadcast %broadcast_in_dim3A_45 : f32 to vector<1000x8xf32>
    %concatenate3A_47 = tpu.concatenate %exp3A, %broadcast_in_dim3A_46 in 1 : vector<1000x8xf32>, vector<1000x8xf32> -> vector<1000x16xf32>
    %swap3A_48 = arith.constant 0 : index
    %swap3A_49 = arith.constant 0 : index
    %swap3A_50 = vector.load %arg6[%swap3A_48, %swap3A_49] : memref<1000x16xf32, #tpu.memory_space<vmem>>, vector<1000x16xf32>
    tpu.vector_store %arg6[%swap3A_48, %swap3A_49], %concatenate3A_47 {strides = array<i32>} : memref<1000x16xf32, #tpu.memory_space<vmem>>, vector<1000x16xf32>,
    %get3A_51 = arith.constant 0 : index
    %get3A_52 = arith.constant 0 : index
    %get3A_53 = vector.load %arg4[%get3A_51, %get3A_52] : memref<1000x256xf32, #tpu.memory_space<vmem>>, vector<1000x256xf32>
    %slice3A_54 = vector.extract_strided_slice %get3A_53 {offsets = [0, 0], sizes = [1000, 32], strides = [1, 1]} : vector<1000x256xf32> to vector<1000x32xf32>
    %slice3A_55 = vector.extract_strided_slice %exp3A {offsets = [0, 0], sizes = [1000, 1], strides = [1, 1]} : vector<1000x8xf32> to vector<1000x1xf32>
    %mul3A_56 = vector.broadcast %slice3A_55 : vector<1000x1xf32> to vector<1000x32xf32>
    %mul3A_57 = arith.mulf %slice3A_54, %mul3A_56 : vector<1000x32xf32>
    %slice3A_58 = vector.extract_strided_slice %get3A_53 {offsets = [0, 32], sizes = [1000, 32], strides = [1, 1]} : vector<1000x256xf32> to vector<1000x32xf32>
    %slice3A_59 = vector.extract_strided_slice %exp3A {offsets = [0, 1], sizes = [1000, 1], strides = [1, 1]} : vector<1000x8xf32> to vector<1000x1xf32>
    %mul3A_60 = vector.broadcast %slice3A_59 : vector<1000x1xf32> to vector<1000x32xf32>
    %mul3A_61 = arith.mulf %slice3A_58, %mul3A_60 : vector<1000x32xf32>
    %slice3A_62 = vector.extract_strided_slice %get3A_53 {offsets = [0, 64], sizes = [1000, 32], strides = [1, 1]} : vector<1000x256xf32> to vector<1000x32xf32>
    %slice3A_63 = vector.extract_strided_slice %exp3A {offsets = [0, 2], sizes = [1000, 1], strides = [1, 1]} : vector<1000x8xf32> to vector<1000x1xf32>
    %mul3A_64 = vector.broadcast %slice3A_63 : vector<1000x1xf32> to vector<1000x32xf32>
    %mul3A_65 = arith.mulf %slice3A_62, %mul3A_64 : vector<1000x32xf32>
    %slice3A_66 = vector.extract_strided_slice %get3A_53 {offsets = [0, 96], sizes = [1000, 32], strides = [1, 1]} : vector<1000x256xf32> to vector<1000x32xf32>
    %slice3A_67 = vector.extract_strided_slice %exp3A {offsets = [0, 3], sizes = [1000, 1], strides = [1, 1]} : vector<1000x8xf32> to vector<1000x1xf32>
    %mul3A_68 = vector.broadcast %slice3A_67 : vector<1000x1xf32> to vector<1000x32xf32>
    %mul3A_69 = arith.mulf %slice3A_66, %mul3A_68 : vector<1000x32xf32>
    %slice3A_70 = vector.extract_strided_slice %get3A_53 {offsets = [0, 128], sizes = [1000, 32], strides = [1, 1]} : vector<1000x256xf32> to vector<1000x32xf32>
    %slice3A_71 = vector.extract_strided_slice %exp3A {offsets = [0, 4], sizes = [1000, 1], strides = [1, 1]} : vector<1000x8xf32> to vector<1000x1xf32>
    %mul3A_72 = vector.broadcast %slice3A_71 : vector<1000x1xf32> to vector<1000x32xf32>
    %mul3A_73 = arith.mulf %slice3A_70, %mul3A_72 : vector<1000x32xf32>
    %slice3A_74 = vector.extract_strided_slice %get3A_53 {offsets = [0, 160], sizes = [1000, 32], strides = [1, 1]} : vector<1000x256xf32> to vector<1000x32xf32>
    %slice3A_75 = vector.extract_strided_slice %exp3A {offsets = [0, 5], sizes = [1000, 1], strides = [1, 1]} : vector<1000x8xf32> to vector<1000x1xf32>
    %mul3A_76 = vector.broadcast %slice3A_75 : vector<1000x1xf32> to vector<1000x32xf32>
    %mul3A_77 = arith.mulf %slice3A_74, %mul3A_76 : vector<1000x32xf32>
    %slice3A_78 = vector.extract_strided_slice %get3A_53 {offsets = [0, 192], sizes = [1000, 32], strides = [1, 1]} : vector<1000x256xf32> to vector<1000x32xf32>
    %slice3A_79 = vector.extract_strided_slice %exp3A {offsets = [0, 6], sizes = [1000, 1], strides = [1, 1]} : vector<1000x8xf32> to vector<1000x1xf32>
    %mul3A_80 = vector.broadcast %slice3A_79 : vector<1000x1xf32> to vector<1000x32xf32>
    %mul3A_81 = arith.mulf %slice3A_78, %mul3A_80 : vector<1000x32xf32>
    %slice3A_82 = vector.extract_strided_slice %get3A_53 {offsets = [0, 224], sizes = [1000, 32], strides = [1, 1]} : vector<1000x256xf32> to vector<1000x32xf32>
    %slice3A_83 = vector.extract_strided_slice %exp3A {offsets = [0, 7], sizes = [1000, 1], strides = [1, 1]} : vector<1000x8xf32> to vector<1000x1xf32>
    %mul3A_84 = vector.broadcast %slice3A_83 : vector<1000x1xf32> to vector<1000x32xf32>
    %mul3A_85 = arith.mulf %slice3A_82, %mul3A_84 : vector<1000x32xf32>
    %concatenate3A_86 = tpu.concatenate %mul3A_57, %mul3A_61, %mul3A_65, %mul3A_69, %mul3A_73, %mul3A_77, %mul3A_81, %mul3A_85 in 1 : vector<1000x32xf32>, vector<1000x32xf32>, vector<1000x32xf32>, vector<1000x32xf32>, vector<1000x32xf32>, vector<1000x32xf32>, vector<1000x32xf32>, vector<1000x32xf32> -> vector<1000x256xf32>
    %slice3A_87 = vector.extract_strided_slice %concatenate3A_86 {offsets = [0, 0], sizes = [1000, 128], strides = [1, 1]} : vector<1000x256xf32> to vector<1000x128xf32>
    %slice3A_88 = vector.extract_strided_slice %concatenate3A_86 {offsets = [0, 128], sizes = [1000, 128], strides = [1, 1]} : vector<1000x256xf32> to vector<1000x128xf32>
    %stack3A = vector.shape_cast %slice3A_87 : vector<1000x128xf32> to vector<1x1000x128xf32>
    %stack3A_89 = vector.shape_cast %slice3A_88 : vector<1000x128xf32> to vector<1x1000x128xf32>
    %stack3A_90 = tpu.concatenate %stack3A, %stack3A_89 in 0 : vector<1x1000x128xf32>, vector<1x1000x128xf32> -> vector<2x1000x128xf32>
    %swap3A_91 = arith.constant 0 : index
    %swap3A_92 = arith.constant 0 : index
    %swap3A_93 = arith.constant 0 : index
    %swap3A_94 = vector.load %arg7[%swap3A_91, %swap3A_92, %swap3A_93] : memref<2x1000x128xf32, #tpu.memory_space<vmem>>, vector<2x1000x128xf32>
    tpu.vector_store %arg7[%swap3A_91, %swap3A_92, %swap3A_93], %stack3A_90 {strides = array<i32>} : memref<2x1000x128xf32, #tpu.memory_space<vmem>>, vector<2x1000x128xf32>,
    return
  }
  func.func @transform_0(%arg0: i32) -> (i32, i32) {
    %c0_i32 = arith.constant 0 : i32
    %c0_i32_0 = arith.constant 0 : i32
    return %arg0, %c0_i32 : i32, i32
  }
  func.func @transform_1(%arg0: i32) -> (i32, i32) {
    %c0_i32 = arith.constant 0 : i32
    %c0_i32_0 = arith.constant 0 : i32
    return %arg0, %c0_i32 : i32, i32
  }
  func.func @transform_2(%arg0: i32) -> (i32, i32) {
    %c0_i32 = arith.constant 0 : i32
    %c0_i32_0 = arith.constant 0 : i32
    return %arg0, %c0_i32 : i32, i32
  }
  func.func @transform_3(%arg0: i32) -> (i32, i32) {
    %c0_i32 = arith.constant 0 : i32
    %c0_i32_0 = arith.constant 0 : i32
    return %arg0, %c0_i32 : i32, i32
  }
  func.func @transform_4(%arg0: i32) -> (i32, i32) {
    %c0_i32 = arith.constant 0 : i32
    %c0_i32_0 = arith.constant 0 : i32
    return %arg0, %c0_i32 : i32, i32
  }
  func.func @transform_5(%arg0: i32) -> (i32, i32) {
    %c0_i32 = arith.constant 0 : i32
    %c0_i32_0 = arith.constant 0 : i32
    return %arg0, %c0_i32 : i32, i32
  }
  func.func @transform_6(%arg0: i32) -> (i32, i32, i32) {
    %c0_i32 = arith.constant 0 : i32
    %c0_i32_0 = arith.constant 0 : i32
    %c0_i32_1 = arith.constant 0 : i32
    return %c0_i32, %arg0, %c0_i32_0 : i32, i32, i32
  }
}

module attributes {stable_mosaic.version = 14 : i64} {
  func.func @body(%arg0: i32, %arg1: memref<1000x16xf32, #tpu.memory_space<vmem>>, %arg2: memref<16x256xf32, #tpu.memory_space<vmem>>, %arg3: memref<1x256xf32, #tpu.memory_space<vmem>>, %arg4: memref<256x8xf32, #tpu.memory_space<vmem>>, %arg5: memref<1x8xf32, #tpu.memory_space<vmem>>, %arg6: memref<1000x8xf32, #tpu.memory_space<vmem>>) attributes {dimension_semantics = [#tpu.dimension_semantics<arbitrary>], iteration_bounds = array<i64: 160>, scalar_prefetch = 0 : i64, scratch_operands = 0 : i64, tpu.core_type = #tpu.core_type<tc>, window_params = [{transform_indices = @transform_0, window_bounds = array<i64: 1000, 16>}, {pipeline_mode = #tpu.pipeline_mode<synchronous>, transform_indices = @transform_1, window_bounds = array<i64: 16, 256>}, {pipeline_mode = #tpu.pipeline_mode<synchronous>, transform_indices = @transform_2, window_bounds = array<i64: 1, 256>}, {pipeline_mode = #tpu.pipeline_mode<synchronous>, transform_indices = @transform_3, window_bounds = array<i64: 256, 8>}, {pipeline_mode = #tpu.pipeline_mode<synchronous>, transform_indices = @transform_4, window_bounds = array<i64: 1, 8>}, {transform_indices = @transform_5, window_bounds = array<i64: 1000, 8>}]} {
    %get3A = arith.constant 0 : index
    %get3A_0 = arith.constant 0 : index
    %get3A_1 = vector.load %arg1[%get3A, %get3A_0] : memref<1000x16xf32, #tpu.memory_space<vmem>>, vector<1000x16xf32>
    %get3A_2 = arith.constant 0 : index
    %get3A_3 = arith.constant 0 : index
    %get3A_4 = vector.load %arg2[%get3A_2, %get3A_3] : memref<16x256xf32, #tpu.memory_space<vmem>>, vector<16x256xf32>
    %dot_general3A = arith.constant dense<0.000000e+00> : vector<1000x256xf32>
    %dot_general3A_5 = tpu.matmul %get3A_1, %get3A_4, %dot_general3A {dimension_numbers = #tpu.dot_dimension_numbers<[1], [0], [0], [1], [0, 0, 1, 1], [], []>, transpose_lhs_hint = false} : vector<1000x16xf32>, vector<16x256xf32>, vector<1000x256xf32> -> vector<1000x256xf32>
    %get3A_6 = arith.constant 0 : index
    %get3A_7 = arith.constant 0 : index
    %get3A_8 = vector.load %arg3[%get3A_6, %get3A_7] : memref<1x256xf32, #tpu.memory_space<vmem>>, vector<1x256xf32>
    %add3A = vector.broadcast %get3A_8 : vector<1x256xf32> to vector<1000x256xf32>
    %add3A_9 = arith.addf %dot_general3A_5, %add3A : vector<1000x256xf32>
    %mul3A = arith.constant 5.000000e-01 : f32
    %mul3A_10 = vector.broadcast %mul3A : f32 to vector<1000x256xf32>
    %mul3A_11 = arith.mulf %add3A_9, %mul3A_10 : vector<1000x256xf32>
    %mul3A_12 = arith.constant 0.707106769 : f32
    %mul3A_13 = vector.broadcast %mul3A_12 : f32 to vector<1000x256xf32>
    %mul3A_14 = arith.mulf %add3A_9, %mul3A_13 : vector<1000x256xf32>
    %erf3A = math.erf %mul3A_14 : vector<1000x256xf32>
    %add3A_15 = arith.constant 1.000000e+00 : f32
    %add3A_16 = vector.broadcast %add3A_15 : f32 to vector<1000x256xf32>
    %add3A_17 = arith.addf %add3A_16, %erf3A : vector<1000x256xf32>
    %mul3A_18 = arith.mulf %mul3A_11, %add3A_17 : vector<1000x256xf32>
    %get3A_19 = arith.constant 0 : index
    %get3A_20 = arith.constant 0 : index
    %get3A_21 = vector.load %arg4[%get3A_19, %get3A_20] : memref<256x8xf32, #tpu.memory_space<vmem>>, vector<256x8xf32>
    %dot_general3A_22 = arith.constant dense<0.000000e+00> : vector<1000x8xf32>
    %dot_general3A_23 = tpu.matmul %mul3A_18, %get3A_21, %dot_general3A_22 {dimension_numbers = #tpu.dot_dimension_numbers<[1], [0], [0], [1], [0, 0, 1, 1], [], []>, transpose_lhs_hint = false} : vector<1000x256xf32>, vector<256x8xf32>, vector<1000x8xf32> -> vector<1000x8xf32>
    %get3A_24 = arith.constant 0 : index
    %get3A_25 = arith.constant 0 : index
    %get3A_26 = vector.load %arg5[%get3A_24, %get3A_25] : memref<1x8xf32, #tpu.memory_space<vmem>>, vector<1x8xf32>
    %add3A_27 = vector.broadcast %get3A_26 : vector<1x8xf32> to vector<1000x8xf32>
    %add3A_28 = arith.addf %dot_general3A_23, %add3A_27 : vector<1000x8xf32>
    %swap3A = arith.constant 0 : index
    %swap3A_29 = arith.constant 0 : index
    %swap3A_30 = vector.load %arg6[%swap3A, %swap3A_29] : memref<1000x8xf32, #tpu.memory_space<vmem>>, vector<1000x8xf32>
    tpu.vector_store %arg6[%swap3A, %swap3A_29], %add3A_28 {strides = array<i32>} : memref<1000x8xf32, #tpu.memory_space<vmem>>, vector<1000x8xf32>,
    return
  }
  func.func @transform_0(%arg0: i32) -> (i32, i32) {
    %c0_i32 = arith.constant 0 : i32
    %c0_i32_0 = arith.constant 0 : i32
    return %arg0, %c0_i32 : i32, i32
  }
  func.func @transform_1(%arg0: i32) -> (i32, i32) {
    %c0_i32 = arith.constant 0 : i32
    %c0_i32_0 = arith.constant 0 : i32
    %c0_i32_1 = arith.constant 0 : i32
    return %c0_i32, %c0_i32_0 : i32, i32
  }
  func.func @transform_2(%arg0: i32) -> (i32, i32) {
    %c0_i32 = arith.constant 0 : i32
    %c0_i32_0 = arith.constant 0 : i32
    %c0_i32_1 = arith.constant 0 : i32
    return %c0_i32, %c0_i32_0 : i32, i32
  }
  func.func @transform_3(%arg0: i32) -> (i32, i32) {
    %c0_i32 = arith.constant 0 : i32
    %c0_i32_0 = arith.constant 0 : i32
    %c0_i32_1 = arith.constant 0 : i32
    return %c0_i32, %c0_i32_0 : i32, i32
  }
  func.func @transform_4(%arg0: i32) -> (i32, i32) {
    %c0_i32 = arith.constant 0 : i32
    %c0_i32_0 = arith.constant 0 : i32
    %c0_i32_1 = arith.constant 0 : i32
    return %c0_i32, %c0_i32_0 : i32, i32
  }
  func.func @transform_5(%arg0: i32) -> (i32, i32) {
    %c0_i32 = arith.constant 0 : i32
    %c0_i32_0 = arith.constant 0 : i32
    return %arg0, %c0_i32 : i32, i32
  }
}

module attributes {stable_mosaic.version = 14 : i64} {
  func.func @body(%arg0: i32, %arg1: memref<2x400x128xf32, #tpu.memory_space<vmem>>, %arg2: memref<400x128xf32, #tpu.memory_space<vmem>>) attributes {dimension_semantics = [#tpu.dimension_semantics<arbitrary>], iteration_bounds = array<i64: 25>, scalar_prefetch = 0 : i64, scratch_operands = 0 : i64, tpu.core_type = #tpu.core_type<tc>, window_params = [{transform_indices = @transform_0, window_bounds = array<i64: 2, 400, 128>}, {transform_indices = @transform_1, window_bounds = array<i64: 400, 128>}]} {
    %get3A = arith.constant 0 : index
    %get3A_0 = arith.constant 0 : index
    %get3A_1 = arith.constant 0 : index
    %get3A_2 = vector.load %arg1[%get3A, %get3A_0, %get3A_1] : memref<2x400x128xf32, #tpu.memory_space<vmem>>, vector<1x400x128xf32>
    %get3A_3 = vector.shape_cast %get3A_2 : vector<1x400x128xf32> to vector<400x128xf32>
    %get3A_4 = arith.constant 1 : index
    %get3A_5 = arith.constant 0 : index
    %get3A_6 = arith.constant 0 : index
    %get3A_7 = vector.load %arg1[%get3A_4, %get3A_5, %get3A_6] : memref<2x400x128xf32, #tpu.memory_space<vmem>>, vector<1x400x128xf32>
    %get3A_8 = vector.shape_cast %get3A_7 : vector<1x400x128xf32> to vector<400x128xf32>
    %add3A = arith.addf %get3A_3, %get3A_8 : vector<400x128xf32>
    %slice3A = vector.extract_strided_slice %add3A {offsets = [0, 0], sizes = [400, 8], strides = [1, 1]} : vector<400x128xf32> to vector<400x8xf32>
    %broadcast_in_dim3A = arith.constant 1.000000e+00 : f32
    %broadcast_in_dim3A_9 = vector.broadcast %broadcast_in_dim3A : f32 to vector<400x120xf32>
    %concatenate3A = tpu.concatenate %slice3A, %broadcast_in_dim3A_9 in 1 : vector<400x8xf32>, vector<400x120xf32> -> vector<400x128xf32>
    %swap3A = arith.constant 0 : index
    %swap3A_10 = arith.constant 0 : index
    %swap3A_11 = vector.load %arg2[%swap3A, %swap3A_10] : memref<400x128xf32, #tpu.memory_space<vmem>>, vector<400x128xf32>
    tpu.vector_store %arg2[%swap3A, %swap3A_10], %concatenate3A {strides = array<i32>} : memref<400x128xf32, #tpu.memory_space<vmem>>, vector<400x128xf32>,
    return
  }
  func.func @transform_0(%arg0: i32) -> (i32, i32, i32) {
    %c0_i32 = arith.constant 0 : i32
    %c0_i32_0 = arith.constant 0 : i32
    %c0_i32_1 = arith.constant 0 : i32
    return %c0_i32, %arg0, %c0_i32_0 : i32, i32, i32
  }
  func.func @transform_1(%arg0: i32) -> (i32, i32) {
    %c0_i32 = arith.constant 0 : i32
    %c0_i32_0 = arith.constant 0 : i32
    return %arg0, %c0_i32 : i32, i32
  }
}

module attributes {stable_mosaic.version = 14 : i64} {
  func.func @body(%arg0: i32, %arg1: memref<2x400x128xf32, #tpu.memory_space<vmem>>, %arg2: memref<2x400x128xf32, #tpu.memory_space<vmem>>, %arg3: memref<128x256xf32, #tpu.memory_space<vmem>>, %arg4: memref<128x256xf32, #tpu.memory_space<vmem>>, %arg5: memref<1x256xf32, #tpu.memory_space<vmem>>, %arg6: memref<400x256xf32, #tpu.memory_space<vmem>>) attributes {dimension_semantics = [#tpu.dimension_semantics<arbitrary>], iteration_bounds = array<i64: 25>, scalar_prefetch = 0 : i64, scratch_operands = 0 : i64, tpu.core_type = #tpu.core_type<tc>, window_params = [{transform_indices = @transform_0, window_bounds = array<i64: 2, 400, 128>}, {transform_indices = @transform_1, window_bounds = array<i64: 2, 400, 128>}, {pipeline_mode = #tpu.pipeline_mode<synchronous>, transform_indices = @transform_2, window_bounds = array<i64: 128, 256>}, {pipeline_mode = #tpu.pipeline_mode<synchronous>, transform_indices = @transform_3, window_bounds = array<i64: 128, 256>}, {pipeline_mode = #tpu.pipeline_mode<synchronous>, transform_indices = @transform_4, window_bounds = array<i64: 1, 256>}, {transform_indices = @transform_5, window_bounds = array<i64: 400, 256>}]} {
    %get3A = arith.constant 0 : index
    %get3A_0 = arith.constant 0 : index
    %get3A_1 = arith.constant 0 : index
    %get3A_2 = vector.load %arg2[%get3A, %get3A_0, %get3A_1] : memref<2x400x128xf32, #tpu.memory_space<vmem>>, vector<1x400x128xf32>
    %get3A_3 = vector.shape_cast %get3A_2 : vector<1x400x128xf32> to vector<400x128xf32>
    %get3A_4 = arith.constant 1 : index
    %get3A_5 = arith.constant 0 : index
    %get3A_6 = arith.constant 0 : index
    %get3A_7 = vector.load %arg2[%get3A_4, %get3A_5, %get3A_6] : memref<2x400x128xf32, #tpu.memory_space<vmem>>, vector<1x400x128xf32>
    %get3A_8 = vector.shape_cast %get3A_7 : vector<1x400x128xf32> to vector<400x128xf32>
    %add3A = arith.addf %get3A_3, %get3A_8 : vector<400x128xf32>
    %gt3A = arith.constant 0.000000e+00 : f32
    %gt3A_9 = vector.broadcast %gt3A : f32 to vector<400x128xf32>
    %gt3A_10 = arith.cmpf ogt, %add3A, %gt3A_9 : vector<400x128xf32>
    %jit3A = arith.constant 1.000000e+00 : f32
    %broadcast_in_dim3A = vector.broadcast %jit3A : f32 to vector<400x128xf32>
    %select_n3A = arith.select %gt3A_10, %add3A, %broadcast_in_dim3A : vector<400x128xi1>, vector<400x128xf32>
    %get3A_11 = arith.constant 0 : index
    %get3A_12 = arith.constant 0 : index
    %get3A_13 = arith.constant 0 : index
    %get3A_14 = vector.load %arg1[%get3A_11, %get3A_12, %get3A_13] : memref<2x400x128xf32, #tpu.memory_space<vmem>>, vector<1x400x128xf32>
    %get3A_15 = vector.shape_cast %get3A_14 : vector<1x400x128xf32> to vector<400x128xf32>
    %slice3A = vector.extract_strided_slice %get3A_15 {offsets = [0, 0], sizes = [400, 32], strides = [1, 1]} : vector<400x128xf32> to vector<400x32xf32>
    %slice3A_16 = vector.extract_strided_slice %select_n3A {offsets = [0, 0], sizes = [400, 1], strides = [1, 1]} : vector<400x128xf32> to vector<400x1xf32>
    %div3A = vector.broadcast %slice3A_16 : vector<400x1xf32> to vector<400x32xf32>
    %div3A_17 = arith.divf %slice3A, %div3A : vector<400x32xf32>
    %slice3A_18 = vector.extract_strided_slice %get3A_15 {offsets = [0, 32], sizes = [400, 32], strides = [1, 1]} : vector<400x128xf32> to vector<400x32xf32>
    %slice3A_19 = vector.extract_strided_slice %select_n3A {offsets = [0, 1], sizes = [400, 1], strides = [1, 1]} : vector<400x128xf32> to vector<400x1xf32>
    %div3A_20 = vector.broadcast %slice3A_19 : vector<400x1xf32> to vector<400x32xf32>
    %div3A_21 = arith.divf %slice3A_18, %div3A_20 : vector<400x32xf32>
    %slice3A_22 = vector.extract_strided_slice %get3A_15 {offsets = [0, 64], sizes = [400, 32], strides = [1, 1]} : vector<400x128xf32> to vector<400x32xf32>
    %slice3A_23 = vector.extract_strided_slice %select_n3A {offsets = [0, 2], sizes = [400, 1], strides = [1, 1]} : vector<400x128xf32> to vector<400x1xf32>
    %div3A_24 = vector.broadcast %slice3A_23 : vector<400x1xf32> to vector<400x32xf32>
    %div3A_25 = arith.divf %slice3A_22, %div3A_24 : vector<400x32xf32>
    %slice3A_26 = vector.extract_strided_slice %get3A_15 {offsets = [0, 96], sizes = [400, 32], strides = [1, 1]} : vector<400x128xf32> to vector<400x32xf32>
    %slice3A_27 = vector.extract_strided_slice %select_n3A {offsets = [0, 3], sizes = [400, 1], strides = [1, 1]} : vector<400x128xf32> to vector<400x1xf32>
    %div3A_28 = vector.broadcast %slice3A_27 : vector<400x1xf32> to vector<400x32xf32>
    %div3A_29 = arith.divf %slice3A_26, %div3A_28 : vector<400x32xf32>
    %concatenate3A = tpu.concatenate %div3A_17, %div3A_21, %div3A_25, %div3A_29 in 1 : vector<400x32xf32>, vector<400x32xf32>, vector<400x32xf32>, vector<400x32xf32> -> vector<400x128xf32>
    %get3A_30 = arith.constant 1 : index
    %get3A_31 = arith.constant 0 : index
    %get3A_32 = arith.constant 0 : index
    %get3A_33 = vector.load %arg1[%get3A_30, %get3A_31, %get3A_32] : memref<2x400x128xf32, #tpu.memory_space<vmem>>, vector<1x400x128xf32>
    %get3A_34 = vector.shape_cast %get3A_33 : vector<1x400x128xf32> to vector<400x128xf32>
    %slice3A_35 = vector.extract_strided_slice %get3A_34 {offsets = [0, 0], sizes = [400, 32], strides = [1, 1]} : vector<400x128xf32> to vector<400x32xf32>
    %slice3A_36 = vector.extract_strided_slice %select_n3A {offsets = [0, 4], sizes = [400, 1], strides = [1, 1]} : vector<400x128xf32> to vector<400x1xf32>
    %div3A_37 = vector.broadcast %slice3A_36 : vector<400x1xf32> to vector<400x32xf32>
    %div3A_38 = arith.divf %slice3A_35, %div3A_37 : vector<400x32xf32>
    %slice3A_39 = vector.extract_strided_slice %get3A_34 {offsets = [0, 32], sizes = [400, 32], strides = [1, 1]} : vector<400x128xf32> to vector<400x32xf32>
    %slice3A_40 = vector.extract_strided_slice %select_n3A {offsets = [0, 5], sizes = [400, 1], strides = [1, 1]} : vector<400x128xf32> to vector<400x1xf32>
    %div3A_41 = vector.broadcast %slice3A_40 : vector<400x1xf32> to vector<400x32xf32>
    %div3A_42 = arith.divf %slice3A_39, %div3A_41 : vector<400x32xf32>
    %slice3A_43 = vector.extract_strided_slice %get3A_34 {offsets = [0, 64], sizes = [400, 32], strides = [1, 1]} : vector<400x128xf32> to vector<400x32xf32>
    %slice3A_44 = vector.extract_strided_slice %select_n3A {offsets = [0, 6], sizes = [400, 1], strides = [1, 1]} : vector<400x128xf32> to vector<400x1xf32>
    %div3A_45 = vector.broadcast %slice3A_44 : vector<400x1xf32> to vector<400x32xf32>
    %div3A_46 = arith.divf %slice3A_43, %div3A_45 : vector<400x32xf32>
    %slice3A_47 = vector.extract_strided_slice %get3A_34 {offsets = [0, 96], sizes = [400, 32], strides = [1, 1]} : vector<400x128xf32> to vector<400x32xf32>
    %slice3A_48 = vector.extract_strided_slice %select_n3A {offsets = [0, 7], sizes = [400, 1], strides = [1, 1]} : vector<400x128xf32> to vector<400x1xf32>
    %div3A_49 = vector.broadcast %slice3A_48 : vector<400x1xf32> to vector<400x32xf32>
    %div3A_50 = arith.divf %slice3A_47, %div3A_49 : vector<400x32xf32>
    %concatenate3A_51 = tpu.concatenate %div3A_38, %div3A_42, %div3A_46, %div3A_50 in 1 : vector<400x32xf32>, vector<400x32xf32>, vector<400x32xf32>, vector<400x32xf32> -> vector<400x128xf32>
    %get3A_52 = arith.constant 0 : index
    %get3A_53 = arith.constant 0 : index
    %get3A_54 = vector.load %arg3[%get3A_52, %get3A_53] : memref<128x256xf32, #tpu.memory_space<vmem>>, vector<128x256xf32>
    %dot_general3A = arith.constant dense<0.000000e+00> : vector<400x256xf32>
    %dot_general3A_55 = tpu.matmul %concatenate3A, %get3A_54, %dot_general3A {dimension_numbers = #tpu.dot_dimension_numbers<[1], [0], [0], [1], [0, 0, 1, 1], [], []>, transpose_lhs_hint = false} : vector<400x128xf32>, vector<128x256xf32>, vector<400x256xf32> -> vector<400x256xf32>
    %get3A_56 = arith.constant 0 : index
    %get3A_57 = arith.constant 0 : index
    %get3A_58 = vector.load %arg4[%get3A_56, %get3A_57] : memref<128x256xf32, #tpu.memory_space<vmem>>, vector<128x256xf32>
    %dot_general3A_59 = arith.constant dense<0.000000e+00> : vector<400x256xf32>
    %dot_general3A_60 = tpu.matmul %concatenate3A_51, %get3A_58, %dot_general3A_59 {dimension_numbers = #tpu.dot_dimension_numbers<[1], [0], [0], [1], [0, 0, 1, 1], [], []>, transpose_lhs_hint = false} : vector<400x128xf32>, vector<128x256xf32>, vector<400x256xf32> -> vector<400x256xf32>
    %add3A_61 = arith.addf %dot_general3A_55, %dot_general3A_60 : vector<400x256xf32>
    %get3A_62 = arith.constant 0 : index
    %get3A_63 = arith.constant 0 : index
    %get3A_64 = vector.load %arg5[%get3A_62, %get3A_63] : memref<1x256xf32, #tpu.memory_space<vmem>>, vector<1x256xf32>
    %add3A_65 = vector.broadcast %get3A_64 : vector<1x256xf32> to vector<400x256xf32>
    %add3A_66 = arith.addf %add3A_61, %add3A_65 : vector<400x256xf32>
    %swap3A = arith.constant 0 : index
    %swap3A_67 = arith.constant 0 : index
    %swap3A_68 = vector.load %arg6[%swap3A, %swap3A_67] : memref<400x256xf32, #tpu.memory_space<vmem>>, vector<400x256xf32>
    tpu.vector_store %arg6[%swap3A, %swap3A_67], %add3A_66 {strides = array<i32>} : memref<400x256xf32, #tpu.memory_space<vmem>>, vector<400x256xf32>,
    return
  }
  func.func @transform_0(%arg0: i32) -> (i32, i32, i32) {
    %c0_i32 = arith.constant 0 : i32
    %c0_i32_0 = arith.constant 0 : i32
    %c0_i32_1 = arith.constant 0 : i32
    return %c0_i32, %arg0, %c0_i32_0 : i32, i32, i32
  }
  func.func @transform_1(%arg0: i32) -> (i32, i32, i32) {
    %c0_i32 = arith.constant 0 : i32
    %c0_i32_0 = arith.constant 0 : i32
    %c0_i32_1 = arith.constant 0 : i32
    return %c0_i32, %arg0, %c0_i32_0 : i32, i32, i32
  }
  func.func @transform_2(%arg0: i32) -> (i32, i32) {
    %c0_i32 = arith.constant 0 : i32
    %c0_i32_0 = arith.constant 0 : i32
    %c0_i32_1 = arith.constant 0 : i32
    return %c0_i32, %c0_i32_0 : i32, i32
  }
  func.func @transform_3(%arg0: i32) -> (i32, i32) {
    %c0_i32 = arith.constant 0 : i32
    %c0_i32_0 = arith.constant 0 : i32
    %c0_i32_1 = arith.constant 0 : i32
    return %c0_i32, %c0_i32_0 : i32, i32
  }
  func.func @transform_4(%arg0: i32) -> (i32, i32) {
    %c0_i32 = arith.constant 0 : i32
    %c0_i32_0 = arith.constant 0 : i32
    %c0_i32_1 = arith.constant 0 : i32
    return %c0_i32, %c0_i32_0 : i32, i32
  }
  func.func @transform_5(%arg0: i32) -> (i32, i32) {
    %c0_i32 = arith.constant 0 : i32
    %c0_i32_0 = arith.constant 0 : i32
    return %arg0, %c0_i32 : i32, i32
  }
}

</mosaic_0001>

<sc_bundles>
// kernel: kernel.11.cloned.1.call-start
scs
__scs_entry_jumppad:
0x0: {  	(pc) =	sbr.rel $0x88, $3  }
0x1: {  	(tag) =	ssettag $0x0;
	lr =	simm.s32 $0x1  }
0x2: {  	[smem:$0x3F95] =	sst lr;
	_ =	strace $0xD0000000  }
0x3: {  	_ = 	snop  }
0x4: {  	_ = 	snop  }
0x5: {  	_ = 	snop  }
0x6: {  	_ = 	snop  }
0x7: {  	_ = 	snop  }
__scs_overlays_trampoline_lowered:
0x8: {  	[smem:$0x3FA4] =	sst s0  }
0x9: {  	[smem:$0x3FA5] =	sst s1  }
0xa: {  	[smem:$0x3FA6] =	sst s2  }
0xb: {  	[smem:$0x3FA7] =	sst s3  }
0xc: {  	[smem:$0x3FA8] =	sst s4  }
0xd: {  	[smem:$0x3FA9] =	sst s5  }
0xe: {  	[smem:$0x3FAA] =	sst s6  }
0xf: {  	[smem:$0x3FAB] =	sst s7  }
0x10: {  	[smem:$0x3FAC] =	sst s8  }
0x11: {  	[smem:$0x3FAD] =	sst s9;
	s0 =	simm.s32 @!p0 $0x0  }
0x12: {  	s1 =	sld [smem:$0x3F93];
	s0 =	simm.s32 @p0 $0x1  }
0x13: {  	[smem:$0x3FAE] =	sst s0;
	s0 =	simm.s32 @!p1 $0x0  }
0x14: {  	s2 =	sld [smem:$0x3F92];
	s0 =	simm.s32 @p1 $0x1  }
0x15: {  	[smem:$0x3FAF] =	sst s0;
	s0 =	simm.s32 @!p2 $0x0  }
0x16: {  	s3 =	sld [smem:$0x3FDB];
	s0 =	simm.s32 @p2 $0x1  }
0x17: {  	s4 =	simm.s32 $0x1BF5;
	[smem:$0x3FB1] =	sst s0  }
0x18: {  	s0 =	sld [smem:$0x3F94];
	_ =	swait.ge [sflag:s4], $0x0  }
0x19: {  	s7 =	sld [smem:$0x3F95]  }
0x1a: {  	s8 =	sadd.s32 $0xFFFFE003, lr  }
0x1b: {  	s9 =	sadd.s32 $0xFFFFFEF7, lr;
	s5 =	simm.s32 $0xFFFFFFFF;
	p2 =	slt.u32 s8, $0xFFFFF086  }
0x1c: {  	p1 =	slt.u32 s9, $0xF7A;
	s5 =	simm.s32 @!p2 $0x0  }
0x1d: {  	s5 =	simm.s32 @p1 $0x1;
	p0 =	seq.s32 s7, s2  }
0x1e: {  	s7 =	smul.u32 @!p0 $0xF7A, s2;
	p2 =	seq.s32 @!p0 s5, $0x0  }
0x1f: {  	s9 =	smul.u32 $0xF7A, s1;
	s8 =	simm.s32 @!p0 $0x1BF5;
	p2 =	por !p2, p0  }
0x20: {  	[sflag:s8] =	ssyncset.s32 @!p0 $0xFFFFF086;
	s6 =	sadd.s32 @!p0 s3, s7;
	s7 =	simm.s32 @!p0 $0x108  }
0x21: {  	s3 =	sadd.s32 s3, s9;
	s6 =	sadd.s32 @!p0 $0x88, s6;
	s7 =	simm.s32 @p2 $0x1082  }
0x22: {  	[simem:s7], [sflag:s8] =	dma.local @!p0 [hbm:s6], $0xF7A  }
0x23: {  	s9 =	sor.u32 $0xD0000000, s2;
	s6 =	simm.s32 $0x108;
	_ =	swait.ge @!p0 [sflag:s8], $0x0  }
0x24: {  	s3 =	sadd.s32 $0x88, s3;
	s6 =	simm.s32 @!p1 $0x1082;
	[sflag:s4] =	ssyncset.s32 $0xFFFFF086  }
0x25: {  	[simem:s6], [sflag:s4] =	dma.local [hbm:s3], $0xF7A  }
0x26: {  	[smem:$0x3F95] =	sst s1;
	(tag) =	ssettag s2;
	_ =	strace s9  }
0x27: {  	s1 =	sld [smem:$0x3FA5]  }
0x28: {  	s2 =	sld [smem:$0x3FA6]  }
0x29: {  	s4 =	sld [smem:$0x3FA8]  }
0x2a: {  	p0 =	seq.s32 s5, $0x0;
	s5 =	sld [smem:$0x3FA9]  }
0x2b: {  	s6 =	sld [smem:$0x3FAA]  }
0x2c: {  	s7 =	sld [smem:$0x3FAB]  }
0x2d: {  	s3 =	simm.s32 $0x108;
	s8 =	sld [smem:$0x3FAC]  }
0x2e: {  	s3 =	simm.s32 @!p0 $0x1082;
	s9 =	sld [smem:$0x3FAD]  }
0x2f: {  	lr =	sadd.s32 s0, s3;
	s0 =	sld [smem:$0x3FA4]  }
0x30: {  	s3 =	sld [smem:$0x3FA7]  }
0x31: {  	[smem:$0x3FB0] =	sst s10  }
0x32: {  	s10 =	sld [smem:$0x3FAE];
	_ =	sdelay $0x3  }
0x33: {  	p0 =	seq.s32 s10, $0x1;
	s10 =	sld [smem:$0x3FB0];
	_ =	sdelay $0x3  }
0x34: {  	[smem:$0x3FB0] =	sst s10  }
0x35: {  	s10 =	sld [smem:$0x3FAF];
	_ =	sdelay $0x3  }
0x36: {  	p1 =	seq.s32 s10, $0x1;
	s10 =	sld [smem:$0x3FB0];
	_ =	sdelay $0x3  }
0x37: {  	[smem:$0x3FB0] =	sst s10  }
0x38: {  	s10 =	sld [smem:$0x3FB1]  }
0x39: {  	_ = 	snop;
	(pc) =	sbr.ind lr, $3  }
0x3a: {  	_ = 	snop  }
0x3b: {  	_ = 	snop  }
0x3c: {  	p2 =	seq.s32 s10, $0x1;
	s10 =	sld [smem:$0x3FB0]  }
0x3d: {  	_ =	shalt  }
0x3e: {  	_ =	shalt  }
0x3f: {  	_ =	shalt  }
0x40: {  	_ =	shalt  }
0x41: {  	_ =	shalt  }
0x42: {  	_ =	shalt  }
0x43: {  	_ =	shalt  }
0x44: {  	_ =	shalt  }
0x45: {  	_ =	shalt  }
0x46: {  	_ =	shalt  }
0x47: {  	_ =	shalt  }
0x48: {  	_ =	shalt  }
0x49: {  	_ =	shalt  }
0x4a: {  	_ =	shalt  }
0x4b: {  	_ =	shalt  }
0x4c: {  	_ =	shalt  }
0x4d: {  	_ =	shalt  }
0x4e: {  	_ =	shalt  }
0x4f: {  	_ =	shalt  }
0x50: {  	_ =	shalt  }
0x51: {  	_ =	shalt  }
0x52: {  	_ =	shalt  }
0x53: {  	_ =	shalt  }
0x54: {  	_ =	shalt  }
0x55: {  	_ =	shalt  }
0x56: {  	_ =	shalt  }
0x57: {  	_ =	shalt  }
0x58: {  	_ =	shalt  }
0x59: {  	_ =	shalt  }
0x5a: {  	_ =	shalt  }
0x5b: {  	_ =	shalt  }
0x5c: {  	_ =	shalt  }
0x5d: {  	_ =	shalt  }
0x5e: {  	_ =	shalt  }
0x5f: {  	_ =	shalt  }
0x60: {  	_ =	shalt  }
0x61: {  	_ =	shalt  }
0x62: {  	_ =	shalt  }
0x63: {  	_ =	shalt  }
0x64: {  	_ =	shalt  }
0x65: {  	_ =	shalt  }
0x66: {  	_ =	shalt  }
0x67: {  	_ =	shalt  }
0x68: {  	_ =	shalt  }
0x69: {  	_ =	shalt  }
0x6a: {  	_ =	shalt  }
0x6b: {  	_ =	shalt  }
0x6c: {  	_ =	shalt  }
0x6d: {  	_ =	shalt  }
0x6e: {  	_ =	shalt  }
0x6f: {  	_ =	shalt  }
0x70: {  	_ =	shalt  }
0x71: {  	_ =	shalt  }
0x72: {  	_ =	shalt  }
0x73: {  	_ =	shalt  }
0x74: {  	_ =	shalt  }
0x75: {  	_ =	shalt  }
0x76: {  	_ =	shalt  }
0x77: {  	_ =	shalt  }
0x78: {  	_ =	shalt  }
0x79: {  	_ =	shalt  }
0x7a: {  	_ =	shalt  }
0x7b: {  	_ =	shalt  }
0x7c: {  	_ =	shalt  }
0x7d: {  	_ =	shalt  }
0x7e: {  	_ =	shalt  }
0x7f: {  	_ =	shalt  }
0x80: {  	_ =	shalt  }
0x81: {  	_ =	shalt  }
0x82: {  	_ =	shalt  }
0x83: {  	_ =	shalt  }
0x84: {  	_ =	shalt  }
0x85: {  	_ =	shalt  }
0x86: {  	_ =	shalt  }
0x87: {  	_ =	shalt  }
.Lfunc_end0:
.L_simem_size_0:
called_computation_lowered:
.L_overlay_start_0:
0x88: {  	s2 =	sld [smem:$0x3FD9]  }
0x89: {  	s3 =	sld [smem:$0x3FFE];
	_ =	sdelay $0x1  }
0x8a: {  	s1 =	srdreg.scid  }
0x8b: {  	s0 =	sand.u32 $0x1, s1  }
0x8c: {  	s14 =	sshll.u32 s0, $0xA;
	s2 =	sadd.s32 s3, s2  }
0x8d: {  	s2 =	sadd.s32 s2, s14  }
0x8e: {  	[smem:$0x3FBC] =	sst s2  }
0x8f: {  	_ = 	snop  }
0x90: {  	s2 =	sld [smem:$0x3FD0];
	_ =	sdelay $0x2  }
0x91: {  	s15 =	simm.s32 $0xB;
	s4 =	simm.s32 $0x10  }
0x92: {  	[smem:s4], [sflag:s15] =	dma.local [hbm:s2], $0x1  }
0x93: {  	_ =	swait.eq [sflag:s15], $0x1  }
0x94: {  	[sflag:s15] =	ssyncset.done $0x0  }
0x95: {  	s16 =	sld [smem:$0x10];
	[sflag:s15] =	ssyncadd.s32 $0xFFFFFFFF  }
0x96: {  	s17 =	sld [smem:$0x11];
	(tm) =	ssettm $0x1  }
0x97: {  	s18 =	sld [smem:$0x3FFB];
	_ =	sdelay $0x3  }
0x98: {  	_ =	strace s18  }
0x99: {  	s4 =	sld [smem:$0x3FFC];
	_ =	sdelay $0x3  }
0x9a: {  	_ =	strace s4  }
0x9b: {  	s4 =	sld [smem:$0x3FFD];
	_ =	sdelay $0x3  }
0x9c: {  	_ =	strace s4  }
0x9d: {  	_ =	strace $0x8FFFFFFF  }
0x9e: {  	s19 =	sld [smem:$0x3FDB];
	_ =	sdelay $0x1  }
0x9f: {  	s5 =	simm.s32 $_scs_section_size  }
0xa0: {  	s6 =	simm.s32 $_size__tile_overlayer_lowered;
	s7 =	simm.s32 $_tile_overlayer_lowered  }
0xa1: {  	s22 =	simm.s32 $0x1BFF;
	s21 =	sshll.u32 s7, $0x1;
	s4 =	sadd.s32 s5, s19  }
0xa2: {  	s8 =	simm.s32 $0x0;
	s20 =	sshll.u32 s6, $0x1;
	s6 =	sadd.s32 s21, s4  }
0xa3: {  	[timem:s8], [sflag:s22] =	dma.local [hbm:s6], s20  }
0xa4: {  	_ =	swait.ge [sflag:s22], s20  }
0xa5: {  	s5 =	ssub.s32 $0x0, s20;
	[sflag:s22] =	ssyncset.done $0x0  }
0xa6: {  	[sflag:s22] =	ssyncadd.s32 s5;
	_ =	sdelay $0x1  }
0xa7: {  	s23 =	simm.s32 $0x1B8B  }
0xa8: {  	_ =	swait.ge [sflag:s23], $0x1  }
0xa9: {  	[sflag:s23] =	ssyncset.done $0x0  }
0xaa: {  	s25 =	simm.s32 $0x1B8E;
	s24 =	sld [smem:$0x3FFE];
	[sflag:s23] =	ssyncadd.s32 $0xFFFFFFFF  }
0xab: {  	s26 =	simm.s32 $execute0_lowered;
	[smem:$0x3FD2] =	sst s25  }
0xac: {  	s6 =	sshll.u32 s26, $0x1;
	_ =	strace $0x80000046;
	[dreg:$0x1] =	wrdreg $0xFFFFFFFF  }
0xad: {  	s28 =	simm.s32 $_size_execute0_lowered;
	s4 =	sadd.s32 s4, s6;
	[dreg:$0x0] =	wrdreg $0x0  }
0xae: {  	s6 =	sshll.u32 s28, $0x1;
	[dreg:$0x2] =	wrdreg s4  }
0xaf: {  	[dreg:$0x3] =	wrdreg s6  }
0xb0: {  	[dreg:$0x4] =	wrdreg $0xC0  }
0xb1: {  	_ =	task [dreg:s8], $0x5FFFF  }
0xb2: {  	[dreg:$0x1] =	wrdreg $0xFFFFFFFF  }
0xb3: {  	[dreg:$0x0] =	wrdreg $0x60  }
0xb4: {  	[dreg:$0x2] =	wrdreg s24  }
0xb5: {  	[dreg:$0x3] =	wrdreg s16  }
0xb6: {  	[dreg:$0x4] =	wrdreg s17  }
0xb7: {  	[dreg:$0x5] =	wrdreg $0x9  }
0xb8: {  	_ =	task.clear_ibuf [dreg:s8], $0x6FFFF;
	_ =	strace $0x90000046  }
0xb9: {  	s29 =	simm.s32 $0x9;
	_ =	strace $0x80000048  }
0xba: {  	_ =	swait.ge [sflag:s29], $0x1  }
0xbb: {  	[sflag:s29] =	ssyncadd.s32 $0xFFFFFFFF  }
0xbc: {  	_ =	strace $0x90000048  }
0xbd: {  	_ =	sfence  }
0xbe: {  	s30 =	sld [smem:$0x0];
	_ =	sdelay $0x2  }
0xbf: {  	s31 =	sshll.u32 s1, $0xD;
	s1 =	sshrl.u32 s1, $0x2  }
0xc0: {  	s3 =	sand.u32 $0x4000, s31;
	s1 =	sadd.s32 s1, s30  }
0xc1: {  	s0 =	sor.u32 s3, s0;
	s1 =	sshll.u32 s1, $0x11  }
0xc2: {  	s0 =	sor.u32 s1, s0  }
0xc3: {  	s0 =	sadd.s32 $0x8F2B, s0  }
0xc4: {  	[sflag:s0] =	ssyncadd.remote.s32 $0x1  }
0xc5: {  	_ =	sfence.sel $0xFFFF  }
0xc6: {  	[dreg:$0x0] =	wrdreg $0xFFFFFFFF;
	(pc) =	sbr.abs _section_cstart, $3  }
0xc7: {  	[dreg:$0x1] =	wrdreg $0xFFFFFFFF  }
0xc8: {  	_ =	task.clear_ibuf [dreg:s8], $0x2FFFF;
	_ =	strace $0x9FFFFFFF  }
0xc9: {  	(tm) =	ssettm $0x7FFFFFFF  }
tec
execute0_lowered:
.L_overlay_start_1:
0x0: {  	(tag) =	ssettag $0x1  }
0x1: {  	s0 =	rddreg [dreg:$0x0];
	s1 =	srdreg.scid  }
0x2: {  	s14 =	stileid.u32;
	s2 =	rddreg [dreg:$0x1]  }
0x3: {  	s6 =	rddreg [dreg:$0x2];
	s15 =	simm.s32 $0x3800;
	s31 =	simm.s32 $0x13800  }
0x4: {  	s30 =	simm.s32 $0x14000;
	s29 =	simm.s32 $0x14800;
	s28 =	simm.s32 $0x15000  }
0x5: {  	s17 =	simm.s32 $0x17800;
	s1 =	sand.u32 $0x1, s1;
	s3 =	sshll.u32 s14, $0x1  }
0x6: {  	s5 =	sadd.s32 $0x56800, s0;
	s10 =	sadd.s32 $0xA4A00, s0;
	s18 =	smul.u32 $0x4E200, s14  }
0x7: {  	s7 =	sor.u32 s1, s3;
	s11 =	ssub.s32 $0x2, s1;
	s1 =	smul.u32 $0x27100, s1  }
0x8: {  	s12 =	sadd.s32 $0x586A00, s0;
	s3 =	simm.s32 $0x0;
	s4 =	smul.u32 $0x1388, s7  }
0x9: {  	s14 =	simm.s32 $0x2800;
	[smem:$0x7FF] =	sst s3;
	s7 =	smul.u32 $0x138800, s7  }
0xa: {  	s13 =	sshrl.u32 s11, $0x1;
	s20 =	sadd.s32 s18, s10;
	s22 =	sadd.s32 s18, s12  }
0xb: {  	_ =	strace $0x80000047;
	s11 =	ssub.s32 s11, s13;
	s23 =	sadd.s32 s1, s22  }
0xc: {  	s22 =	simm.s32 $0x4000;
	s13 =	simm.s32 $0x1A800;
	s8 =	sshrl.u32 s4, $0x3  }
0xd: {  	s4 =	sadd.s32 $0x8600, s0;
	s7 =	sshrl.u32 s7, $0x3;
	[dreg:$0x5] =	wrdreg s23  }
0xe: {  	s26 =	smax.u32 s11, $0x1;
	s11 =	simm.s32 $0xF000;
	s23 =	simm.s32 $0x17000  }
0xf: {  	s9 =	sadd.s32 s8, s0;
	s0 =	sadd.s32 $0xA68A00, s0;
	s7 =	sadd.s32 $0x25800, s7  }
0x10: {  	s6 =	sadd.s32 s6, s8;
	[dreg:$0xc] =	wrdreg s26;
	s26 =	simm.s32 $0x15800  }
0x11: {  	s8 =	simm.s32 $0x19000;
	s9 =	sadd.s32 $0x3600, s9;
	[dreg:$0x8] =	wrdreg s6  }
0x12: {  	s19 =	sadd.s32 s10, s7;
	s21 =	sadd.s32 s12, s7;
	[dreg:$0x7] =	wrdreg s9  }
0x13: {  	s6 =	sadd.s32 s1, s20;
	s24 =	sadd.s32 s18, s0;
	[dreg:$0x9] =	wrdreg s19  }
0x14: {  	s0 =	sadd.s32 s0, s7;
	s12 =	simm.s32 $0x3;
	[dreg:$0xa] =	wrdreg s21  }
0x15: {  	s18 =	simm.s32 $0x1;
	s10 =	simm.s32 $0x18000;
	[dreg:$0x4] =	wrdreg s6  }
0x16: {  	s7 =	simm.s32 $0x19800;
	[dreg:$0xb] =	wrdreg s0;
	s25 =	sadd.s32 s1, s24  }
0x17: {  	v2 =	vlaneseq.u32;
	s21 =	simm.s32 $0x3000;
	s19 =	simm.s32 $0x2;
	s0 =	simm.s32 $0x0  }
0x18: {  	vm0 =	vmmov $0xffff;
	v1 =	vshrl.u32 v2, $0x3;
	s1 =	simm.s32 $0x13000;
	s24 =	simm.s32 $0x16800;
	s9 =	simm.s32 $0x18800  }
0x19: {  	v0 =	vand.u32 $0x7, v2;
	v2 =	vor.u32 $0x8, v2;
	v1 =	vmul.u32 $0x8, v1;
	s6 =	simm.s32 $0x1A000;
	[dreg:$0x6] =	wrdreg s25;
	s25 =	simm.s32 $0x16000  }
.LBB2_1:
0x1a: {  	[dreg:$0xd] =	wrdreg s0  }
0x1b: {  	s16 =	rddreg [dreg:$0x7]  }
0x1c: {  	[tilespmem:s3], [sflag:$0x3] =	stream.linear.gather [hbm4b:s16+s3], $0x1388, $0x38;
	[tilespmem:$0x1B800] =	vst v63  }
0x1d: {  	_ =	swait.ge [sflag:s12], $0x1388  }
0x1e: {  	[sflag:s12] =	ssyncset.done $0x0  }
0x1f: {  	s20 =	simm.s32 $0x1400;
	s0 =	rddreg [dreg:$0x8];
	[sflag:s12] =	ssyncadd.s32 $0xFFFFEC78  }
0x20: {  	[tilespmem:s20], [sflag:$0x3] =	stream.linear.gather [hbm4b:s0+s3], $0x1388, $0x38;
	[tilespmem:$0x1B800] =	vst v63  }
0x21: {  	_ =	swait.ge [sflag:s12], $0x1388  }
0x22: {  	s16 =	simm.s32 $0x0;
	[sflag:s12] =	ssyncset.done $0x0  }
0x23: {  	s20 =	simm.s32 $0xC8;
	s0 =	simm.s32 $0x1B000;
	[sflag:s12] =	ssyncadd.s32 $0xFFFFEC78  }
.LBB2_2:
0x24: {  	v3 =	vld [tilespmem:s20+$0xFFFFFF38];
	_ =	sdelay $0x4  }
0x25: {  	v4 =	vshll.u32 v3, $0x1  }
0x26: {  	v3 =	vand.u32 $0x7, v3;
	v4 =	vand.u32 $0xFFFFFFF0, v4  }
0x27: {  	v3 =	vor.u32 v3, v4  }
0x28: {  	v4 =	vperm.xlane v3, v0;
	_ =	sdelay $0x1  }
0x29: {  	v3 =	vperm.xlane v3, v2;
	v4 =	vadd.s32 v1, v4;
	_ =	sdelay $0x1  }
0x2a: {  	v3 =	vadd.s32 v1, v3;
	_ =	sdelay $0x2  }
0x2b: {  	[tilespmem:s14], [sflag:$0x1] =	stream.indirect_vreg.gather [hbm4b:s4+s3], $0x80, v4, vm0, $0xb8;
	[tilespmem:$0x1B800] =	vst v63  }
0x2c: {  	_ = 	snop  }
0x2d: {  	[tilespmem:s21], [sflag:$0x1] =	stream.indirect_vreg.gather [hbm4b:s4+s3], $0x80, v3, vm0, $0xb8;
	[tilespmem:$0x1B800] =	vst v63  }
0x2e: {  	v3 =	vld [tilespmem:s20+$0xFFFFFF48];
	_ =	sdelay $0x4  }
0x2f: {  	v39 =	vshll.u32 v3, $0x1  }
0x30: {  	v3 =	vand.u32 $0x7, v3;
	v4 =	vand.u32 $0xFFFFFFF0, v39  }
0x31: {  	v3 =	vor.u32 v3, v4  }
0x32: {  	v4 =	vperm.xlane v3, v0;
	_ =	sdelay $0x1  }
0x33: {  	v3 =	vperm.xlane v3, v2;
	v4 =	vadd.s32 v1, v4;
	_ =	sdelay $0x1  }
0x34: {  	v3 =	vadd.s32 v1, v3;
	_ =	sdelay $0x2  }
0x35: {  	[tilespmem:s15], [sflag:$0x1] =	stream.indirect_vreg.gather [hbm4b:s4+s3], $0x80, v4, vm0, $0xb8;
	[tilespmem:$0x1B800] =	vst v63  }
0x36: {  	_ = 	snop  }
0x37: {  	[tilespmem:s22], [sflag:$0x1] =	stream.indirect_vreg.gather [hbm4b:s4+s3], $0x80, v3, vm0, $0xb8;
	[tilespmem:$0x1B800] =	vst v63  }
0x38: {  	v3 =	vld [tilespmem:s20+$0xFFFFFF58];
	_ =	sdelay $0x4  }
0x39: {  	v40 =	vshll.u32 v3, $0x1  }
0x3a: {  	v3 =	vand.u32 $0x7, v3;
	v4 =	vand.u32 $0xFFFFFFF0, v40  }
0x3b: {  	v3 =	vor.u32 v3, v4  }
0x3c: {  	v4 =	vperm.xlane v3, v0;
	_ =	sdelay $0x1  }
0x3d: {  	v3 =	vperm.xlane v3, v2;
	v4 =	vadd.s32 v1, v4;
	_ =	sdelay $0x1  }
0x3e: {  	v3 =	vadd.s32 v1, v3;
	_ =	sdelay $0x1  }
0x3f: {  	s21 =	simm.s32 $0x4800  }
0x40: {  	[tilespmem:s21], [sflag:$0x1] =	stream.indirect_vreg.gather [hbm4b:s4+s3], $0x80, v4, vm0, $0xb8;
	[tilespmem:$0x1B800] =	vst v63  }
0x41: {  	s21 =	simm.s32 $0x5000  }
0x42: {  	[tilespmem:s21], [sflag:$0x1] =	stream.indirect_vreg.gather [hbm4b:s4+s3], $0x80, v3, vm0, $0xb8;
	[tilespmem:$0x1B800] =	vst v63  }
0x43: {  	v3 =	vld [tilespmem:s20+$0xFFFFFF68];
	_ =	sdelay $0x4  }
0x44: {  	v41 =	vshll.u32 v3, $0x1  }
0x45: {  	v3 =	vand.u32 $0x7, v3;
	v4 =	vand.u32 $0xFFFFFFF0, v41  }
0x46: {  	v3 =	vor.u32 v3, v4  }
0x47: {  	v4 =	vperm.xlane v3, v0;
	_ =	sdelay $0x1  }
0x48: {  	v3 =	vperm.xlane v3, v2;
	v4 =	vadd.s32 v1, v4;
	_ =	sdelay $0x1  }
0x49: {  	v3 =	vadd.s32 v1, v3;
	_ =	sdelay $0x1  }
0x4a: {  	s21 =	simm.s32 $0x5800  }
0x4b: {  	[tilespmem:s21], [sflag:$0x1] =	stream.indirect_vreg.gather [hbm4b:s4+s3], $0x80, v4, vm0, $0xb8;
	[tilespmem:$0x1B800] =	vst v63  }
0x4c: {  	s21 =	simm.s32 $0x6000  }
0x4d: {  	[tilespmem:s21], [sflag:$0x1] =	stream.indirect_vreg.gather [hbm4b:s4+s3], $0x80, v3, vm0, $0xb8;
	[tilespmem:$0x1B800] =	vst v63  }
0x4e: {  	v3 =	vld [tilespmem:s20+$0xFFFFFF78];
	_ =	sdelay $0x4  }
0x4f: {  	v42 =	vshll.u32 v3, $0x1  }
0x50: {  	v3 =	vand.u32 $0x7, v3;
	v4 =	vand.u32 $0xFFFFFFF0, v42  }
0x51: {  	v3 =	vor.u32 v3, v4  }
0x52: {  	v4 =	vperm.xlane v3, v0;
	_ =	sdelay $0x1  }
0x53: {  	v3 =	vperm.xlane v3, v2;
	v4 =	vadd.s32 v1, v4;
	_ =	sdelay $0x1  }
0x54: {  	v3 =	vadd.s32 v1, v3;
	_ =	sdelay $0x1  }
0x55: {  	s21 =	simm.s32 $0x6800  }
0x56: {  	[tilespmem:s21], [sflag:$0x1] =	stream.indirect_vreg.gather [hbm4b:s4+s3], $0x80, v4, vm0, $0xb8;
	[tilespmem:$0x1B800] =	vst v63  }
0x57: {  	s21 =	simm.s32 $0x7000  }
0x58: {  	[tilespmem:s21], [sflag:$0x1] =	stream.indirect_vreg.gather [hbm4b:s4+s3], $0x80, v3, vm0, $0xb8;
	[tilespmem:$0x1B800] =	vst v63  }
0x59: {  	v3 =	vld [tilespmem:s20+$0xFFFFFF88];
	_ =	sdelay $0x4  }
0x5a: {  	v43 =	vshll.u32 v3, $0x1  }
0x5b: {  	v3 =	vand.u32 $0x7, v3;
	v4 =	vand.u32 $0xFFFFFFF0, v43  }
0x5c: {  	v3 =	vor.u32 v3, v4  }
0x5d: {  	v4 =	vperm.xlane v3, v0;
	_ =	sdelay $0x1  }
0x5e: {  	v3 =	vperm.xlane v3, v2;
	v4 =	vadd.s32 v1, v4;
	_ =	sdelay $0x1  }
0x5f: {  	v3 =	vadd.s32 v1, v3;
	_ =	sdelay $0x1  }
0x60: {  	s21 =	simm.s32 $0x7800  }
0x61: {  	[tilespmem:s21], [sflag:$0x1] =	stream.indirect_vreg.gather [hbm4b:s4+s3], $0x80, v4, vm0, $0xb8;
	[tilespmem:$0x1B800] =	vst v63  }
0x62: {  	s21 =	simm.s32 $0x8000  }
0x63: {  	[tilespmem:s21], [sflag:$0x1] =	stream.indirect_vreg.gather [hbm4b:s4+s3], $0x80, v3, vm0, $0xb8;
	[tilespmem:$0x1B800] =	vst v63  }
0x64: {  	v3 =	vld [tilespmem:s20+$0xFFFFFF98];
	_ =	sdelay $0x4  }
0x65: {  	v44 =	vshll.u32 v3, $0x1  }
0x66: {  	v3 =	vand.u32 $0x7, v3;
	v4 =	vand.u32 $0xFFFFFFF0, v44  }
0x67: {  	v3 =	vor.u32 v3, v4  }
0x68: {  	v4 =	vperm.xlane v3, v0;
	_ =	sdelay $0x1  }
0x69: {  	v3 =	vperm.xlane v3, v2;
	v4 =	vadd.s32 v1, v4;
	_ =	sdelay $0x1  }
0x6a: {  	v3 =	vadd.s32 v1, v3;
	_ =	sdelay $0x1  }
0x6b: {  	s21 =	simm.s32 $0x8800  }
0x6c: {  	[tilespmem:s21], [sflag:$0x1] =	stream.indirect_vreg.gather [hbm4b:s4+s3], $0x80, v4, vm0, $0xb8;
	[tilespmem:$0x1B800] =	vst v63  }
0x6d: {  	s21 =	simm.s32 $0x9000  }
0x6e: {  	[tilespmem:s21], [sflag:$0x1] =	stream.indirect_vreg.gather [hbm4b:s4+s3], $0x80, v3, vm0, $0xb8;
	[tilespmem:$0x1B800] =	vst v63  }
0x6f: {  	v3 =	vld [tilespmem:s20+$0xFFFFFFA8];
	_ =	sdelay $0x4  }
0x70: {  	v45 =	vshll.u32 v3, $0x1  }
0x71: {  	v3 =	vand.u32 $0x7, v3;
	v4 =	vand.u32 $0xFFFFFFF0, v45  }
0x72: {  	v3 =	vor.u32 v3, v4  }
0x73: {  	v4 =	vperm.xlane v3, v0;
	_ =	sdelay $0x1  }
0x74: {  	v3 =	vperm.xlane v3, v2;
	v4 =	vadd.s32 v1, v4;
	_ =	sdelay $0x1  }
0x75: {  	v3 =	vadd.s32 v1, v3;
	_ =	sdelay $0x1  }
0x76: {  	s21 =	simm.s32 $0x9800  }
0x77: {  	[tilespmem:s21], [sflag:$0x1] =	stream.indirect_vreg.gather [hbm4b:s4+s3], $0x80, v4, vm0, $0xb8;
	[tilespmem:$0x1B800] =	vst v63  }
0x78: {  	s21 =	simm.s32 $0xA000  }
0x79: {  	[tilespmem:s21], [sflag:$0x1] =	stream.indirect_vreg.gather [hbm4b:s4+s3], $0x80, v3, vm0, $0xb8;
	[tilespmem:$0x1B800] =	vst v63  }
0x7a: {  	v3 =	vld [tilespmem:s20+$0xFFFFFFB8];
	_ =	sdelay $0x4  }
0x7b: {  	v46 =	vshll.u32 v3, $0x1  }
0x7c: {  	v3 =	vand.u32 $0x7, v3;
	v4 =	vand.u32 $0xFFFFFFF0, v46  }
0x7d: {  	v3 =	vor.u32 v3, v4  }
0x7e: {  	v4 =	vperm.xlane v3, v0;
	_ =	sdelay $0x1  }
0x7f: {  	v3 =	vperm.xlane v3, v2;
	v4 =	vadd.s32 v1, v4;
	_ =	sdelay $0x1  }
0x80: {  	v3 =	vadd.s32 v1, v3;
	_ =	sdelay $0x1  }
0x81: {  	s21 =	simm.s32 $0xA800  }
0x82: {  	[tilespmem:s21], [sflag:$0x1] =	stream.indirect_vreg.gather [hbm4b:s4+s3], $0x80, v4, vm0, $0xb8;
	[tilespmem:$0x1B800] =	vst v63  }
0x83: {  	s21 =	simm.s32 $0xB000  }
0x84: {  	[tilespmem:s21], [sflag:$0x1] =	stream.indirect_vreg.gather [hbm4b:s4+s3], $0x80, v3, vm0, $0xb8;
	[tilespmem:$0x1B800] =	vst v63  }
0x85: {  	v3 =	vld [tilespmem:s20+$0xFFFFFFC8];
	_ =	sdelay $0x4  }
0x86: {  	v47 =	vshll.u32 v3, $0x1  }
0x87: {  	v3 =	vand.u32 $0x7, v3;
	v4 =	vand.u32 $0xFFFFFFF0, v47  }
0x88: {  	v3 =	vor.u32 v3, v4  }
0x89: {  	v4 =	vperm.xlane v3, v0;
	_ =	sdelay $0x1  }
0x8a: {  	v3 =	vperm.xlane v3, v2;
	v4 =	vadd.s32 v1, v4;
	_ =	sdelay $0x1  }
0x8b: {  	v3 =	vadd.s32 v1, v3;
	_ =	sdelay $0x1  }
0x8c: {  	s21 =	simm.s32 $0xB800  }
0x8d: {  	[tilespmem:s21], [sflag:$0x1] =	stream.indirect_vreg.gather [hbm4b:s4+s3], $0x80, v4, vm0, $0xb8;
	[tilespmem:$0x1B800] =	vst v63  }
0x8e: {  	s21 =	simm.s32 $0xC000  }
0x8f: {  	[tilespmem:s21], [sflag:$0x1] =	stream.indirect_vreg.gather [hbm4b:s4+s3], $0x80, v3, vm0, $0xb8;
	[tilespmem:$0x1B800] =	vst v63  }
0x90: {  	v3 =	vld [tilespmem:s20+$0xFFFFFFD8];
	_ =	sdelay $0x4  }
0x91: {  	v48 =	vshll.u32 v3, $0x1  }
0x92: {  	v3 =	vand.u32 $0x7, v3;
	v4 =	vand.u32 $0xFFFFFFF0, v48  }
0x93: {  	v3 =	vor.u32 v3, v4  }
0x94: {  	v4 =	vperm.xlane v3, v0;
	_ =	sdelay $0x1  }
0x95: {  	v3 =	vperm.xlane v3, v2;
	v4 =	vadd.s32 v1, v4;
	_ =	sdelay $0x1  }
0x96: {  	v3 =	vadd.s32 v1, v3;
	_ =	sdelay $0x1  }
0x97: {  	s21 =	simm.s32 $0xC800  }
0x98: {  	[tilespmem:s21], [sflag:$0x1] =	stream.indirect_vreg.gather [hbm4b:s4+s3], $0x80, v4, vm0, $0xb8;
	[tilespmem:$0x1B800] =	vst v63  }
0x99: {  	s21 =	simm.s32 $0xD000  }
0x9a: {  	[tilespmem:s21], [sflag:$0x1] =	stream.indirect_vreg.gather [hbm4b:s4+s3], $0x80, v3, vm0, $0xb8;
	[tilespmem:$0x1B800] =	vst v63  }
0x9b: {  	v3 =	vld [tilespmem:s20+$0xFFFFFFE8];
	_ =	sdelay $0x4  }
0x9c: {  	v49 =	vshll.u32 v3, $0x1  }
0x9d: {  	v3 =	vand.u32 $0x7, v3;
	v4 =	vand.u32 $0xFFFFFFF0, v49  }
0x9e: {  	v3 =	vor.u32 v3, v4  }
0x9f: {  	v4 =	vperm.xlane v3, v0;
	_ =	sdelay $0x1  }
0xa0: {  	v3 =	vperm.xlane v3, v2;
	v4 =	vadd.s32 v1, v4;
	_ =	sdelay $0x1  }
0xa1: {  	v3 =	vadd.s32 v1, v3;
	_ =	sdelay $0x1  }
0xa2: {  	s21 =	simm.s32 $0xD800  }
0xa3: {  	[tilespmem:s21], [sflag:$0x1] =	stream.indirect_vreg.gather [hbm4b:s4+s3], $0x80, v4, vm0, $0xb8;
	[tilespmem:$0x1B800] =	vst v63  }
0xa4: {  	s21 =	simm.s32 $0xE000  }
0xa5: {  	[tilespmem:s21], [sflag:$0x1] =	stream.indirect_vreg.gather [hbm4b:s4+s3], $0x80, v3, vm0, $0xb8;
	[tilespmem:$0x1B800] =	vst v63  }
0xa6: {  	v3 =	vld.msk [tilespmem:s20+$0xFFFFFFF8], $0xff;
	_ =	sdelay $0x4  }
0xa7: {  	v50 =	vshll.u32 v3, $0x1  }
0xa8: {  	v3 =	vand.u32 $0x7, v3;
	v4 =	vand.u32 $0xFFFFFFF0, v50  }
0xa9: {  	v3 =	vor.u32 v3, v4  }
0xaa: {  	v3 =	vperm.xlane v3, v0;
	_ =	sdelay $0x1  }
0xab: {  	v3 =	vadd.s32 v1, v3;
	_ =	sdelay $0x3  }
0xac: {  	s21 =	simm.s32 $0xE800  }
0xad: {  	[tilespmem:s21], [sflag:$0x1] =	stream.indirect_vreg.gather [hbm4b:s4+s3], $0x80, v3, vm0, $0xb8;
	[tilespmem:$0x1B800] =	vst v63  }
0xae: {  	v3 =	vld [tilespmem:s20+$0x0];
	_ =	sdelay $0x4  }
0xaf: {  	v51 =	vshll.u32 v3, $0x1  }
0xb0: {  	v3 =	vand.u32 $0x7, v3;
	v4 =	vand.u32 $0xFFFFFFF0, v51  }
0xb1: {  	v3 =	vor.u32 v3, v4  }
0xb2: {  	v4 =	vperm.xlane v3, v0;
	_ =	sdelay $0x1  }
0xb3: {  	v3 =	vperm.xlane v3, v2;
	v4 =	vadd.s32 v1, v4;
	_ =	sdelay $0x1  }
0xb4: {  	v3 =	vadd.s32 v1, v3;
	_ =	sdelay $0x2  }
0xb5: {  	[tilespmem:s11], [sflag:$0x2] =	stream.indirect_vreg.gather [hbm4b:s4+s3], $0x80, v4, vm0, $0xb8;
	[tilespmem:$0x1B800] =	vst v63  }
0xb6: {  	s21 =	simm.s32 $0xF800  }
0xb7: {  	[tilespmem:s21], [sflag:$0x2] =	stream.indirect_vreg.gather [hbm4b:s4+s3], $0x80, v3, vm0, $0xb8;
	[tilespmem:$0x1B800] =	vst v63  }
0xb8: {  	v3 =	vld [tilespmem:s20+$0x10];
	_ =	sdelay $0x4  }
0xb9: {  	v52 =	vshll.u32 v3, $0x1  }
0xba: {  	v3 =	vand.u32 $0x7, v3;
	v4 =	vand.u32 $0xFFFFFFF0, v52  }
0xbb: {  	v3 =	vor.u32 v3, v4  }
0xbc: {  	v4 =	vperm.xlane v3, v0;
	_ =	sdelay $0x1  }
0xbd: {  	v3 =	vperm.xlane v3, v2;
	v4 =	vadd.s32 v1, v4;
	_ =	sdelay $0x1  }
0xbe: {  	v3 =	vadd.s32 v1, v3;
	_ =	sdelay $0x1  }
0xbf: {  	s21 =	simm.s32 $0x10000  }
0xc0: {  	[tilespmem:s21], [sflag:$0x2] =	stream.indirect_vreg.gather [hbm4b:s4+s3], $0x80, v4, vm0, $0xb8;
	[tilespmem:$0x1B800] =	vst v63  }
0xc1: {  	s21 =	simm.s32 $0x10800  }
0xc2: {  	[tilespmem:s21], [sflag:$0x2] =	stream.indirect_vreg.gather [hbm4b:s4+s3], $0x80, v3, vm0, $0xb8;
	[tilespmem:$0x1B800] =	vst v63  }
0xc3: {  	v3 =	vld [tilespmem:s20+$0x20];
	_ =	sdelay $0x4  }
0xc4: {  	v53 =	vshll.u32 v3, $0x1  }
0xc5: {  	v3 =	vand.u32 $0x7, v3;
	v4 =	vand.u32 $0xFFFFFFF0, v53  }
0xc6: {  	v3 =	vor.u32 v3, v4  }
0xc7: {  	v4 =	vperm.xlane v3, v0;
	_ =	sdelay $0x1  }
0xc8: {  	v3 =	vperm.xlane v3, v2;
	v4 =	vadd.s32 v1, v4;
	_ =	sdelay $0x1  }
0xc9: {  	v3 =	vadd.s32 v1, v3;
	_ =	sdelay $0x1  }
0xca: {  	s21 =	simm.s32 $0x11000  }
0xcb: {  	[tilespmem:s21], [sflag:$0x2] =	stream.indirect_vreg.gather [hbm4b:s4+s3], $0x80, v4, vm0, $0xb8;
	[tilespmem:$0x1B800] =	vst v63  }
0xcc: {  	s21 =	simm.s32 $0x11800  }
0xcd: {  	[tilespmem:s21], [sflag:$0x2] =	stream.indirect_vreg.gather [hbm4b:s4+s3], $0x80, v3, vm0, $0xb8;
	[tilespmem:$0x1B800] =	vst v63  }
0xce: {  	v3 =	vld [tilespmem:s20+$0x30];
	_ =	sdelay $0x4  }
0xcf: {  	v54 =	vshll.u32 v3, $0x1  }
0xd0: {  	v3 =	vand.u32 $0x7, v3;
	v4 =	vand.u32 $0xFFFFFFF0, v54  }
0xd1: {  	v3 =	vor.u32 v3, v4  }
0xd2: {  	v4 =	vperm.xlane v3, v0;
	_ =	sdelay $0x1  }
0xd3: {  	v3 =	vperm.xlane v3, v2;
	v4 =	vadd.s32 v1, v4;
	_ =	sdelay $0x1  }
0xd4: {  	v3 =	vadd.s32 v1, v3;
	_ =	sdelay $0x1  }
0xd5: {  	s21 =	simm.s32 $0x12000  }
0xd6: {  	[tilespmem:s21], [sflag:$0x2] =	stream.indirect_vreg.gather [hbm4b:s4+s3], $0x80, v4, vm0, $0xb8;
	[tilespmem:$0x1B800] =	vst v63  }
0xd7: {  	s21 =	simm.s32 $0x12800  }
0xd8: {  	[tilespmem:s21], [sflag:$0x2] =	stream.indirect_vreg.gather [hbm4b:s4+s3], $0x80, v3, vm0, $0xb8;
	[tilespmem:$0x1B800] =	vst v63  }
0xd9: {  	v3 =	vld [tilespmem:s20+$0x40];
	_ =	sdelay $0x4  }
0xda: {  	v55 =	vshll.u32 v3, $0x1  }
0xdb: {  	v3 =	vand.u32 $0x7, v3;
	v4 =	vand.u32 $0xFFFFFFF0, v55  }
0xdc: {  	v3 =	vor.u32 v3, v4  }
0xdd: {  	v4 =	vperm.xlane v3, v0;
	_ =	sdelay $0x1  }
0xde: {  	v3 =	vperm.xlane v3, v2;
	v4 =	vadd.s32 v1, v4;
	_ =	sdelay $0x1  }
0xdf: {  	v3 =	vadd.s32 v1, v3;
	_ =	sdelay $0x2  }
0xe0: {  	[tilespmem:s1], [sflag:$0x2] =	stream.indirect_vreg.gather [hbm4b:s4+s3], $0x80, v4, vm0, $0xb8;
	[tilespmem:$0x1B800] =	vst v63  }
0xe1: {  	_ = 	snop  }
0xe2: {  	[tilespmem:s31], [sflag:$0x2] =	stream.indirect_vreg.gather [hbm4b:s4+s3], $0x80, v3, vm0, $0xb8;
	[tilespmem:$0x1B800] =	vst v63  }
0xe3: {  	v3 =	vld [tilespmem:s20+$0x50];
	_ =	sdelay $0x4  }
0xe4: {  	v56 =	vshll.u32 v3, $0x1  }
0xe5: {  	v3 =	vand.u32 $0x7, v3;
	v4 =	vand.u32 $0xFFFFFFF0, v56  }
0xe6: {  	v3 =	vor.u32 v3, v4  }
0xe7: {  	v4 =	vperm.xlane v3, v0;
	_ =	sdelay $0x1  }
0xe8: {  	v3 =	vperm.xlane v3, v2;
	v4 =	vadd.s32 v1, v4;
	_ =	sdelay $0x1  }
0xe9: {  	v3 =	vadd.s32 v1, v3;
	_ =	sdelay $0x2  }
0xea: {  	[tilespmem:s30], [sflag:$0x2] =	stream.indirect_vreg.gather [hbm4b:s4+s3], $0x80, v4, vm0, $0xb8;
	[tilespmem:$0x1B800] =	vst v63  }
0xeb: {  	_ = 	snop  }
0xec: {  	[tilespmem:s29], [sflag:$0x2] =	stream.indirect_vreg.gather [hbm4b:s4+s3], $0x80, v3, vm0, $0xb8;
	[tilespmem:$0x1B800] =	vst v63  }
0xed: {  	v3 =	vld [tilespmem:s20+$0x60];
	_ =	sdelay $0x4  }
0xee: {  	v57 =	vshll.u32 v3, $0x1  }
0xef: {  	v3 =	vand.u32 $0x7, v3;
	v4 =	vand.u32 $0xFFFFFFF0, v57  }
0xf0: {  	v3 =	vor.u32 v3, v4  }
0xf1: {  	v4 =	vperm.xlane v3, v0;
	_ =	sdelay $0x1  }
0xf2: {  	v3 =	vperm.xlane v3, v2;
	v4 =	vadd.s32 v1, v4;
	_ =	sdelay $0x1  }
0xf3: {  	v3 =	vadd.s32 v1, v3;
	_ =	sdelay $0x2  }
0xf4: {  	[tilespmem:s28], [sflag:$0x2] =	stream.indirect_vreg.gather [hbm4b:s4+s3], $0x80, v4, vm0, $0xb8;
	[tilespmem:$0x1B800] =	vst v63  }
0xf5: {  	_ = 	snop  }
0xf6: {  	[tilespmem:s26], [sflag:$0x2] =	stream.indirect_vreg.gather [hbm4b:s4+s3], $0x80, v3, vm0, $0xb8;
	[tilespmem:$0x1B800] =	vst v63  }
0xf7: {  	v3 =	vld [tilespmem:s20+$0x70];
	_ =	sdelay $0x4  }
0xf8: {  	v58 =	vshll.u32 v3, $0x1  }
0xf9: {  	v3 =	vand.u32 $0x7, v3;
	v4 =	vand.u32 $0xFFFFFFF0, v58  }
0xfa: {  	v3 =	vor.u32 v3, v4  }
0xfb: {  	v4 =	vperm.xlane v3, v0;
	_ =	sdelay $0x1  }
0xfc: {  	v3 =	vperm.xlane v3, v2;
	v4 =	vadd.s32 v1, v4;
	_ =	sdelay $0x1  }
0xfd: {  	v3 =	vadd.s32 v1, v3;
	_ =	sdelay $0x2  }
0xfe: {  	[tilespmem:s25], [sflag:$0x2] =	stream.indirect_vreg.gather [hbm4b:s4+s3], $0x80, v4, vm0, $0xb8;
	[tilespmem:$0x1B800] =	vst v63  }
0xff: {  	_ = 	snop  }
0x100: {  	[tilespmem:s24], [sflag:$0x2] =	stream.indirect_vreg.gather [hbm4b:s4+s3], $0x80, v3, vm0, $0xb8;
	[tilespmem:$0x1B800] =	vst v63  }
0x101: {  	v3 =	vld [tilespmem:s20+$0x80];
	_ =	sdelay $0x4  }
0x102: {  	v59 =	vshll.u32 v3, $0x1  }
0x103: {  	v3 =	vand.u32 $0x7, v3;
	v4 =	vand.u32 $0xFFFFFFF0, v59  }
0x104: {  	v3 =	vor.u32 v3, v4  }
0x105: {  	v4 =	vperm.xlane v3, v0;
	_ =	sdelay $0x1  }
0x106: {  	v3 =	vperm.xlane v3, v2;
	v4 =	vadd.s32 v1, v4;
	_ =	sdelay $0x1  }
0x107: {  	v3 =	vadd.s32 v1, v3;
	_ =	sdelay $0x2  }
0x108: {  	[tilespmem:s23], [sflag:$0x2] =	stream.indirect_vreg.gather [hbm4b:s4+s3], $0x80, v4, vm0, $0xb8;
	[tilespmem:$0x1B800] =	vst v63  }
0x109: {  	_ = 	snop  }
0x10a: {  	[tilespmem:s17], [sflag:$0x2] =	stream.indirect_vreg.gather [hbm4b:s4+s3], $0x80, v3, vm0, $0xb8;
	[tilespmem:$0x1B800] =	vst v63  }
0x10b: {  	v3 =	vld [tilespmem:s20+$0x90];
	_ =	sdelay $0x4  }
0x10c: {  	v60 =	vshll.u32 v3, $0x1  }
0x10d: {  	v3 =	vand.u32 $0x7, v3;
	v4 =	vand.u32 $0xFFFFFFF0, v60  }
0x10e: {  	v3 =	vor.u32 v3, v4  }
0x10f: {  	v4 =	vperm.xlane v3, v0;
	_ =	sdelay $0x1  }
0x110: {  	v3 =	vperm.xlane v3, v2;
	v4 =	vadd.s32 v1, v4;
	_ =	sdelay $0x1  }
0x111: {  	v3 =	vadd.s32 v1, v3;
	_ =	sdelay $0x2  }
0x112: {  	[tilespmem:s10], [sflag:$0x2] =	stream.indirect_vreg.gather [hbm4b:s4+s3], $0x80, v4, vm0, $0xb8;
	[tilespmem:$0x1B800] =	vst v63  }
0x113: {  	_ = 	snop  }
0x114: {  	[tilespmem:s9], [sflag:$0x2] =	stream.indirect_vreg.gather [hbm4b:s4+s3], $0x80, v3, vm0, $0xb8;
	[tilespmem:$0x1B800] =	vst v63  }
0x115: {  	v3 =	vld [tilespmem:s20+$0xA0];
	_ =	sdelay $0x4  }
0x116: {  	v61 =	vshll.u32 v3, $0x1  }
0x117: {  	v3 =	vand.u32 $0x7, v3;
	v4 =	vand.u32 $0xFFFFFFF0, v61  }
0x118: {  	v3 =	vor.u32 v3, v4  }
0x119: {  	v4 =	vperm.xlane v3, v0;
	_ =	sdelay $0x1  }
0x11a: {  	v3 =	vperm.xlane v3, v2;
	v4 =	vadd.s32 v1, v4;
	_ =	sdelay $0x1  }
0x11b: {  	v3 =	vadd.s32 v1, v3;
	_ =	sdelay $0x2  }
0x11c: {  	[tilespmem:s8], [sflag:$0x2] =	stream.indirect_vreg.gather [hbm4b:s4+s3], $0x80, v4, vm0, $0xb8;
	[tilespmem:$0x1B800] =	vst v63  }
0x11d: {  	_ = 	snop  }
0x11e: {  	[tilespmem:s7], [sflag:$0x2] =	stream.indirect_vreg.gather [hbm4b:s4+s3], $0x80, v3, vm0, $0xb8;
	[tilespmem:$0x1B800] =	vst v63  }
0x11f: {  	v3 =	vld [tilespmem:s20+$0xB0];
	_ =	sdelay $0x4  }
0x120: {  	v62 =	vshll.u32 v3, $0x1  }
0x121: {  	v3 =	vand.u32 $0x7, v3;
	v4 =	vand.u32 $0xFFFFFFF0, v62  }
0x122: {  	v3 =	vor.u32 v3, v4  }
0x123: {  	v4 =	vperm.xlane v3, v0;
	_ =	sdelay $0x1  }
0x124: {  	v3 =	vperm.xlane v3, v2;
	v4 =	vadd.s32 v1, v4;
	_ =	sdelay $0x1  }
0x125: {  	v3 =	vadd.s32 v1, v3;
	_ =	sdelay $0x2  }
0x126: {  	[tilespmem:s6], [sflag:$0x2] =	stream.indirect_vreg.gather [hbm4b:s4+s3], $0x80, v4, vm0, $0xb8;
	[tilespmem:$0x1B800] =	vst v63  }
0x127: {  	_ = 	snop  }
0x128: {  	[tilespmem:s13], [sflag:$0x2] =	stream.indirect_vreg.gather [hbm4b:s4+s3], $0x80, v3, vm0, $0xb8;
	[tilespmem:$0x1B800] =	vst v63  }
0x129: {  	v3 =	vld.msk [tilespmem:s20+$0xC0], $0xff;
	_ =	sdelay $0x4  }
0x12a: {  	v63 =	vshll.u32 v3, $0x1  }
0x12b: {  	v3 =	vand.u32 $0x7, v3;
	v4 =	vand.u32 $0xFFFFFFF0, v63  }
0x12c: {  	v3 =	vor.u32 v3, v4  }
0x12d: {  	v3 =	vperm.xlane v3, v0;
	_ =	sdelay $0x1  }
0x12e: {  	v3 =	vadd.s32 v1, v3;
	_ =	sdelay $0x4  }
0x12f: {  	[tilespmem:s0], [sflag:$0x2] =	stream.indirect_vreg.gather [hbm4b:s4+s3], $0x80, v3, vm0, $0xb8;
	[tilespmem:$0x1B800] =	vst v63  }
0x130: {  	_ =	swait.ge [sflag:s18], $0xC800  }
0x131: {  	s21 =	rddreg [dreg:$0x4];
	[sflag:s18] =	ssyncset.done $0x0  }
0x132: {  	[sflag:s18] =	ssyncadd.s32 $0xFFFF3800;
	s21 =	sadd.s32 s16, s21  }
0x133: {  	[hbm4b:s21+s3] =	stream.linear.scatter [tilespmem:s14], [sflag:$0x3], $0xC800, $0x38;
	[tilespmem:$0x1B800] =	vst v63  }
0x134: {  	_ =	swait.ge [sflag:s12], $0xC800  }
0x135: {  	[sflag:s12] =	ssyncset.done $0x0  }
0x136: {  	[sflag:s12] =	ssyncadd.s32 $0xFFFF3800  }
0x137: {  	_ =	swait.ge [sflag:s19], $0xC800  }
0x138: {  	p0 =	sne.s32 s16, $0x22600;
	[sflag:s19] =	ssyncset.done $0x0  }
.Ltmp0:
0x139: {  	s21 =	sadd.s32 $0x1900, s21;
	[sflag:s19] =	ssyncadd.s32 $0xFFFF3800;
	(pc) =	sbr.rel @p0 .LBB2_2-.Ltmp0, $4  }
0x13a: {  	[hbm4b:s21+s3] =	stream.linear.scatter [tilespmem:s11], [sflag:$0x3], $0xC800, $0x38;
	[tilespmem:$0x1B800] =	vst v63  }
0x13b: {  	_ =	swait.ge [sflag:s12], $0xC800  }
0x13c: {  	s20 =	sadd.s32 $0x190, s20;
	[sflag:s12] =	ssyncset.done $0x0  }
0x13d: {  	s16 =	sadd.s32 $0x3200, s16;
	s21 =	simm.s32 $0x3000;
	[sflag:s12] =	ssyncadd.s32 $0xFFFF3800  }
0x13e: {  	v3 =	vld [tilespmem:$0x12C0];
	_ =	sdelay $0x4  }
0x13f: {  	v4 =	vshll.u32 v3, $0x1  }
0x140: {  	v3 =	vand.u32 $0x7, v3;
	v4 =	vand.u32 $0xFFFFFFF0, v4  }
0x141: {  	v3 =	vor.u32 v3, v4  }
0x142: {  	v4 =	vperm.xlane v3, v0;
	_ =	sdelay $0x1  }
0x143: {  	v3 =	vperm.xlane v3, v2;
	v4 =	vadd.s32 v1, v4;
	_ =	sdelay $0x1  }
0x144: {  	v3 =	vadd.s32 v1, v3;
	_ =	sdelay $0x1  }
0x145: {  	s20 =	simm.s32 $0x0  }
0x146: {  	[tilespmem:s14], [sflag:$0x1] =	stream.indirect_vreg.gather [hbm4b:s4+s20], $0x80, v4, vm0, $0xb8;
	[tilespmem:$0x1B800] =	vst v63  }
0x147: {  	_ = 	snop  }
0x148: {  	[tilespmem:s21], [sflag:$0x1] =	stream.indirect_vreg.gather [hbm4b:s4+s20], $0x80, v3, vm0, $0xb8;
	[tilespmem:$0x1B800] =	vst v63  }
0x149: {  	v3 =	vld [tilespmem:$0x12D0];
	_ =	sdelay $0x4  }
0x14a: {  	v52 =	vshll.u32 v3, $0x1  }
0x14b: {  	v3 =	vand.u32 $0x7, v3;
	v4 =	vand.u32 $0xFFFFFFF0, v52  }
0x14c: {  	v3 =	vor.u32 v3, v4  }
0x14d: {  	v4 =	vperm.xlane v3, v0;
	_ =	sdelay $0x1  }
0x14e: {  	v3 =	vperm.xlane v3, v2;
	v4 =	vadd.s32 v1, v4;
	_ =	sdelay $0x1  }
0x14f: {  	v3 =	vadd.s32 v1, v3;
	_ =	sdelay $0x2  }
0x150: {  	[tilespmem:s15], [sflag:$0x1] =	stream.indirect_vreg.gather [hbm4b:s4+s20], $0x80, v4, vm0, $0xb8;
	[tilespmem:$0x1B800] =	vst v63  }
0x151: {  	_ = 	snop  }
0x152: {  	[tilespmem:s22], [sflag:$0x1] =	stream.indirect_vreg.gather [hbm4b:s4+s20], $0x80, v3, vm0, $0xb8;
	[tilespmem:$0x1B800] =	vst v63  }
0x153: {  	v3 =	vld [tilespmem:$0x12E0];
	_ =	sdelay $0x4  }
0x154: {  	v53 =	vshll.u32 v3, $0x1  }
0x155: {  	v3 =	vand.u32 $0x7, v3;
	v4 =	vand.u32 $0xFFFFFFF0, v53  }
0x156: {  	v3 =	vor.u32 v3, v4  }
0x157: {  	v4 =	vperm.xlane v3, v0;
	_ =	sdelay $0x1  }
0x158: {  	v3 =	vperm.xlane v3, v2;
	v4 =	vadd.s32 v1, v4;
	_ =	sdelay $0x1  }
0x159: {  	v3 =	vadd.s32 v1, v3;
	_ =	sdelay $0x1  }
0x15a: {  	s16 =	simm.s32 $0x4800  }
0x15b: {  	[tilespmem:s16], [sflag:$0x1] =	stream.indirect_vreg.gather [hbm4b:s4+s20], $0x80, v4, vm0, $0xb8;
	[tilespmem:$0x1B800] =	vst v63  }
0x15c: {  	s16 =	simm.s32 $0x5000  }
0x15d: {  	[tilespmem:s16], [sflag:$0x1] =	stream.indirect_vreg.gather [hbm4b:s4+s20], $0x80, v3, vm0, $0xb8;
	[tilespmem:$0x1B800] =	vst v63  }
0x15e: {  	v3 =	vld [tilespmem:$0x12F0];
	_ =	sdelay $0x4  }
0x15f: {  	v54 =	vshll.u32 v3, $0x1  }
0x160: {  	v3 =	vand.u32 $0x7, v3;
	v4 =	vand.u32 $0xFFFFFFF0, v54  }
0x161: {  	v3 =	vor.u32 v3, v4  }
0x162: {  	v4 =	vperm.xlane v3, v0;
	_ =	sdelay $0x1  }
0x163: {  	v3 =	vperm.xlane v3, v2;
	v4 =	vadd.s32 v1, v4;
	_ =	sdelay $0x1  }
0x164: {  	v3 =	vadd.s32 v1, v3;
	_ =	sdelay $0x1  }
0x165: {  	s16 =	simm.s32 $0x5800  }
0x166: {  	[tilespmem:s16], [sflag:$0x1] =	stream.indirect_vreg.gather [hbm4b:s4+s20], $0x80, v4, vm0, $0xb8;
	[tilespmem:$0x1B800] =	vst v63  }
0x167: {  	s16 =	simm.s32 $0x6000  }
0x168: {  	[tilespmem:s16], [sflag:$0x1] =	stream.indirect_vreg.gather [hbm4b:s4+s20], $0x80, v3, vm0, $0xb8;
	[tilespmem:$0x1B800] =	vst v63  }
0x169: {  	v3 =	vld [tilespmem:$0x1300];
	_ =	sdelay $0x4  }
0x16a: {  	v55 =	vshll.u32 v3, $0x1  }
0x16b: {  	v3 =	vand.u32 $0x7, v3;
	v4 =	vand.u32 $0xFFFFFFF0, v55  }
0x16c: {  	v3 =	vor.u32 v3, v4  }
0x16d: {  	v4 =	vperm.xlane v3, v0;
	_ =	sdelay $0x1  }
0x16e: {  	v3 =	vperm.xlane v3, v2;
	v4 =	vadd.s32 v1, v4;
	_ =	sdelay $0x1  }
0x16f: {  	v3 =	vadd.s32 v1, v3;
	_ =	sdelay $0x1  }
0x170: {  	s16 =	simm.s32 $0x6800  }
0x171: {  	[tilespmem:s16], [sflag:$0x1] =	stream.indirect_vreg.gather [hbm4b:s4+s20], $0x80, v4, vm0, $0xb8;
	[tilespmem:$0x1B800] =	vst v63  }
0x172: {  	s16 =	simm.s32 $0x7000  }
0x173: {  	[tilespmem:s16], [sflag:$0x1] =	stream.indirect_vreg.gather [hbm4b:s4+s20], $0x80, v3, vm0, $0xb8;
	[tilespmem:$0x1B800] =	vst v63  }
0x174: {  	v3 =	vld [tilespmem:$0x1310];
	_ =	sdelay $0x4  }
0x175: {  	v56 =	vshll.u32 v3, $0x1  }
0x176: {  	v3 =	vand.u32 $0x7, v3;
	v4 =	vand.u32 $0xFFFFFFF0, v56  }
0x177: {  	v3 =	vor.u32 v3, v4  }
0x178: {  	v4 =	vperm.xlane v3, v0;
	_ =	sdelay $0x1  }
0x179: {  	v3 =	vperm.xlane v3, v2;
	v4 =	vadd.s32 v1, v4;
	_ =	sdelay $0x1  }
0x17a: {  	v3 =	vadd.s32 v1, v3;
	_ =	sdelay $0x1  }
0x17b: {  	s16 =	simm.s32 $0x7800  }
0x17c: {  	[tilespmem:s16], [sflag:$0x1] =	stream.indirect_vreg.gather [hbm4b:s4+s20], $0x80, v4, vm0, $0xb8;
	[tilespmem:$0x1B800] =	vst v63  }
0x17d: {  	s16 =	simm.s32 $0x8000  }
0x17e: {  	[tilespmem:s16], [sflag:$0x1] =	stream.indirect_vreg.gather [hbm4b:s4+s20], $0x80, v3, vm0, $0xb8;
	[tilespmem:$0x1B800] =	vst v63  }
0x17f: {  	v3 =	vld [tilespmem:$0x1320];
	_ =	sdelay $0x4  }
0x180: {  	v57 =	vshll.u32 v3, $0x1  }
0x181: {  	v3 =	vand.u32 $0x7, v3;
	v4 =	vand.u32 $0xFFFFFFF0, v57  }
0x182: {  	v3 =	vor.u32 v3, v4  }
0x183: {  	v4 =	vperm.xlane v3, v0;
	_ =	sdelay $0x1  }
0x184: {  	v3 =	vperm.xlane v3, v2;
	v4 =	vadd.s32 v1, v4;
	_ =	sdelay $0x1  }
0x185: {  	v3 =	vadd.s32 v1, v3;
	_ =	sdelay $0x1  }
0x186: {  	s16 =	simm.s32 $0x8800  }
0x187: {  	[tilespmem:s16], [sflag:$0x1] =	stream.indirect_vreg.gather [hbm4b:s4+s20], $0x80, v4, vm0, $0xb8;
	[tilespmem:$0x1B800] =	vst v63  }
0x188: {  	s16 =	simm.s32 $0x9000  }
0x189: {  	[tilespmem:s16], [sflag:$0x1] =	stream.indirect_vreg.gather [hbm4b:s4+s20], $0x80, v3, vm0, $0xb8;
	[tilespmem:$0x1B800] =	vst v63  }
0x18a: {  	v3 =	vld [tilespmem:$0x1330];
	_ =	sdelay $0x4  }
0x18b: {  	v58 =	vshll.u32 v3, $0x1  }
0x18c: {  	v3 =	vand.u32 $0x7, v3;
	v4 =	vand.u32 $0xFFFFFFF0, v58  }
0x18d: {  	v3 =	vor.u32 v3, v4  }
0x18e: {  	v4 =	vperm.xlane v3, v0;
	_ =	sdelay $0x1  }
0x18f: {  	v3 =	vperm.xlane v3, v2;
	v4 =	vadd.s32 v1, v4;
	_ =	sdelay $0x1  }
0x190: {  	v3 =	vadd.s32 v1, v3;
	_ =	sdelay $0x1  }
0x191: {  	s16 =	simm.s32 $0x9800  }
0x192: {  	[tilespmem:s16], [sflag:$0x1] =	stream.indirect_vreg.gather [hbm4b:s4+s20], $0x80, v4, vm0, $0xb8;
	[tilespmem:$0x1B800] =	vst v63  }
0x193: {  	s16 =	simm.s32 $0xA000  }
0x194: {  	[tilespmem:s16], [sflag:$0x1] =	stream.indirect_vreg.gather [hbm4b:s4+s20], $0x80, v3, vm0, $0xb8;
	[tilespmem:$0x1B800] =	vst v63  }
0x195: {  	v3 =	vld [tilespmem:$0x1340];
	_ =	sdelay $0x4  }
0x196: {  	v59 =	vshll.u32 v3, $0x1  }
0x197: {  	v3 =	vand.u32 $0x7, v3;
	v4 =	vand.u32 $0xFFFFFFF0, v59  }
0x198: {  	v3 =	vor.u32 v3, v4  }
0x199: {  	v4 =	vperm.xlane v3, v0;
	_ =	sdelay $0x1  }
0x19a: {  	v3 =	vperm.xlane v3, v2;
	v4 =	vadd.s32 v1, v4;
	_ =	sdelay $0x1  }
0x19b: {  	v3 =	vadd.s32 v1, v3;
	_ =	sdelay $0x1  }
0x19c: {  	s16 =	simm.s32 $0xA800  }
0x19d: {  	[tilespmem:s16], [sflag:$0x1] =	stream.indirect_vreg.gather [hbm4b:s4+s20], $0x80, v4, vm0, $0xb8;
	[tilespmem:$0x1B800] =	vst v63  }
0x19e: {  	s16 =	simm.s32 $0xB000  }
0x19f: {  	[tilespmem:s16], [sflag:$0x1] =	stream.indirect_vreg.gather [hbm4b:s4+s20], $0x80, v3, vm0, $0xb8;
	[tilespmem:$0x1B800] =	vst v63  }
0x1a0: {  	v3 =	vld [tilespmem:$0x1350];
	_ =	sdelay $0x4  }
0x1a1: {  	v60 =	vshll.u32 v3, $0x1  }
0x1a2: {  	v3 =	vand.u32 $0x7, v3;
	v4 =	vand.u32 $0xFFFFFFF0, v60  }
0x1a3: {  	v3 =	vor.u32 v3, v4  }
0x1a4: {  	v4 =	vperm.xlane v3, v0;
	_ =	sdelay $0x1  }
0x1a5: {  	v3 =	vperm.xlane v3, v2;
	v4 =	vadd.s32 v1, v4;
	_ =	sdelay $0x1  }
0x1a6: {  	v3 =	vadd.s32 v1, v3;
	_ =	sdelay $0x1  }
0x1a7: {  	s16 =	simm.s32 $0xB800  }
0x1a8: {  	[tilespmem:s16], [sflag:$0x1] =	stream.indirect_vreg.gather [hbm4b:s4+s20], $0x80, v4, vm0, $0xb8;
	[tilespmem:$0x1B800] =	vst v63  }
0x1a9: {  	s16 =	simm.s32 $0xC000  }
0x1aa: {  	[tilespmem:s16], [sflag:$0x1] =	stream.indirect_vreg.gather [hbm4b:s4+s20], $0x80, v3, vm0, $0xb8;
	[tilespmem:$0x1B800] =	vst v63  }
0x1ab: {  	v3 =	vld [tilespmem:$0x1360];
	_ =	sdelay $0x4  }
0x1ac: {  	v61 =	vshll.u32 v3, $0x1  }
0x1ad: {  	v3 =	vand.u32 $0x7, v3;
	v4 =	vand.u32 $0xFFFFFFF0, v61  }
0x1ae: {  	v3 =	vor.u32 v3, v4  }
0x1af: {  	v4 =	vperm.xlane v3, v0;
	_ =	sdelay $0x1  }
0x1b0: {  	v3 =	vperm.xlane v3, v2;
	v4 =	vadd.s32 v1, v4;
	_ =	sdelay $0x1  }
0x1b1: {  	v3 =	vadd.s32 v1, v3;
	_ =	sdelay $0x1  }
0x1b2: {  	s16 =	simm.s32 $0xC800  }
0x1b3: {  	[tilespmem:s16], [sflag:$0x1] =	stream.indirect_vreg.gather [hbm4b:s4+s20], $0x80, v4, vm0, $0xb8;
	[tilespmem:$0x1B800] =	vst v63  }
0x1b4: {  	s16 =	simm.s32 $0xD000  }
0x1b5: {  	[tilespmem:s16], [sflag:$0x1] =	stream.indirect_vreg.gather [hbm4b:s4+s20], $0x80, v3, vm0, $0xb8;
	[tilespmem:$0x1B800] =	vst v63  }
0x1b6: {  	v3 =	vld [tilespmem:$0x1370];
	_ =	sdelay $0x4  }
0x1b7: {  	v62 =	vshll.u32 v3, $0x1  }
0x1b8: {  	v3 =	vand.u32 $0x7, v3;
	v4 =	vand.u32 $0xFFFFFFF0, v62  }
0x1b9: {  	v3 =	vor.u32 v3, v4  }
0x1ba: {  	v4 =	vperm.xlane v3, v0;
	_ =	sdelay $0x1  }
0x1bb: {  	v3 =	vperm.xlane v3, v2;
	v4 =	vadd.s32 v1, v4;
	_ =	sdelay $0x1  }
0x1bc: {  	v3 =	vadd.s32 v1, v3;
	_ =	sdelay $0x1  }
0x1bd: {  	s16 =	simm.s32 $0xD800  }
0x1be: {  	[tilespmem:s16], [sflag:$0x1] =	stream.indirect_vreg.gather [hbm4b:s4+s20], $0x80, v4, vm0, $0xb8;
	[tilespmem:$0x1B800] =	vst v63  }
0x1bf: {  	s16 =	simm.s32 $0xE000  }
0x1c0: {  	[tilespmem:s16], [sflag:$0x1] =	stream.indirect_vreg.gather [hbm4b:s4+s20], $0x80, v3, vm0, $0xb8;
	[tilespmem:$0x1B800] =	vst v63  }
0x1c1: {  	v3 =	vld.msk [tilespmem:$0x1380], $0xff;
	_ =	sdelay $0x4  }
0x1c2: {  	v63 =	vshll.u32 v3, $0x1  }
0x1c3: {  	v3 =	vand.u32 $0x7, v3;
	v4 =	vand.u32 $0xFFFFFFF0, v63  }
0x1c4: {  	v3 =	vor.u32 v3, v4  }
0x1c5: {  	v3 =	vperm.xlane v3, v0;
	_ =	sdelay $0x1  }
0x1c6: {  	v3 =	vadd.s32 v1, v3;
	_ =	sdelay $0x3  }
0x1c7: {  	s16 =	simm.s32 $0xE800  }
0x1c8: {  	[tilespmem:s16], [sflag:$0x1] =	stream.indirect_vreg.gather [hbm4b:s4+s20], $0x80, v3, vm0, $0xb8;
	[tilespmem:$0x1B800] =	vst v63  }
0x1c9: {  	_ =	swait.ge [sflag:s18], $0xC800  }
0x1ca: {  	[sflag:s18] =	ssyncset.done $0x0  }
0x1cb: {  	s16 =	rddreg [dreg:$0x9];
	[sflag:s18] =	ssyncadd.s32 $0xFFFF3800  }
0x1cc: {  	[hbm4b:s16+s20] =	stream.linear.scatter [tilespmem:s14], [sflag:$0x3], $0xC800, $0x38;
	[tilespmem:$0x1B800] =	vst v63  }
0x1cd: {  	_ =	swait.ge [sflag:s12], $0xC800  }
0x1ce: {  	[sflag:s12] =	ssyncset.done $0x0  }
0x1cf: {  	s16 =	simm.s32 $0x14C8;
	[sflag:s12] =	ssyncadd.s32 $0xFFFF3800  }
.LBB2_4:
0x1d0: {  	v3 =	vld [tilespmem:s16+$0xFFFFFF38];
	_ =	sdelay $0x4  }
0x1d1: {  	v4 =	vshll.u32 v3, $0x1  }
0x1d2: {  	v3 =	vand.u32 $0x7, v3;
	v4 =	vand.u32 $0xFFFFFFF0, v4  }
0x1d3: {  	v3 =	vor.u32 v3, v4  }
0x1d4: {  	v4 =	vperm.xlane v3, v0;
	_ =	sdelay $0x1  }
0x1d5: {  	v3 =	vperm.xlane v3, v2;
	v4 =	vadd.s32 v1, v4;
	_ =	sdelay $0x1  }
0x1d6: {  	v3 =	vadd.s32 v1, v3;
	_ =	sdelay $0x2  }
0x1d7: {  	[tilespmem:s14], [sflag:$0x1] =	stream.indirect_vreg.gather [hbm4b:s5+s3], $0x80, v4, vm0, $0xb8;
	[tilespmem:$0x1B800] =	vst v63  }
0x1d8: {  	_ = 	snop  }
0x1d9: {  	[tilespmem:s21], [sflag:$0x1] =	stream.indirect_vreg.gather [hbm4b:s5+s3], $0x80, v3, vm0, $0xb8;
	[tilespmem:$0x1B800] =	vst v63  }
0x1da: {  	v3 =	vld [tilespmem:s16+$0xFFFFFF48];
	_ =	sdelay $0x4  }
0x1db: {  	v39 =	vshll.u32 v3, $0x1  }
0x1dc: {  	v3 =	vand.u32 $0x7, v3;
	v4 =	vand.u32 $0xFFFFFFF0, v39  }
0x1dd: {  	v3 =	vor.u32 v3, v4  }
0x1de: {  	v4 =	vperm.xlane v3, v0;
	_ =	sdelay $0x1  }
0x1df: {  	v3 =	vperm.xlane v3, v2;
	v4 =	vadd.s32 v1, v4;
	_ =	sdelay $0x1  }
0x1e0: {  	v3 =	vadd.s32 v1, v3;
	_ =	sdelay $0x2  }
0x1e1: {  	[tilespmem:s15], [sflag:$0x1] =	stream.indirect_vreg.gather [hbm4b:s5+s3], $0x80, v4, vm0, $0xb8;
	[tilespmem:$0x1B800] =	vst v63  }
0x1e2: {  	_ = 	snop  }
0x1e3: {  	[tilespmem:s22], [sflag:$0x1] =	stream.indirect_vreg.gather [hbm4b:s5+s3], $0x80, v3, vm0, $0xb8;
	[tilespmem:$0x1B800] =	vst v63  }
0x1e4: {  	v3 =	vld [tilespmem:s16+$0xFFFFFF58];
	_ =	sdelay $0x4  }
0x1e5: {  	v40 =	vshll.u32 v3, $0x1  }
0x1e6: {  	v3 =	vand.u32 $0x7, v3;
	v4 =	vand.u32 $0xFFFFFFF0, v40  }
0x1e7: {  	v3 =	vor.u32 v3, v4  }
0x1e8: {  	v4 =	vperm.xlane v3, v0;
	_ =	sdelay $0x1  }
0x1e9: {  	v3 =	vperm.xlane v3, v2;
	v4 =	vadd.s32 v1, v4;
	_ =	sdelay $0x1  }
0x1ea: {  	v3 =	vadd.s32 v1, v3;
	_ =	sdelay $0x1  }
0x1eb: {  	s21 =	simm.s32 $0x4800  }
0x1ec: {  	[tilespmem:s21], [sflag:$0x1] =	stream.indirect_vreg.gather [hbm4b:s5+s3], $0x80, v4, vm0, $0xb8;
	[tilespmem:$0x1B800] =	vst v63  }
0x1ed: {  	s21 =	simm.s32 $0x5000  }
0x1ee: {  	[tilespmem:s21], [sflag:$0x1] =	stream.indirect_vreg.gather [hbm4b:s5+s3], $0x80, v3, vm0, $0xb8;
	[tilespmem:$0x1B800] =	vst v63  }
0x1ef: {  	v3 =	vld [tilespmem:s16+$0xFFFFFF68];
	_ =	sdelay $0x4  }
0x1f0: {  	v41 =	vshll.u32 v3, $0x1  }
0x1f1: {  	v3 =	vand.u32 $0x7, v3;
	v4 =	vand.u32 $0xFFFFFFF0, v41  }
0x1f2: {  	v3 =	vor.u32 v3, v4  }
0x1f3: {  	v4 =	vperm.xlane v3, v0;
	_ =	sdelay $0x1  }
0x1f4: {  	v3 =	vperm.xlane v3, v2;
	v4 =	vadd.s32 v1, v4;
	_ =	sdelay $0x1  }
0x1f5: {  	v3 =	vadd.s32 v1, v3;
	_ =	sdelay $0x1  }
0x1f6: {  	s21 =	simm.s32 $0x5800  }
0x1f7: {  	[tilespmem:s21], [sflag:$0x1] =	stream.indirect_vreg.gather [hbm4b:s5+s3], $0x80, v4, vm0, $0xb8;
	[tilespmem:$0x1B800] =	vst v63  }
0x1f8: {  	s21 =	simm.s32 $0x6000  }
0x1f9: {  	[tilespmem:s21], [sflag:$0x1] =	stream.indirect_vreg.gather [hbm4b:s5+s3], $0x80, v3, vm0, $0xb8;
	[tilespmem:$0x1B800] =	vst v63  }
0x1fa: {  	v3 =	vld [tilespmem:s16+$0xFFFFFF78];
	_ =	sdelay $0x4  }
0x1fb: {  	v42 =	vshll.u32 v3, $0x1  }
0x1fc: {  	v3 =	vand.u32 $0x7, v3;
	v4 =	vand.u32 $0xFFFFFFF0, v42  }
0x1fd: {  	v3 =	vor.u32 v3, v4  }
0x1fe: {  	v4 =	vperm.xlane v3, v0;
	_ =	sdelay $0x1  }
0x1ff: {  	v3 =	vperm.xlane v3, v2;
	v4 =	vadd.s32 v1, v4;
	_ =	sdelay $0x1  }
0x200: {  	v3 =	vadd.s32 v1, v3;
	_ =	sdelay $0x1  }
0x201: {  	s21 =	simm.s32 $0x6800  }
0x202: {  	[tilespmem:s21], [sflag:$0x1] =	stream.indirect_vreg.gather [hbm4b:s5+s3], $0x80, v4, vm0, $0xb8;
	[tilespmem:$0x1B800] =	vst v63  }
0x203: {  	s21 =	simm.s32 $0x7000  }
0x204: {  	[tilespmem:s21], [sflag:$0x1] =	stream.indirect_vreg.gather [hbm4b:s5+s3], $0x80, v3, vm0, $0xb8;
	[tilespmem:$0x1B800] =	vst v63  }
0x205: {  	v3 =	vld [tilespmem:s16+$0xFFFFFF88];
	_ =	sdelay $0x4  }
0x206: {  	v43 =	vshll.u32 v3, $0x1  }
0x207: {  	v3 =	vand.u32 $0x7, v3;
	v4 =	vand.u32 $0xFFFFFFF0, v43  }
0x208: {  	v3 =	vor.u32 v3, v4  }
0x209: {  	v4 =	vperm.xlane v3, v0;
	_ =	sdelay $0x1  }
0x20a: {  	v3 =	vperm.xlane v3, v2;
	v4 =	vadd.s32 v1, v4;
	_ =	sdelay $0x1  }
0x20b: {  	v3 =	vadd.s32 v1, v3;
	_ =	sdelay $0x1  }
0x20c: {  	s21 =	simm.s32 $0x7800  }
0x20d: {  	[tilespmem:s21], [sflag:$0x1] =	stream.indirect_vreg.gather [hbm4b:s5+s3], $0x80, v4, vm0, $0xb8;
	[tilespmem:$0x1B800] =	vst v63  }
0x20e: {  	s21 =	simm.s32 $0x8000  }
0x20f: {  	[tilespmem:s21], [sflag:$0x1] =	stream.indirect_vreg.gather [hbm4b:s5+s3], $0x80, v3, vm0, $0xb8;
	[tilespmem:$0x1B800] =	vst v63  }
0x210: {  	v3 =	vld [tilespmem:s16+$0xFFFFFF98];
	_ =	sdelay $0x4  }
0x211: {  	v44 =	vshll.u32 v3, $0x1  }
0x212: {  	v3 =	vand.u32 $0x7, v3;
	v4 =	vand.u32 $0xFFFFFFF0, v44  }
0x213: {  	v3 =	vor.u32 v3, v4  }
0x214: {  	v4 =	vperm.xlane v3, v0;
	_ =	sdelay $0x1  }
0x215: {  	v3 =	vperm.xlane v3, v2;
	v4 =	vadd.s32 v1, v4;
	_ =	sdelay $0x1  }
0x216: {  	v3 =	vadd.s32 v1, v3;
	_ =	sdelay $0x1  }
0x217: {  	s21 =	simm.s32 $0x8800  }
0x218: {  	[tilespmem:s21], [sflag:$0x1] =	stream.indirect_vreg.gather [hbm4b:s5+s3], $0x80, v4, vm0, $0xb8;
	[tilespmem:$0x1B800] =	vst v63  }
0x219: {  	s21 =	simm.s32 $0x9000  }
0x21a: {  	[tilespmem:s21], [sflag:$0x1] =	stream.indirect_vreg.gather [hbm4b:s5+s3], $0x80, v3, vm0, $0xb8;
	[tilespmem:$0x1B800] =	vst v63  }
0x21b: {  	v3 =	vld [tilespmem:s16+$0xFFFFFFA8];
	_ =	sdelay $0x4  }
0x21c: {  	v45 =	vshll.u32 v3, $0x1  }
0x21d: {  	v3 =	vand.u32 $0x7, v3;
	v4 =	vand.u32 $0xFFFFFFF0, v45  }
0x21e: {  	v3 =	vor.u32 v3, v4  }
0x21f: {  	v4 =	vperm.xlane v3, v0;
	_ =	sdelay $0x1  }
0x220: {  	v3 =	vperm.xlane v3, v2;
	v4 =	vadd.s32 v1, v4;
	_ =	sdelay $0x1  }
0x221: {  	v3 =	vadd.s32 v1, v3;
	_ =	sdelay $0x1  }
0x222: {  	s21 =	simm.s32 $0x9800  }
0x223: {  	[tilespmem:s21], [sflag:$0x1] =	stream.indirect_vreg.gather [hbm4b:s5+s3], $0x80, v4, vm0, $0xb8;
	[tilespmem:$0x1B800] =	vst v63  }
0x224: {  	s21 =	simm.s32 $0xA000  }
0x225: {  	[tilespmem:s21], [sflag:$0x1] =	stream.indirect_vreg.gather [hbm4b:s5+s3], $0x80, v3, vm0, $0xb8;
	[tilespmem:$0x1B800] =	vst v63  }
0x226: {  	v3 =	vld [tilespmem:s16+$0xFFFFFFB8];
	_ =	sdelay $0x4  }
0x227: {  	v46 =	vshll.u32 v3, $0x1  }
0x228: {  	v3 =	vand.u32 $0x7, v3;
	v4 =	vand.u32 $0xFFFFFFF0, v46  }
0x229: {  	v3 =	vor.u32 v3, v4  }
0x22a: {  	v4 =	vperm.xlane v3, v0;
	_ =	sdelay $0x1  }
0x22b: {  	v3 =	vperm.xlane v3, v2;
	v4 =	vadd.s32 v1, v4;
	_ =	sdelay $0x1  }
0x22c: {  	v3 =	vadd.s32 v1, v3;
	_ =	sdelay $0x1  }
0x22d: {  	s21 =	simm.s32 $0xA800  }
0x22e: {  	[tilespmem:s21], [sflag:$0x1] =	stream.indirect_vreg.gather [hbm4b:s5+s3], $0x80, v4, vm0, $0xb8;
	[tilespmem:$0x1B800] =	vst v63  }
0x22f: {  	s21 =	simm.s32 $0xB000  }
0x230: {  	[tilespmem:s21], [sflag:$0x1] =	stream.indirect_vreg.gather [hbm4b:s5+s3], $0x80, v3, vm0, $0xb8;
	[tilespmem:$0x1B800] =	vst v63  }
0x231: {  	v3 =	vld [tilespmem:s16+$0xFFFFFFC8];
	_ =	sdelay $0x4  }
0x232: {  	v47 =	vshll.u32 v3, $0x1  }
0x233: {  	v3 =	vand.u32 $0x7, v3;
	v4 =	vand.u32 $0xFFFFFFF0, v47  }
0x234: {  	v3 =	vor.u32 v3, v4  }
0x235: {  	v4 =	vperm.xlane v3, v0;
	_ =	sdelay $0x1  }
0x236: {  	v3 =	vperm.xlane v3, v2;
	v4 =	vadd.s32 v1, v4;
	_ =	sdelay $0x1  }
0x237: {  	v3 =	vadd.s32 v1, v3;
	_ =	sdelay $0x1  }
0x238: {  	s21 =	simm.s32 $0xB800  }
0x239: {  	[tilespmem:s21], [sflag:$0x1] =	stream.indirect_vreg.gather [hbm4b:s5+s3], $0x80, v4, vm0, $0xb8;
	[tilespmem:$0x1B800] =	vst v63  }
0x23a: {  	s21 =	simm.s32 $0xC000  }
0x23b: {  	[tilespmem:s21], [sflag:$0x1] =	stream.indirect_vreg.gather [hbm4b:s5+s3], $0x80, v3, vm0, $0xb8;
	[tilespmem:$0x1B800] =	vst v63  }
0x23c: {  	v3 =	vld [tilespmem:s16+$0xFFFFFFD8];
	_ =	sdelay $0x4  }
0x23d: {  	v48 =	vshll.u32 v3, $0x1  }
0x23e: {  	v3 =	vand.u32 $0x7, v3;
	v4 =	vand.u32 $0xFFFFFFF0, v48  }
0x23f: {  	v3 =	vor.u32 v3, v4  }
0x240: {  	v4 =	vperm.xlane v3, v0;
	_ =	sdelay $0x1  }
0x241: {  	v3 =	vperm.xlane v3, v2;
	v4 =	vadd.s32 v1, v4;
	_ =	sdelay $0x1  }
0x242: {  	v3 =	vadd.s32 v1, v3;
	_ =	sdelay $0x1  }
0x243: {  	s21 =	simm.s32 $0xC800  }
0x244: {  	[tilespmem:s21], [sflag:$0x1] =	stream.indirect_vreg.gather [hbm4b:s5+s3], $0x80, v4, vm0, $0xb8;
	[tilespmem:$0x1B800] =	vst v63  }
0x245: {  	s21 =	simm.s32 $0xD000  }
0x246: {  	[tilespmem:s21], [sflag:$0x1] =	stream.indirect_vreg.gather [hbm4b:s5+s3], $0x80, v3, vm0, $0xb8;
	[tilespmem:$0x1B800] =	vst v63  }
0x247: {  	v3 =	vld [tilespmem:s16+$0xFFFFFFE8];
	_ =	sdelay $0x4  }
0x248: {  	v49 =	vshll.u32 v3, $0x1  }
0x249: {  	v3 =	vand.u32 $0x7, v3;
	v4 =	vand.u32 $0xFFFFFFF0, v49  }
0x24a: {  	v3 =	vor.u32 v3, v4  }
0x24b: {  	v4 =	vperm.xlane v3, v0;
	_ =	sdelay $0x1  }
0x24c: {  	v3 =	vperm.xlane v3, v2;
	v4 =	vadd.s32 v1, v4;
	_ =	sdelay $0x1  }
0x24d: {  	v3 =	vadd.s32 v1, v3;
	_ =	sdelay $0x1  }
0x24e: {  	s21 =	simm.s32 $0xD800  }
0x24f: {  	[tilespmem:s21], [sflag:$0x1] =	stream.indirect_vreg.gather [hbm4b:s5+s3], $0x80, v4, vm0, $0xb8;
	[tilespmem:$0x1B800] =	vst v63  }
0x250: {  	s21 =	simm.s32 $0xE000  }
0x251: {  	[tilespmem:s21], [sflag:$0x1] =	stream.indirect_vreg.gather [hbm4b:s5+s3], $0x80, v3, vm0, $0xb8;
	[tilespmem:$0x1B800] =	vst v63  }
0x252: {  	v3 =	vld.msk [tilespmem:s16+$0xFFFFFFF8], $0xff;
	_ =	sdelay $0x4  }
0x253: {  	v50 =	vshll.u32 v3, $0x1  }
0x254: {  	v3 =	vand.u32 $0x7, v3;
	v4 =	vand.u32 $0xFFFFFFF0, v50  }
0x255: {  	v3 =	vor.u32 v3, v4  }
0x256: {  	v3 =	vperm.xlane v3, v0;
	_ =	sdelay $0x1  }
0x257: {  	v3 =	vadd.s32 v1, v3;
	_ =	sdelay $0x3  }
0x258: {  	s21 =	simm.s32 $0xE800  }
0x259: {  	[tilespmem:s21], [sflag:$0x1] =	stream.indirect_vreg.gather [hbm4b:s5+s3], $0x80, v3, vm0, $0xb8;
	[tilespmem:$0x1B800] =	vst v63  }
0x25a: {  	v3 =	vld [tilespmem:s16+$0x0];
	_ =	sdelay $0x4  }
0x25b: {  	v51 =	vshll.u32 v3, $0x1  }
0x25c: {  	v3 =	vand.u32 $0x7, v3;
	v4 =	vand.u32 $0xFFFFFFF0, v51  }
0x25d: {  	v3 =	vor.u32 v3, v4  }
0x25e: {  	v4 =	vperm.xlane v3, v0;
	_ =	sdelay $0x1  }
0x25f: {  	v3 =	vperm.xlane v3, v2;
	v4 =	vadd.s32 v1, v4;
	_ =	sdelay $0x1  }
0x260: {  	v3 =	vadd.s32 v1, v3;
	_ =	sdelay $0x2  }
0x261: {  	[tilespmem:s11], [sflag:$0x2] =	stream.indirect_vreg.gather [hbm4b:s5+s3], $0x80, v4, vm0, $0xb8;
	[tilespmem:$0x1B800] =	vst v63  }
0x262: {  	s21 =	simm.s32 $0xF800  }
0x263: {  	[tilespmem:s21], [sflag:$0x2] =	stream.indirect_vreg.gather [hbm4b:s5+s3], $0x80, v3, vm0, $0xb8;
	[tilespmem:$0x1B800] =	vst v63  }
0x264: {  	v3 =	vld [tilespmem:s16+$0x10];
	_ =	sdelay $0x4  }
0x265: {  	v52 =	vshll.u32 v3, $0x1  }
0x266: {  	v3 =	vand.u32 $0x7, v3;
	v4 =	vand.u32 $0xFFFFFFF0, v52  }
0x267: {  	v3 =	vor.u32 v3, v4  }
0x268: {  	v4 =	vperm.xlane v3, v0;
	_ =	sdelay $0x1  }
0x269: {  	v3 =	vperm.xlane v3, v2;
	v4 =	vadd.s32 v1, v4;
	_ =	sdelay $0x1  }
0x26a: {  	v3 =	vadd.s32 v1, v3;
	_ =	sdelay $0x1  }
0x26b: {  	s21 =	simm.s32 $0x10000  }
0x26c: {  	[tilespmem:s21], [sflag:$0x2] =	stream.indirect_vreg.gather [hbm4b:s5+s3], $0x80, v4, vm0, $0xb8;
	[tilespmem:$0x1B800] =	vst v63  }
0x26d: {  	s21 =	simm.s32 $0x10800  }
0x26e: {  	[tilespmem:s21], [sflag:$0x2] =	stream.indirect_vreg.gather [hbm4b:s5+s3], $0x80, v3, vm0, $0xb8;
	[tilespmem:$0x1B800] =	vst v63  }
0x26f: {  	v3 =	vld [tilespmem:s16+$0x20];
	_ =	sdelay $0x4  }
0x270: {  	v53 =	vshll.u32 v3, $0x1  }
0x271: {  	v3 =	vand.u32 $0x7, v3;
	v4 =	vand.u32 $0xFFFFFFF0, v53  }
0x272: {  	v3 =	vor.u32 v3, v4  }
0x273: {  	v4 =	vperm.xlane v3, v0;
	_ =	sdelay $0x1  }
0x274: {  	v3 =	vperm.xlane v3, v2;
	v4 =	vadd.s32 v1, v4;
	_ =	sdelay $0x1  }
0x275: {  	v3 =	vadd.s32 v1, v3;
	_ =	sdelay $0x1  }
0x276: {  	s21 =	simm.s32 $0x11000  }
0x277: {  	[tilespmem:s21], [sflag:$0x2] =	stream.indirect_vreg.gather [hbm4b:s5+s3], $0x80, v4, vm0, $0xb8;
	[tilespmem:$0x1B800] =	vst v63  }
0x278: {  	s21 =	simm.s32 $0x11800  }
0x279: {  	[tilespmem:s21], [sflag:$0x2] =	stream.indirect_vreg.gather [hbm4b:s5+s3], $0x80, v3, vm0, $0xb8;
	[tilespmem:$0x1B800] =	vst v63  }
0x27a: {  	v3 =	vld [tilespmem:s16+$0x30];
	_ =	sdelay $0x4  }
0x27b: {  	v54 =	vshll.u32 v3, $0x1  }
0x27c: {  	v3 =	vand.u32 $0x7, v3;
	v4 =	vand.u32 $0xFFFFFFF0, v54  }
0x27d: {  	v3 =	vor.u32 v3, v4  }
0x27e: {  	v4 =	vperm.xlane v3, v0;
	_ =	sdelay $0x1  }
0x27f: {  	v3 =	vperm.xlane v3, v2;
	v4 =	vadd.s32 v1, v4;
	_ =	sdelay $0x1  }
0x280: {  	v3 =	vadd.s32 v1, v3;
	_ =	sdelay $0x1  }
0x281: {  	s21 =	simm.s32 $0x12000  }
0x282: {  	[tilespmem:s21], [sflag:$0x2] =	stream.indirect_vreg.gather [hbm4b:s5+s3], $0x80, v4, vm0, $0xb8;
	[tilespmem:$0x1B800] =	vst v63  }
0x283: {  	s21 =	simm.s32 $0x12800  }
0x284: {  	[tilespmem:s21], [sflag:$0x2] =	stream.indirect_vreg.gather [hbm4b:s5+s3], $0x80, v3, vm0, $0xb8;
	[tilespmem:$0x1B800] =	vst v63  }
0x285: {  	v3 =	vld [tilespmem:s16+$0x40];
	_ =	sdelay $0x4  }
0x286: {  	v55 =	vshll.u32 v3, $0x1  }
0x287: {  	v3 =	vand.u32 $0x7, v3;
	v4 =	vand.u32 $0xFFFFFFF0, v55  }
0x288: {  	v3 =	vor.u32 v3, v4  }
0x289: {  	v4 =	vperm.xlane v3, v0;
	_ =	sdelay $0x1  }
0x28a: {  	v3 =	vperm.xlane v3, v2;
	v4 =	vadd.s32 v1, v4;
	_ =	sdelay $0x1  }
0x28b: {  	v3 =	vadd.s32 v1, v3;
	_ =	sdelay $0x2  }
0x28c: {  	[tilespmem:s1], [sflag:$0x2] =	stream.indirect_vreg.gather [hbm4b:s5+s3], $0x80, v4, vm0, $0xb8;
	[tilespmem:$0x1B800] =	vst v63  }
0x28d: {  	_ = 	snop  }
0x28e: {  	[tilespmem:s31], [sflag:$0x2] =	stream.indirect_vreg.gather [hbm4b:s5+s3], $0x80, v3, vm0, $0xb8;
	[tilespmem:$0x1B800] =	vst v63  }
0x28f: {  	v3 =	vld [tilespmem:s16+$0x50];
	_ =	sdelay $0x4  }
0x290: {  	v56 =	vshll.u32 v3, $0x1  }
0x291: {  	v3 =	vand.u32 $0x7, v3;
	v4 =	vand.u32 $0xFFFFFFF0, v56  }
0x292: {  	v3 =	vor.u32 v3, v4  }
0x293: {  	v4 =	vperm.xlane v3, v0;
	_ =	sdelay $0x1  }
0x294: {  	v3 =	vperm.xlane v3, v2;
	v4 =	vadd.s32 v1, v4;
	_ =	sdelay $0x1  }
0x295: {  	v3 =	vadd.s32 v1, v3;
	_ =	sdelay $0x2  }
0x296: {  	[tilespmem:s30], [sflag:$0x2] =	stream.indirect_vreg.gather [hbm4b:s5+s3], $0x80, v4, vm0, $0xb8;
	[tilespmem:$0x1B800] =	vst v63  }
0x297: {  	_ = 	snop  }
0x298: {  	[tilespmem:s29], [sflag:$0x2] =	stream.indirect_vreg.gather [hbm4b:s5+s3], $0x80, v3, vm0, $0xb8;
	[tilespmem:$0x1B800] =	vst v63  }
0x299: {  	v3 =	vld [tilespmem:s16+$0x60];
	_ =	sdelay $0x4  }
0x29a: {  	v57 =	vshll.u32 v3, $0x1  }
0x29b: {  	v3 =	vand.u32 $0x7, v3;
	v4 =	vand.u32 $0xFFFFFFF0, v57  }
0x29c: {  	v3 =	vor.u32 v3, v4  }
0x29d: {  	v4 =	vperm.xlane v3, v0;
	_ =	sdelay $0x1  }
0x29e: {  	v3 =	vperm.xlane v3, v2;
	v4 =	vadd.s32 v1, v4;
	_ =	sdelay $0x1  }
0x29f: {  	v3 =	vadd.s32 v1, v3;
	_ =	sdelay $0x2  }
0x2a0: {  	[tilespmem:s28], [sflag:$0x2] =	stream.indirect_vreg.gather [hbm4b:s5+s3], $0x80, v4, vm0, $0xb8;
	[tilespmem:$0x1B800] =	vst v63  }
0x2a1: {  	_ = 	snop  }
0x2a2: {  	[tilespmem:s26], [sflag:$0x2] =	stream.indirect_vreg.gather [hbm4b:s5+s3], $0x80, v3, vm0, $0xb8;
	[tilespmem:$0x1B800] =	vst v63  }
0x2a3: {  	v3 =	vld [tilespmem:s16+$0x70];
	_ =	sdelay $0x4  }
0x2a4: {  	v58 =	vshll.u32 v3, $0x1  }
0x2a5: {  	v3 =	vand.u32 $0x7, v3;
	v4 =	vand.u32 $0xFFFFFFF0, v58  }
0x2a6: {  	v3 =	vor.u32 v3, v4  }
0x2a7: {  	v4 =	vperm.xlane v3, v0;
	_ =	sdelay $0x1  }
0x2a8: {  	v3 =	vperm.xlane v3, v2;
	v4 =	vadd.s32 v1, v4;
	_ =	sdelay $0x1  }
0x2a9: {  	v3 =	vadd.s32 v1, v3;
	_ =	sdelay $0x2  }
0x2aa: {  	[tilespmem:s25], [sflag:$0x2] =	stream.indirect_vreg.gather [hbm4b:s5+s3], $0x80, v4, vm0, $0xb8;
	[tilespmem:$0x1B800] =	vst v63  }
0x2ab: {  	_ = 	snop  }
0x2ac: {  	[tilespmem:s24], [sflag:$0x2] =	stream.indirect_vreg.gather [hbm4b:s5+s3], $0x80, v3, vm0, $0xb8;
	[tilespmem:$0x1B800] =	vst v63  }
0x2ad: {  	v3 =	vld [tilespmem:s16+$0x80];
	_ =	sdelay $0x4  }
0x2ae: {  	v59 =	vshll.u32 v3, $0x1  }
0x2af: {  	v3 =	vand.u32 $0x7, v3;
	v4 =	vand.u32 $0xFFFFFFF0, v59  }
0x2b0: {  	v3 =	vor.u32 v3, v4  }
0x2b1: {  	v4 =	vperm.xlane v3, v0;
	_ =	sdelay $0x1  }
0x2b2: {  	v3 =	vperm.xlane v3, v2;
	v4 =	vadd.s32 v1, v4;
	_ =	sdelay $0x1  }
0x2b3: {  	v3 =	vadd.s32 v1, v3;
	_ =	sdelay $0x2  }
0x2b4: {  	[tilespmem:s23], [sflag:$0x2] =	stream.indirect_vreg.gather [hbm4b:s5+s3], $0x80, v4, vm0, $0xb8;
	[tilespmem:$0x1B800] =	vst v63  }
0x2b5: {  	_ = 	snop  }
0x2b6: {  	[tilespmem:s17], [sflag:$0x2] =	stream.indirect_vreg.gather [hbm4b:s5+s3], $0x80, v3, vm0, $0xb8;
	[tilespmem:$0x1B800] =	vst v63  }
0x2b7: {  	v3 =	vld [tilespmem:s16+$0x90];
	_ =	sdelay $0x4  }
0x2b8: {  	v60 =	vshll.u32 v3, $0x1  }
0x2b9: {  	v3 =	vand.u32 $0x7, v3;
	v4 =	vand.u32 $0xFFFFFFF0, v60  }
0x2ba: {  	v3 =	vor.u32 v3, v4  }
0x2bb: {  	v4 =	vperm.xlane v3, v0;
	_ =	sdelay $0x1  }
0x2bc: {  	v3 =	vperm.xlane v3, v2;
	v4 =	vadd.s32 v1, v4;
	_ =	sdelay $0x1  }
0x2bd: {  	v3 =	vadd.s32 v1, v3;
	_ =	sdelay $0x2  }
0x2be: {  	[tilespmem:s10], [sflag:$0x2] =	stream.indirect_vreg.gather [hbm4b:s5+s3], $0x80, v4, vm0, $0xb8;
	[tilespmem:$0x1B800] =	vst v63  }
0x2bf: {  	_ = 	snop  }
0x2c0: {  	[tilespmem:s9], [sflag:$0x2] =	stream.indirect_vreg.gather [hbm4b:s5+s3], $0x80, v3, vm0, $0xb8;
	[tilespmem:$0x1B800] =	vst v63  }
0x2c1: {  	v3 =	vld [tilespmem:s16+$0xA0];
	_ =	sdelay $0x4  }
0x2c2: {  	v61 =	vshll.u32 v3, $0x1  }
0x2c3: {  	v3 =	vand.u32 $0x7, v3;
	v4 =	vand.u32 $0xFFFFFFF0, v61  }
0x2c4: {  	v3 =	vor.u32 v3, v4  }
0x2c5: {  	v4 =	vperm.xlane v3, v0;
	_ =	sdelay $0x1  }
0x2c6: {  	v3 =	vperm.xlane v3, v2;
	v4 =	vadd.s32 v1, v4;
	_ =	sdelay $0x1  }
0x2c7: {  	v3 =	vadd.s32 v1, v3;
	_ =	sdelay $0x2  }
0x2c8: {  	[tilespmem:s8], [sflag:$0x2] =	stream.indirect_vreg.gather [hbm4b:s5+s3], $0x80, v4, vm0, $0xb8;
	[tilespmem:$0x1B800] =	vst v63  }
0x2c9: {  	_ = 	snop  }
0x2ca: {  	[tilespmem:s7], [sflag:$0x2] =	stream.indirect_vreg.gather [hbm4b:s5+s3], $0x80, v3, vm0, $0xb8;
	[tilespmem:$0x1B800] =	vst v63  }
0x2cb: {  	v3 =	vld [tilespmem:s16+$0xB0];
	_ =	sdelay $0x4  }
0x2cc: {  	v62 =	vshll.u32 v3, $0x1  }
0x2cd: {  	v3 =	vand.u32 $0x7, v3;
	v4 =	vand.u32 $0xFFFFFFF0, v62  }
0x2ce: {  	v3 =	vor.u32 v3, v4  }
0x2cf: {  	v4 =	vperm.xlane v3, v0;
	_ =	sdelay $0x1  }
0x2d0: {  	v3 =	vperm.xlane v3, v2;
	v4 =	vadd.s32 v1, v4;
	_ =	sdelay $0x1  }
0x2d1: {  	v3 =	vadd.s32 v1, v3;
	_ =	sdelay $0x2  }
0x2d2: {  	[tilespmem:s6], [sflag:$0x2] =	stream.indirect_vreg.gather [hbm4b:s5+s3], $0x80, v4, vm0, $0xb8;
	[tilespmem:$0x1B800] =	vst v63  }
0x2d3: {  	_ = 	snop  }
0x2d4: {  	[tilespmem:s13], [sflag:$0x2] =	stream.indirect_vreg.gather [hbm4b:s5+s3], $0x80, v3, vm0, $0xb8;
	[tilespmem:$0x1B800] =	vst v63  }
0x2d5: {  	v3 =	vld.msk [tilespmem:s16+$0xC0], $0xff;
	_ =	sdelay $0x4  }
0x2d6: {  	v63 =	vshll.u32 v3, $0x1  }
0x2d7: {  	v3 =	vand.u32 $0x7, v3;
	v4 =	vand.u32 $0xFFFFFFF0, v63  }
0x2d8: {  	v3 =	vor.u32 v3, v4  }
0x2d9: {  	v3 =	vperm.xlane v3, v0;
	_ =	sdelay $0x1  }
0x2da: {  	v3 =	vadd.s32 v1, v3;
	_ =	sdelay $0x4  }
0x2db: {  	[tilespmem:s0], [sflag:$0x2] =	stream.indirect_vreg.gather [hbm4b:s5+s3], $0x80, v3, vm0, $0xb8;
	[tilespmem:$0x1B800] =	vst v63  }
0x2dc: {  	_ =	swait.ge [sflag:s18], $0xC800  }
0x2dd: {  	s21 =	rddreg [dreg:$0x5];
	[sflag:s18] =	ssyncset.done $0x0  }
0x2de: {  	[sflag:s18] =	ssyncadd.s32 $0xFFFF3800;
	s21 =	sadd.s32 s20, s21  }
0x2df: {  	[hbm4b:s21+s3] =	stream.linear.scatter [tilespmem:s14], [sflag:$0x3], $0xC800, $0x38;
	[tilespmem:$0x1B800] =	vst v63  }
0x2e0: {  	_ =	swait.ge [sflag:s12], $0xC800  }
0x2e1: {  	[sflag:s12] =	ssyncset.done $0x0  }
0x2e2: {  	[sflag:s12] =	ssyncadd.s32 $0xFFFF3800  }
0x2e3: {  	_ =	swait.ge [sflag:s19], $0xC800  }
0x2e4: {  	p0 =	sne.s32 s20, $0x22600;
	[sflag:s19] =	ssyncset.done $0x0  }
.Ltmp1:
0x2e5: {  	s21 =	sadd.s32 $0x1900, s21;
	[sflag:s19] =	ssyncadd.s32 $0xFFFF3800;
	(pc) =	sbr.rel @p0 .LBB2_4-.Ltmp1, $4  }
0x2e6: {  	[hbm4b:s21+s3] =	stream.linear.scatter [tilespmem:s11], [sflag:$0x3], $0xC800, $0x38;
	[tilespmem:$0x1B800] =	vst v63  }
0x2e7: {  	_ =	swait.ge [sflag:s12], $0xC800  }
0x2e8: {  	s16 =	sadd.s32 $0x190, s16;
	[sflag:s12] =	ssyncset.done $0x0  }
0x2e9: {  	s20 =	sadd.s32 $0x3200, s20;
	s21 =	simm.s32 $0x3000;
	[sflag:s12] =	ssyncadd.s32 $0xFFFF3800  }
0x2ea: {  	v3 =	vld [tilespmem:$0x26C0];
	_ =	sdelay $0x4  }
0x2eb: {  	v4 =	vshll.u32 v3, $0x1  }
0x2ec: {  	v3 =	vand.u32 $0x7, v3;
	v4 =	vand.u32 $0xFFFFFFF0, v4  }
0x2ed: {  	v3 =	vor.u32 v3, v4  }
0x2ee: {  	v4 =	vperm.xlane v3, v0;
	_ =	sdelay $0x1  }
0x2ef: {  	v3 =	vperm.xlane v3, v2;
	v4 =	vadd.s32 v1, v4;
	_ =	sdelay $0x1  }
0x2f0: {  	v3 =	vadd.s32 v1, v3;
	_ =	sdelay $0x1  }
0x2f1: {  	s20 =	simm.s32 $0x0  }
0x2f2: {  	[tilespmem:s14], [sflag:$0x1] =	stream.indirect_vreg.gather [hbm4b:s5+s20], $0x80, v4, vm0, $0xb8;
	[tilespmem:$0x1B800] =	vst v63  }
0x2f3: {  	_ = 	snop  }
0x2f4: {  	[tilespmem:s21], [sflag:$0x1] =	stream.indirect_vreg.gather [hbm4b:s5+s20], $0x80, v3, vm0, $0xb8;
	[tilespmem:$0x1B800] =	vst v63  }
0x2f5: {  	v3 =	vld [tilespmem:$0x26D0];
	_ =	sdelay $0x4  }
0x2f6: {  	v52 =	vshll.u32 v3, $0x1  }
0x2f7: {  	v3 =	vand.u32 $0x7, v3;
	v4 =	vand.u32 $0xFFFFFFF0, v52  }
0x2f8: {  	v3 =	vor.u32 v3, v4  }
0x2f9: {  	v4 =	vperm.xlane v3, v0;
	_ =	sdelay $0x1  }
0x2fa: {  	v3 =	vperm.xlane v3, v2;
	v4 =	vadd.s32 v1, v4;
	_ =	sdelay $0x1  }
0x2fb: {  	v3 =	vadd.s32 v1, v3;
	_ =	sdelay $0x2  }
0x2fc: {  	[tilespmem:s15], [sflag:$0x1] =	stream.indirect_vreg.gather [hbm4b:s5+s20], $0x80, v4, vm0, $0xb8;
	[tilespmem:$0x1B800] =	vst v63  }
0x2fd: {  	_ = 	snop  }
0x2fe: {  	[tilespmem:s22], [sflag:$0x1] =	stream.indirect_vreg.gather [hbm4b:s5+s20], $0x80, v3, vm0, $0xb8;
	[tilespmem:$0x1B800] =	vst v63  }
0x2ff: {  	v3 =	vld [tilespmem:$0x26E0];
	_ =	sdelay $0x4  }
0x300: {  	v53 =	vshll.u32 v3, $0x1  }
0x301: {  	v3 =	vand.u32 $0x7, v3;
	v4 =	vand.u32 $0xFFFFFFF0, v53  }
0x302: {  	v3 =	vor.u32 v3, v4  }
0x303: {  	v4 =	vperm.xlane v3, v0;
	_ =	sdelay $0x1  }
0x304: {  	v3 =	vperm.xlane v3, v2;
	v4 =	vadd.s32 v1, v4;
	_ =	sdelay $0x1  }
0x305: {  	v3 =	vadd.s32 v1, v3;
	_ =	sdelay $0x1  }
0x306: {  	s16 =	simm.s32 $0x4800  }
0x307: {  	[tilespmem:s16], [sflag:$0x1] =	stream.indirect_vreg.gather [hbm4b:s5+s20], $0x80, v4, vm0, $0xb8;
	[tilespmem:$0x1B800] =	vst v63  }
0x308: {  	s16 =	simm.s32 $0x5000  }
0x309: {  	[tilespmem:s16], [sflag:$0x1] =	stream.indirect_vreg.gather [hbm4b:s5+s20], $0x80, v3, vm0, $0xb8;
	[tilespmem:$0x1B800] =	vst v63  }
0x30a: {  	v3 =	vld [tilespmem:$0x26F0];
	_ =	sdelay $0x4  }
0x30b: {  	v54 =	vshll.u32 v3, $0x1  }
0x30c: {  	v3 =	vand.u32 $0x7, v3;
	v4 =	vand.u32 $0xFFFFFFF0, v54  }
0x30d: {  	v3 =	vor.u32 v3, v4  }
0x30e: {  	v4 =	vperm.xlane v3, v0;
	_ =	sdelay $0x1  }
0x30f: {  	v3 =	vperm.xlane v3, v2;
	v4 =	vadd.s32 v1, v4;
	_ =	sdelay $0x1  }
0x310: {  	v3 =	vadd.s32 v1, v3;
	_ =	sdelay $0x1  }
0x311: {  	s16 =	simm.s32 $0x5800  }
0x312: {  	[tilespmem:s16], [sflag:$0x1] =	stream.indirect_vreg.gather [hbm4b:s5+s20], $0x80, v4, vm0, $0xb8;
	[tilespmem:$0x1B800] =	vst v63  }
0x313: {  	s16 =	simm.s32 $0x6000  }
0x314: {  	[tilespmem:s16], [sflag:$0x1] =	stream.indirect_vreg.gather [hbm4b:s5+s20], $0x80, v3, vm0, $0xb8;
	[tilespmem:$0x1B800] =	vst v63  }
0x315: {  	v3 =	vld [tilespmem:$0x2700];
	_ =	sdelay $0x4  }
0x316: {  	v55 =	vshll.u32 v3, $0x1  }
0x317: {  	v3 =	vand.u32 $0x7, v3;
	v4 =	vand.u32 $0xFFFFFFF0, v55  }
0x318: {  	v3 =	vor.u32 v3, v4  }
0x319: {  	v4 =	vperm.xlane v3, v0;
	_ =	sdelay $0x1  }
0x31a: {  	v3 =	vperm.xlane v3, v2;
	v4 =	vadd.s32 v1, v4;
	_ =	sdelay $0x1  }
0x31b: {  	v3 =	vadd.s32 v1, v3;
	_ =	sdelay $0x1  }
0x31c: {  	s16 =	simm.s32 $0x6800  }
0x31d: {  	[tilespmem:s16], [sflag:$0x1] =	stream.indirect_vreg.gather [hbm4b:s5+s20], $0x80, v4, vm0, $0xb8;
	[tilespmem:$0x1B800] =	vst v63  }
0x31e: {  	s16 =	simm.s32 $0x7000  }
0x31f: {  	[tilespmem:s16], [sflag:$0x1] =	stream.indirect_vreg.gather [hbm4b:s5+s20], $0x80, v3, vm0, $0xb8;
	[tilespmem:$0x1B800] =	vst v63  }
0x320: {  	v3 =	vld [tilespmem:$0x2710];
	_ =	sdelay $0x4  }
0x321: {  	v56 =	vshll.u32 v3, $0x1  }
0x322: {  	v3 =	vand.u32 $0x7, v3;
	v4 =	vand.u32 $0xFFFFFFF0, v56  }
0x323: {  	v3 =	vor.u32 v3, v4  }
0x324: {  	v4 =	vperm.xlane v3, v0;
	_ =	sdelay $0x1  }
0x325: {  	v3 =	vperm.xlane v3, v2;
	v4 =	vadd.s32 v1, v4;
	_ =	sdelay $0x1  }
0x326: {  	v3 =	vadd.s32 v1, v3;
	_ =	sdelay $0x1  }
0x327: {  	s16 =	simm.s32 $0x7800  }
0x328: {  	[tilespmem:s16], [sflag:$0x1] =	stream.indirect_vreg.gather [hbm4b:s5+s20], $0x80, v4, vm0, $0xb8;
	[tilespmem:$0x1B800] =	vst v63  }
0x329: {  	s16 =	simm.s32 $0x8000  }
0x32a: {  	[tilespmem:s16], [sflag:$0x1] =	stream.indirect_vreg.gather [hbm4b:s5+s20], $0x80, v3, vm0, $0xb8;
	[tilespmem:$0x1B800] =	vst v63  }
0x32b: {  	v3 =	vld [tilespmem:$0x2720];
	_ =	sdelay $0x4  }
0x32c: {  	v57 =	vshll.u32 v3, $0x1  }
0x32d: {  	v3 =	vand.u32 $0x7, v3;
	v4 =	vand.u32 $0xFFFFFFF0, v57  }
0x32e: {  	v3 =	vor.u32 v3, v4  }
0x32f: {  	v4 =	vperm.xlane v3, v0;
	_ =	sdelay $0x1  }
0x330: {  	v3 =	vperm.xlane v3, v2;
	v4 =	vadd.s32 v1, v4;
	_ =	sdelay $0x1  }
0x331: {  	v3 =	vadd.s32 v1, v3;
	_ =	sdelay $0x1  }
0x332: {  	s16 =	simm.s32 $0x8800  }
0x333: {  	[tilespmem:s16], [sflag:$0x1] =	stream.indirect_vreg.gather [hbm4b:s5+s20], $0x80, v4, vm0, $0xb8;
	[tilespmem:$0x1B800] =	vst v63  }
0x334: {  	s16 =	simm.s32 $0x9000  }
0x335: {  	[tilespmem:s16], [sflag:$0x1] =	stream.indirect_vreg.gather [hbm4b:s5+s20], $0x80, v3, vm0, $0xb8;
	[tilespmem:$0x1B800] =	vst v63  }
0x336: {  	v3 =	vld [tilespmem:$0x2730];
	_ =	sdelay $0x4  }
0x337: {  	v58 =	vshll.u32 v3, $0x1  }
0x338: {  	v3 =	vand.u32 $0x7, v3;
	v4 =	vand.u32 $0xFFFFFFF0, v58  }
0x339: {  	v3 =	vor.u32 v3, v4  }
0x33a: {  	v4 =	vperm.xlane v3, v0;
	_ =	sdelay $0x1  }
0x33b: {  	v3 =	vperm.xlane v3, v2;
	v4 =	vadd.s32 v1, v4;
	_ =	sdelay $0x1  }
0x33c: {  	v3 =	vadd.s32 v1, v3;
	_ =	sdelay $0x1  }
0x33d: {  	s16 =	simm.s32 $0x9800  }
0x33e: {  	[tilespmem:s16], [sflag:$0x1] =	stream.indirect_vreg.gather [hbm4b:s5+s20], $0x80, v4, vm0, $0xb8;
	[tilespmem:$0x1B800] =	vst v63  }
0x33f: {  	s16 =	simm.s32 $0xA000  }
0x340: {  	[tilespmem:s16], [sflag:$0x1] =	stream.indirect_vreg.gather [hbm4b:s5+s20], $0x80, v3, vm0, $0xb8;
	[tilespmem:$0x1B800] =	vst v63  }
0x341: {  	v3 =	vld [tilespmem:$0x2740];
	_ =	sdelay $0x4  }
0x342: {  	v59 =	vshll.u32 v3, $0x1  }
0x343: {  	v3 =	vand.u32 $0x7, v3;
	v4 =	vand.u32 $0xFFFFFFF0, v59  }
0x344: {  	v3 =	vor.u32 v3, v4  }
0x345: {  	v4 =	vperm.xlane v3, v0;
	_ =	sdelay $0x1  }
0x346: {  	v3 =	vperm.xlane v3, v2;
	v4 =	vadd.s32 v1, v4;
	_ =	sdelay $0x1  }
0x347: {  	v3 =	vadd.s32 v1, v3;
	_ =	sdelay $0x1  }
0x348: {  	s16 =	simm.s32 $0xA800  }
0x349: {  	[tilespmem:s16], [sflag:$0x1] =	stream.indirect_vreg.gather [hbm4b:s5+s20], $0x80, v4, vm0, $0xb8;
	[tilespmem:$0x1B800] =	vst v63  }
0x34a: {  	s16 =	simm.s32 $0xB000  }
0x34b: {  	[tilespmem:s16], [sflag:$0x1] =	stream.indirect_vreg.gather [hbm4b:s5+s20], $0x80, v3, vm0, $0xb8;
	[tilespmem:$0x1B800] =	vst v63  }
0x34c: {  	v3 =	vld [tilespmem:$0x2750];
	_ =	sdelay $0x4  }
0x34d: {  	v60 =	vshll.u32 v3, $0x1  }
0x34e: {  	v3 =	vand.u32 $0x7, v3;
	v4 =	vand.u32 $0xFFFFFFF0, v60  }
0x34f: {  	v3 =	vor.u32 v3, v4  }
0x350: {  	v4 =	vperm.xlane v3, v0;
	_ =	sdelay $0x1  }
0x351: {  	v3 =	vperm.xlane v3, v2;
	v4 =	vadd.s32 v1, v4;
	_ =	sdelay $0x1  }
0x352: {  	v3 =	vadd.s32 v1, v3;
	_ =	sdelay $0x1  }
0x353: {  	s16 =	simm.s32 $0xB800  }
0x354: {  	[tilespmem:s16], [sflag:$0x1] =	stream.indirect_vreg.gather [hbm4b:s5+s20], $0x80, v4, vm0, $0xb8;
	[tilespmem:$0x1B800] =	vst v63  }
0x355: {  	s16 =	simm.s32 $0xC000  }
0x356: {  	[tilespmem:s16], [sflag:$0x1] =	stream.indirect_vreg.gather [hbm4b:s5+s20], $0x80, v3, vm0, $0xb8;
	[tilespmem:$0x1B800] =	vst v63  }
0x357: {  	v3 =	vld [tilespmem:$0x2760];
	_ =	sdelay $0x4  }
0x358: {  	v61 =	vshll.u32 v3, $0x1  }
0x359: {  	v3 =	vand.u32 $0x7, v3;
	v4 =	vand.u32 $0xFFFFFFF0, v61  }
0x35a: {  	v3 =	vor.u32 v3, v4  }
0x35b: {  	v4 =	vperm.xlane v3, v0;
	_ =	sdelay $0x1  }
0x35c: {  	v3 =	vperm.xlane v3, v2;
	v4 =	vadd.s32 v1, v4;
	_ =	sdelay $0x1  }
0x35d: {  	v3 =	vadd.s32 v1, v3;
	_ =	sdelay $0x1  }
0x35e: {  	s16 =	simm.s32 $0xC800  }
0x35f: {  	[tilespmem:s16], [sflag:$0x1] =	stream.indirect_vreg.gather [hbm4b:s5+s20], $0x80, v4, vm0, $0xb8;
	[tilespmem:$0x1B800] =	vst v63  }
0x360: {  	s16 =	simm.s32 $0xD000  }
0x361: {  	[tilespmem:s16], [sflag:$0x1] =	stream.indirect_vreg.gather [hbm4b:s5+s20], $0x80, v3, vm0, $0xb8;
	[tilespmem:$0x1B800] =	vst v63  }
0x362: {  	v3 =	vld [tilespmem:$0x2770];
	_ =	sdelay $0x4  }
0x363: {  	v62 =	vshll.u32 v3, $0x1  }
0x364: {  	v3 =	vand.u32 $0x7, v3;
	v4 =	vand.u32 $0xFFFFFFF0, v62  }
0x365: {  	v3 =	vor.u32 v3, v4  }
0x366: {  	v4 =	vperm.xlane v3, v0;
	_ =	sdelay $0x1  }
0x367: {  	v3 =	vperm.xlane v3, v2;
	v4 =	vadd.s32 v1, v4;
	_ =	sdelay $0x1  }
0x368: {  	v3 =	vadd.s32 v1, v3;
	_ =	sdelay $0x1  }
0x369: {  	s16 =	simm.s32 $0xD800  }
0x36a: {  	[tilespmem:s16], [sflag:$0x1] =	stream.indirect_vreg.gather [hbm4b:s5+s20], $0x80, v4, vm0, $0xb8;
	[tilespmem:$0x1B800] =	vst v63  }
0x36b: {  	s16 =	simm.s32 $0xE000  }
0x36c: {  	[tilespmem:s16], [sflag:$0x1] =	stream.indirect_vreg.gather [hbm4b:s5+s20], $0x80, v3, vm0, $0xb8;
	[tilespmem:$0x1B800] =	vst v63  }
0x36d: {  	v3 =	vld.msk [tilespmem:$0x2780], $0xff;
	_ =	sdelay $0x4  }
0x36e: {  	v63 =	vshll.u32 v3, $0x1  }
0x36f: {  	v3 =	vand.u32 $0x7, v3;
	v4 =	vand.u32 $0xFFFFFFF0, v63  }
0x370: {  	v3 =	vor.u32 v3, v4  }
0x371: {  	v3 =	vperm.xlane v3, v0;
	_ =	sdelay $0x1  }
0x372: {  	v3 =	vadd.s32 v1, v3;
	_ =	sdelay $0x3  }
0x373: {  	s16 =	simm.s32 $0xE800  }
0x374: {  	[tilespmem:s16], [sflag:$0x1] =	stream.indirect_vreg.gather [hbm4b:s5+s20], $0x80, v3, vm0, $0xb8;
	[tilespmem:$0x1B800] =	vst v63  }
0x375: {  	_ =	swait.ge [sflag:s18], $0xC800  }
0x376: {  	[sflag:s18] =	ssyncset.done $0x0  }
0x377: {  	s16 =	rddreg [dreg:$0xa];
	[sflag:s18] =	ssyncadd.s32 $0xFFFF3800  }
0x378: {  	[hbm4b:s16+s20] =	stream.linear.scatter [tilespmem:s14], [sflag:$0x3], $0xC800, $0x38;
	[tilespmem:$0x1B800] =	vst v63  }
0x379: {  	_ =	swait.ge [sflag:s12], $0xC800  }
0x37a: {  	[sflag:s12] =	ssyncset.done $0x0  }
0x37b: {  	s16 =	simm.s32 $0x14C8;
	[sflag:s12] =	ssyncadd.s32 $0xFFFF3800  }
.LBB2_6:
0x37c: {  	v3 =	vld [tilespmem:s16+$0xFFFFFF38];
	_ =	sdelay $0x4  }
0x37d: {  	v4 =	vshll.u32 v3, $0x1  }
0x37e: {  	v3 =	vand.u32 $0x7, v3;
	v4 =	vand.u32 $0xFFFFFFF0, v4  }
0x37f: {  	v3 =	vor.u32 v3, v4  }
0x380: {  	v4 =	vperm.xlane v3, v0;
	_ =	sdelay $0x1  }
0x381: {  	v3 =	vperm.xlane v3, v2;
	v4 =	vadd.s32 v1, v4;
	_ =	sdelay $0x1  }
0x382: {  	v3 =	vadd.s32 v1, v3;
	_ =	sdelay $0x2  }
0x383: {  	[tilespmem:s14], [sflag:$0x1] =	stream.indirect_vreg.gather [hbm4b:s2+s3], $0x80, v4, vm0, $0xb8;
	[tilespmem:$0x1B800] =	vst v63  }
0x384: {  	_ = 	snop  }
0x385: {  	[tilespmem:s21], [sflag:$0x1] =	stream.indirect_vreg.gather [hbm4b:s2+s3], $0x80, v3, vm0, $0xb8;
	[tilespmem:$0x1B800] =	vst v63  }
0x386: {  	v3 =	vld [tilespmem:s16+$0xFFFFFF48];
	_ =	sdelay $0x4  }
0x387: {  	v39 =	vshll.u32 v3, $0x1  }
0x388: {  	v3 =	vand.u32 $0x7, v3;
	v4 =	vand.u32 $0xFFFFFFF0, v39  }
0x389: {  	v3 =	vor.u32 v3, v4  }
0x38a: {  	v4 =	vperm.xlane v3, v0;
	_ =	sdelay $0x1  }
0x38b: {  	v3 =	vperm.xlane v3, v2;
	v4 =	vadd.s32 v1, v4;
	_ =	sdelay $0x1  }
0x38c: {  	v3 =	vadd.s32 v1, v3;
	_ =	sdelay $0x2  }
0x38d: {  	[tilespmem:s15], [sflag:$0x1] =	stream.indirect_vreg.gather [hbm4b:s2+s3], $0x80, v4, vm0, $0xb8;
	[tilespmem:$0x1B800] =	vst v63  }
0x38e: {  	_ = 	snop  }
0x38f: {  	[tilespmem:s22], [sflag:$0x1] =	stream.indirect_vreg.gather [hbm4b:s2+s3], $0x80, v3, vm0, $0xb8;
	[tilespmem:$0x1B800] =	vst v63  }
0x390: {  	v3 =	vld [tilespmem:s16+$0xFFFFFF58];
	_ =	sdelay $0x4  }
0x391: {  	v40 =	vshll.u32 v3, $0x1  }
0x392: {  	v3 =	vand.u32 $0x7, v3;
	v4 =	vand.u32 $0xFFFFFFF0, v40  }
0x393: {  	v3 =	vor.u32 v3, v4  }
0x394: {  	v4 =	vperm.xlane v3, v0;
	_ =	sdelay $0x1  }
0x395: {  	v3 =	vperm.xlane v3, v2;
	v4 =	vadd.s32 v1, v4;
	_ =	sdelay $0x1  }
0x396: {  	v3 =	vadd.s32 v1, v3;
	_ =	sdelay $0x1  }
0x397: {  	s21 =	simm.s32 $0x4800  }
0x398: {  	[tilespmem:s21], [sflag:$0x1] =	stream.indirect_vreg.gather [hbm4b:s2+s3], $0x80, v4, vm0, $0xb8;
	[tilespmem:$0x1B800] =	vst v63  }
0x399: {  	s21 =	simm.s32 $0x5000  }
0x39a: {  	[tilespmem:s21], [sflag:$0x1] =	stream.indirect_vreg.gather [hbm4b:s2+s3], $0x80, v3, vm0, $0xb8;
	[tilespmem:$0x1B800] =	vst v63  }
0x39b: {  	v3 =	vld [tilespmem:s16+$0xFFFFFF68];
	_ =	sdelay $0x4  }
0x39c: {  	v41 =	vshll.u32 v3, $0x1  }
0x39d: {  	v3 =	vand.u32 $0x7, v3;
	v4 =	vand.u32 $0xFFFFFFF0, v41  }
0x39e: {  	v3 =	vor.u32 v3, v4  }
0x39f: {  	v4 =	vperm.xlane v3, v0;
	_ =	sdelay $0x1  }
0x3a0: {  	v3 =	vperm.xlane v3, v2;
	v4 =	vadd.s32 v1, v4;
	_ =	sdelay $0x1  }
0x3a1: {  	v3 =	vadd.s32 v1, v3;
	_ =	sdelay $0x1  }
0x3a2: {  	s21 =	simm.s32 $0x5800  }
0x3a3: {  	[tilespmem:s21], [sflag:$0x1] =	stream.indirect_vreg.gather [hbm4b:s2+s3], $0x80, v4, vm0, $0xb8;
	[tilespmem:$0x1B800] =	vst v63  }
0x3a4: {  	s21 =	simm.s32 $0x6000  }
0x3a5: {  	[tilespmem:s21], [sflag:$0x1] =	stream.indirect_vreg.gather [hbm4b:s2+s3], $0x80, v3, vm0, $0xb8;
	[tilespmem:$0x1B800] =	vst v63  }
0x3a6: {  	v3 =	vld [tilespmem:s16+$0xFFFFFF78];
	_ =	sdelay $0x4  }
0x3a7: {  	v42 =	vshll.u32 v3, $0x1  }
0x3a8: {  	v3 =	vand.u32 $0x7, v3;
	v4 =	vand.u32 $0xFFFFFFF0, v42  }
0x3a9: {  	v3 =	vor.u32 v3, v4  }
0x3aa: {  	v4 =	vperm.xlane v3, v0;
	_ =	sdelay $0x1  }
0x3ab: {  	v3 =	vperm.xlane v3, v2;
	v4 =	vadd.s32 v1, v4;
	_ =	sdelay $0x1  }
0x3ac: {  	v3 =	vadd.s32 v1, v3;
	_ =	sdelay $0x1  }
0x3ad: {  	s21 =	simm.s32 $0x6800  }
0x3ae: {  	[tilespmem:s21], [sflag:$0x1] =	stream.indirect_vreg.gather [hbm4b:s2+s3], $0x80, v4, vm0, $0xb8;
	[tilespmem:$0x1B800] =	vst v63  }
0x3af: {  	s21 =	simm.s32 $0x7000  }
0x3b0: {  	[tilespmem:s21], [sflag:$0x1] =	stream.indirect_vreg.gather [hbm4b:s2+s3], $0x80, v3, vm0, $0xb8;
	[tilespmem:$0x1B800] =	vst v63  }
0x3b1: {  	v3 =	vld [tilespmem:s16+$0xFFFFFF88];
	_ =	sdelay $0x4  }
0x3b2: {  	v43 =	vshll.u32 v3, $0x1  }
0x3b3: {  	v3 =	vand.u32 $0x7, v3;
	v4 =	vand.u32 $0xFFFFFFF0, v43  }
0x3b4: {  	v3 =	vor.u32 v3, v4  }
0x3b5: {  	v4 =	vperm.xlane v3, v0;
	_ =	sdelay $0x1  }
0x3b6: {  	v3 =	vperm.xlane v3, v2;
	v4 =	vadd.s32 v1, v4;
	_ =	sdelay $0x1  }
0x3b7: {  	v3 =	vadd.s32 v1, v3;
	_ =	sdelay $0x1  }
0x3b8: {  	s21 =	simm.s32 $0x7800  }
0x3b9: {  	[tilespmem:s21], [sflag:$0x1] =	stream.indirect_vreg.gather [hbm4b:s2+s3], $0x80, v4, vm0, $0xb8;
	[tilespmem:$0x1B800] =	vst v63  }
0x3ba: {  	s21 =	simm.s32 $0x8000  }
0x3bb: {  	[tilespmem:s21], [sflag:$0x1] =	stream.indirect_vreg.gather [hbm4b:s2+s3], $0x80, v3, vm0, $0xb8;
	[tilespmem:$0x1B800] =	vst v63  }
0x3bc: {  	v3 =	vld [tilespmem:s16+$0xFFFFFF98];
	_ =	sdelay $0x4  }
0x3bd: {  	v44 =	vshll.u32 v3, $0x1  }
0x3be: {  	v3 =	vand.u32 $0x7, v3;
	v4 =	vand.u32 $0xFFFFFFF0, v44  }
0x3bf: {  	v3 =	vor.u32 v3, v4  }
0x3c0: {  	v4 =	vperm.xlane v3, v0;
	_ =	sdelay $0x1  }
0x3c1: {  	v3 =	vperm.xlane v3, v2;
	v4 =	vadd.s32 v1, v4;
	_ =	sdelay $0x1  }
0x3c2: {  	v3 =	vadd.s32 v1, v3;
	_ =	sdelay $0x1  }
0x3c3: {  	s21 =	simm.s32 $0x8800  }
0x3c4: {  	[tilespmem:s21], [sflag:$0x1] =	stream.indirect_vreg.gather [hbm4b:s2+s3], $0x80, v4, vm0, $0xb8;
	[tilespmem:$0x1B800] =	vst v63  }
0x3c5: {  	s21 =	simm.s32 $0x9000  }
0x3c6: {  	[tilespmem:s21], [sflag:$0x1] =	stream.indirect_vreg.gather [hbm4b:s2+s3], $0x80, v3, vm0, $0xb8;
	[tilespmem:$0x1B800] =	vst v63  }
0x3c7: {  	v3 =	vld [tilespmem:s16+$0xFFFFFFA8];
	_ =	sdelay $0x4  }
0x3c8: {  	v45 =	vshll.u32 v3, $0x1  }
0x3c9: {  	v3 =	vand.u32 $0x7, v3;
	v4 =	vand.u32 $0xFFFFFFF0, v45  }
0x3ca: {  	v3 =	vor.u32 v3, v4  }
0x3cb: {  	v4 =	vperm.xlane v3, v0;
	_ =	sdelay $0x1  }
0x3cc: {  	v3 =	vperm.xlane v3, v2;
	v4 =	vadd.s32 v1, v4;
	_ =	sdelay $0x1  }
0x3cd: {  	v3 =	vadd.s32 v1, v3;
	_ =	sdelay $0x1  }
0x3ce: {  	s21 =	simm.s32 $0x9800  }
0x3cf: {  	[tilespmem:s21], [sflag:$0x1] =	stream.indirect_vreg.gather [hbm4b:s2+s3], $0x80, v4, vm0, $0xb8;
	[tilespmem:$0x1B800] =	vst v63  }
0x3d0: {  	s21 =	simm.s32 $0xA000  }
0x3d1: {  	[tilespmem:s21], [sflag:$0x1] =	stream.indirect_vreg.gather [hbm4b:s2+s3], $0x80, v3, vm0, $0xb8;
	[tilespmem:$0x1B800] =	vst v63  }
0x3d2: {  	v3 =	vld [tilespmem:s16+$0xFFFFFFB8];
	_ =	sdelay $0x4  }
0x3d3: {  	v46 =	vshll.u32 v3, $0x1  }
0x3d4: {  	v3 =	vand.u32 $0x7, v3;
	v4 =	vand.u32 $0xFFFFFFF0, v46  }
0x3d5: {  	v3 =	vor.u32 v3, v4  }
0x3d6: {  	v4 =	vperm.xlane v3, v0;
	_ =	sdelay $0x1  }
0x3d7: {  	v3 =	vperm.xlane v3, v2;
	v4 =	vadd.s32 v1, v4;
	_ =	sdelay $0x1  }
0x3d8: {  	v3 =	vadd.s32 v1, v3;
	_ =	sdelay $0x1  }
0x3d9: {  	s21 =	simm.s32 $0xA800  }
0x3da: {  	[tilespmem:s21], [sflag:$0x1] =	stream.indirect_vreg.gather [hbm4b:s2+s3], $0x80, v4, vm0, $0xb8;
	[tilespmem:$0x1B800] =	vst v63  }
0x3db: {  	s21 =	simm.s32 $0xB000  }
0x3dc: {  	[tilespmem:s21], [sflag:$0x1] =	stream.indirect_vreg.gather [hbm4b:s2+s3], $0x80, v3, vm0, $0xb8;
	[tilespmem:$0x1B800] =	vst v63  }
0x3dd: {  	v3 =	vld [tilespmem:s16+$0xFFFFFFC8];
	_ =	sdelay $0x4  }
0x3de: {  	v47 =	vshll.u32 v3, $0x1  }
0x3df: {  	v3 =	vand.u32 $0x7, v3;
	v4 =	vand.u32 $0xFFFFFFF0, v47  }
0x3e0: {  	v3 =	vor.u32 v3, v4  }
0x3e1: {  	v4 =	vperm.xlane v3, v0;
	_ =	sdelay $0x1  }
0x3e2: {  	v3 =	vperm.xlane v3, v2;
	v4 =	vadd.s32 v1, v4;
	_ =	sdelay $0x1  }
0x3e3: {  	v3 =	vadd.s32 v1, v3;
	_ =	sdelay $0x1  }
0x3e4: {  	s21 =	simm.s32 $0xB800  }
0x3e5: {  	[tilespmem:s21], [sflag:$0x1] =	stream.indirect_vreg.gather [hbm4b:s2+s3], $0x80, v4, vm0, $0xb8;
	[tilespmem:$0x1B800] =	vst v63  }
0x3e6: {  	s21 =	simm.s32 $0xC000  }
0x3e7: {  	[tilespmem:s21], [sflag:$0x1] =	stream.indirect_vreg.gather [hbm4b:s2+s3], $0x80, v3, vm0, $0xb8;
	[tilespmem:$0x1B800] =	vst v63  }
0x3e8: {  	v3 =	vld [tilespmem:s16+$0xFFFFFFD8];
	_ =	sdelay $0x4  }
0x3e9: {  	v48 =	vshll.u32 v3, $0x1  }
0x3ea: {  	v3 =	vand.u32 $0x7, v3;
	v4 =	vand.u32 $0xFFFFFFF0, v48  }
0x3eb: {  	v3 =	vor.u32 v3, v4  }
0x3ec: {  	v4 =	vperm.xlane v3, v0;
	_ =	sdelay $0x1  }
0x3ed: {  	v3 =	vperm.xlane v3, v2;
	v4 =	vadd.s32 v1, v4;
	_ =	sdelay $0x1  }
0x3ee: {  	v3 =	vadd.s32 v1, v3;
	_ =	sdelay $0x1  }
0x3ef: {  	s21 =	simm.s32 $0xC800  }
0x3f0: {  	[tilespmem:s21], [sflag:$0x1] =	stream.indirect_vreg.gather [hbm4b:s2+s3], $0x80, v4, vm0, $0xb8;
	[tilespmem:$0x1B800] =	vst v63  }
0x3f1: {  	s21 =	simm.s32 $0xD000  }
0x3f2: {  	[tilespmem:s21], [sflag:$0x1] =	stream.indirect_vreg.gather [hbm4b:s2+s3], $0x80, v3, vm0, $0xb8;
	[tilespmem:$0x1B800] =	vst v63  }
0x3f3: {  	v3 =	vld [tilespmem:s16+$0xFFFFFFE8];
	_ =	sdelay $0x4  }
0x3f4: {  	v49 =	vshll.u32 v3, $0x1  }
0x3f5: {  	v3 =	vand.u32 $0x7, v3;
	v4 =	vand.u32 $0xFFFFFFF0, v49  }
0x3f6: {  	v3 =	vor.u32 v3, v4  }
0x3f7: {  	v4 =	vperm.xlane v3, v0;
	_ =	sdelay $0x1  }
0x3f8: {  	v3 =	vperm.xlane v3, v2;
	v4 =	vadd.s32 v1, v4;
	_ =	sdelay $0x1  }
0x3f9: {  	v3 =	vadd.s32 v1, v3;
	_ =	sdelay $0x1  }
0x3fa: {  	s21 =	simm.s32 $0xD800  }
0x3fb: {  	[tilespmem:s21], [sflag:$0x1] =	stream.indirect_vreg.gather [hbm4b:s2+s3], $0x80, v4, vm0, $0xb8;
	[tilespmem:$0x1B800] =	vst v63  }
0x3fc: {  	s21 =	simm.s32 $0xE000  }
0x3fd: {  	[tilespmem:s21], [sflag:$0x1] =	stream.indirect_vreg.gather [hbm4b:s2+s3], $0x80, v3, vm0, $0xb8;
	[tilespmem:$0x1B800] =	vst v63  }
0x3fe: {  	v3 =	vld.msk [tilespmem:s16+$0xFFFFFFF8], $0xff;
	_ =	sdelay $0x4  }
0x3ff: {  	v50 =	vshll.u32 v3, $0x1  }
0x400: {  	v3 =	vand.u32 $0x7, v3;
	v4 =	vand.u32 $0xFFFFFFF0, v50  }
0x401: {  	v3 =	vor.u32 v3, v4  }
0x402: {  	v3 =	vperm.xlane v3, v0;
	_ =	sdelay $0x1  }
0x403: {  	v3 =	vadd.s32 v1, v3;
	_ =	sdelay $0x3  }
0x404: {  	s21 =	simm.s32 $0xE800  }
0x405: {  	[tilespmem:s21], [sflag:$0x1] =	stream.indirect_vreg.gather [hbm4b:s2+s3], $0x80, v3, vm0, $0xb8;
	[tilespmem:$0x1B800] =	vst v63  }
0x406: {  	v3 =	vld [tilespmem:s16+$0x0];
	_ =	sdelay $0x4  }
0x407: {  	v51 =	vshll.u32 v3, $0x1  }
0x408: {  	v3 =	vand.u32 $0x7, v3;
	v4 =	vand.u32 $0xFFFFFFF0, v51  }
0x409: {  	v3 =	vor.u32 v3, v4  }
0x40a: {  	v4 =	vperm.xlane v3, v0;
	_ =	sdelay $0x1  }
0x40b: {  	v3 =	vperm.xlane v3, v2;
	v4 =	vadd.s32 v1, v4;
	_ =	sdelay $0x1  }
0x40c: {  	v3 =	vadd.s32 v1, v3;
	_ =	sdelay $0x2  }
0x40d: {  	[tilespmem:s11], [sflag:$0x2] =	stream.indirect_vreg.gather [hbm4b:s2+s3], $0x80, v4, vm0, $0xb8;
	[tilespmem:$0x1B800] =	vst v63  }
0x40e: {  	s21 =	simm.s32 $0xF800  }
0x40f: {  	[tilespmem:s21], [sflag:$0x2] =	stream.indirect_vreg.gather [hbm4b:s2+s3], $0x80, v3, vm0, $0xb8;
	[tilespmem:$0x1B800] =	vst v63  }
0x410: {  	v3 =	vld [tilespmem:s16+$0x10];
	_ =	sdelay $0x4  }
0x411: {  	v52 =	vshll.u32 v3, $0x1  }
0x412: {  	v3 =	vand.u32 $0x7, v3;
	v4 =	vand.u32 $0xFFFFFFF0, v52  }
0x413: {  	v3 =	vor.u32 v3, v4  }
0x414: {  	v4 =	vperm.xlane v3, v0;
	_ =	sdelay $0x1  }
0x415: {  	v3 =	vperm.xlane v3, v2;
	v4 =	vadd.s32 v1, v4;
	_ =	sdelay $0x1  }
0x416: {  	v3 =	vadd.s32 v1, v3;
	_ =	sdelay $0x1  }
0x417: {  	s21 =	simm.s32 $0x10000  }
0x418: {  	[tilespmem:s21], [sflag:$0x2] =	stream.indirect_vreg.gather [hbm4b:s2+s3], $0x80, v4, vm0, $0xb8;
	[tilespmem:$0x1B800] =	vst v63  }
0x419: {  	s21 =	simm.s32 $0x10800  }
0x41a: {  	[tilespmem:s21], [sflag:$0x2] =	stream.indirect_vreg.gather [hbm4b:s2+s3], $0x80, v3, vm0, $0xb8;
	[tilespmem:$0x1B800] =	vst v63  }
0x41b: {  	v3 =	vld [tilespmem:s16+$0x20];
	_ =	sdelay $0x4  }
0x41c: {  	v53 =	vshll.u32 v3, $0x1  }
0x41d: {  	v3 =	vand.u32 $0x7, v3;
	v4 =	vand.u32 $0xFFFFFFF0, v53  }
0x41e: {  	v3 =	vor.u32 v3, v4  }
0x41f: {  	v4 =	vperm.xlane v3, v0;
	_ =	sdelay $0x1  }
0x420: {  	v3 =	vperm.xlane v3, v2;
	v4 =	vadd.s32 v1, v4;
	_ =	sdelay $0x1  }
0x421: {  	v3 =	vadd.s32 v1, v3;
	_ =	sdelay $0x1  }
0x422: {  	s21 =	simm.s32 $0x11000  }
0x423: {  	[tilespmem:s21], [sflag:$0x2] =	stream.indirect_vreg.gather [hbm4b:s2+s3], $0x80, v4, vm0, $0xb8;
	[tilespmem:$0x1B800] =	vst v63  }
0x424: {  	s21 =	simm.s32 $0x11800  }
0x425: {  	[tilespmem:s21], [sflag:$0x2] =	stream.indirect_vreg.gather [hbm4b:s2+s3], $0x80, v3, vm0, $0xb8;
	[tilespmem:$0x1B800] =	vst v63  }
0x426: {  	v3 =	vld [tilespmem:s16+$0x30];
	_ =	sdelay $0x4  }
0x427: {  	v54 =	vshll.u32 v3, $0x1  }
0x428: {  	v3 =	vand.u32 $0x7, v3;
	v4 =	vand.u32 $0xFFFFFFF0, v54  }
0x429: {  	v3 =	vor.u32 v3, v4  }
0x42a: {  	v4 =	vperm.xlane v3, v0;
	_ =	sdelay $0x1  }
0x42b: {  	v3 =	vperm.xlane v3, v2;
	v4 =	vadd.s32 v1, v4;
	_ =	sdelay $0x1  }
0x42c: {  	v3 =	vadd.s32 v1, v3;
	_ =	sdelay $0x1  }
0x42d: {  	s21 =	simm.s32 $0x12000  }
0x42e: {  	[tilespmem:s21], [sflag:$0x2] =	stream.indirect_vreg.gather [hbm4b:s2+s3], $0x80, v4, vm0, $0xb8;
	[tilespmem:$0x1B800] =	vst v63  }
0x42f: {  	s21 =	simm.s32 $0x12800  }
0x430: {  	[tilespmem:s21], [sflag:$0x2] =	stream.indirect_vreg.gather [hbm4b:s2+s3], $0x80, v3, vm0, $0xb8;
	[tilespmem:$0x1B800] =	vst v63  }
0x431: {  	v3 =	vld [tilespmem:s16+$0x40];
	_ =	sdelay $0x4  }
0x432: {  	v55 =	vshll.u32 v3, $0x1  }
0x433: {  	v3 =	vand.u32 $0x7, v3;
	v4 =	vand.u32 $0xFFFFFFF0, v55  }
0x434: {  	v3 =	vor.u32 v3, v4  }
0x435: {  	v4 =	vperm.xlane v3, v0;
	_ =	sdelay $0x1  }
0x436: {  	v3 =	vperm.xlane v3, v2;
	v4 =	vadd.s32 v1, v4;
	_ =	sdelay $0x1  }
0x437: {  	v3 =	vadd.s32 v1, v3;
	_ =	sdelay $0x2  }
0x438: {  	[tilespmem:s1], [sflag:$0x2] =	stream.indirect_vreg.gather [hbm4b:s2+s3], $0x80, v4, vm0, $0xb8;
	[tilespmem:$0x1B800] =	vst v63  }
0x439: {  	_ = 	snop  }
0x43a: {  	[tilespmem:s31], [sflag:$0x2] =	stream.indirect_vreg.gather [hbm4b:s2+s3], $0x80, v3, vm0, $0xb8;
	[tilespmem:$0x1B800] =	vst v63  }
0x43b: {  	v3 =	vld [tilespmem:s16+$0x50];
	_ =	sdelay $0x4  }
0x43c: {  	v56 =	vshll.u32 v3, $0x1  }
0x43d: {  	v3 =	vand.u32 $0x7, v3;
	v4 =	vand.u32 $0xFFFFFFF0, v56  }
0x43e: {  	v3 =	vor.u32 v3, v4  }
0x43f: {  	v4 =	vperm.xlane v3, v0;
	_ =	sdelay $0x1  }
0x440: {  	v3 =	vperm.xlane v3, v2;
	v4 =	vadd.s32 v1, v4;
	_ =	sdelay $0x1  }
0x441: {  	v3 =	vadd.s32 v1, v3;
	_ =	sdelay $0x2  }
0x442: {  	[tilespmem:s30], [sflag:$0x2] =	stream.indirect_vreg.gather [hbm4b:s2+s3], $0x80, v4, vm0, $0xb8;
	[tilespmem:$0x1B800] =	vst v63  }
0x443: {  	_ = 	snop  }
0x444: {  	[tilespmem:s29], [sflag:$0x2] =	stream.indirect_vreg.gather [hbm4b:s2+s3], $0x80, v3, vm0, $0xb8;
	[tilespmem:$0x1B800] =	vst v63  }
0x445: {  	v3 =	vld [tilespmem:s16+$0x60];
	_ =	sdelay $0x4  }
0x446: {  	v57 =	vshll.u32 v3, $0x1  }
0x447: {  	v3 =	vand.u32 $0x7, v3;
	v4 =	vand.u32 $0xFFFFFFF0, v57  }
0x448: {  	v3 =	vor.u32 v3, v4  }
0x449: {  	v4 =	vperm.xlane v3, v0;
	_ =	sdelay $0x1  }
0x44a: {  	v3 =	vperm.xlane v3, v2;
	v4 =	vadd.s32 v1, v4;
	_ =	sdelay $0x1  }
0x44b: {  	v3 =	vadd.s32 v1, v3;
	_ =	sdelay $0x2  }
0x44c: {  	[tilespmem:s28], [sflag:$0x2] =	stream.indirect_vreg.gather [hbm4b:s2+s3], $0x80, v4, vm0, $0xb8;
	[tilespmem:$0x1B800] =	vst v63  }
0x44d: {  	_ = 	snop  }
0x44e: {  	[tilespmem:s26], [sflag:$0x2] =	stream.indirect_vreg.gather [hbm4b:s2+s3], $0x80, v3, vm0, $0xb8;
	[tilespmem:$0x1B800] =	vst v63  }
0x44f: {  	v3 =	vld [tilespmem:s16+$0x70];
	_ =	sdelay $0x4  }
0x450: {  	v58 =	vshll.u32 v3, $0x1  }
0x451: {  	v3 =	vand.u32 $0x7, v3;
	v4 =	vand.u32 $0xFFFFFFF0, v58  }
0x452: {  	v3 =	vor.u32 v3, v4  }
0x453: {  	v4 =	vperm.xlane v3, v0;
	_ =	sdelay $0x1  }
0x454: {  	v3 =	vperm.xlane v3, v2;
	v4 =	vadd.s32 v1, v4;
	_ =	sdelay $0x1  }
0x455: {  	v3 =	vadd.s32 v1, v3;
	_ =	sdelay $0x2  }
0x456: {  	[tilespmem:s25], [sflag:$0x2] =	stream.indirect_vreg.gather [hbm4b:s2+s3], $0x80, v4, vm0, $0xb8;
	[tilespmem:$0x1B800] =	vst v63  }
0x457: {  	_ = 	snop  }
0x458: {  	[tilespmem:s24], [sflag:$0x2] =	stream.indirect_vreg.gather [hbm4b:s2+s3], $0x80, v3, vm0, $0xb8;
	[tilespmem:$0x1B800] =	vst v63  }
0x459: {  	v3 =	vld [tilespmem:s16+$0x80];
	_ =	sdelay $0x4  }
0x45a: {  	v59 =	vshll.u32 v3, $0x1  }
0x45b: {  	v3 =	vand.u32 $0x7, v3;
	v4 =	vand.u32 $0xFFFFFFF0, v59  }
0x45c: {  	v3 =	vor.u32 v3, v4  }
0x45d: {  	v4 =	vperm.xlane v3, v0;
	_ =	sdelay $0x1  }
0x45e: {  	v3 =	vperm.xlane v3, v2;
	v4 =	vadd.s32 v1, v4;
	_ =	sdelay $0x1  }
0x45f: {  	v3 =	vadd.s32 v1, v3;
	_ =	sdelay $0x2  }
0x460: {  	[tilespmem:s23], [sflag:$0x2] =	stream.indirect_vreg.gather [hbm4b:s2+s3], $0x80, v4, vm0, $0xb8;
	[tilespmem:$0x1B800] =	vst v63  }
0x461: {  	_ = 	snop  }
0x462: {  	[tilespmem:s17], [sflag:$0x2] =	stream.indirect_vreg.gather [hbm4b:s2+s3], $0x80, v3, vm0, $0xb8;
	[tilespmem:$0x1B800] =	vst v63  }
0x463: {  	v3 =	vld [tilespmem:s16+$0x90];
	_ =	sdelay $0x4  }
0x464: {  	v60 =	vshll.u32 v3, $0x1  }
0x465: {  	v3 =	vand.u32 $0x7, v3;
	v4 =	vand.u32 $0xFFFFFFF0, v60  }
0x466: {  	v3 =	vor.u32 v3, v4  }
0x467: {  	v4 =	vperm.xlane v3, v0;
	_ =	sdelay $0x1  }
0x468: {  	v3 =	vperm.xlane v3, v2;
	v4 =	vadd.s32 v1, v4;
	_ =	sdelay $0x1  }
0x469: {  	v3 =	vadd.s32 v1, v3;
	_ =	sdelay $0x2  }
0x46a: {  	[tilespmem:s10], [sflag:$0x2] =	stream.indirect_vreg.gather [hbm4b:s2+s3], $0x80, v4, vm0, $0xb8;
	[tilespmem:$0x1B800] =	vst v63  }
0x46b: {  	_ = 	snop  }
0x46c: {  	[tilespmem:s9], [sflag:$0x2] =	stream.indirect_vreg.gather [hbm4b:s2+s3], $0x80, v3, vm0, $0xb8;
	[tilespmem:$0x1B800] =	vst v63  }
0x46d: {  	v3 =	vld [tilespmem:s16+$0xA0];
	_ =	sdelay $0x4  }
0x46e: {  	v61 =	vshll.u32 v3, $0x1  }
0x46f: {  	v3 =	vand.u32 $0x7, v3;
	v4 =	vand.u32 $0xFFFFFFF0, v61  }
0x470: {  	v3 =	vor.u32 v3, v4  }
0x471: {  	v4 =	vperm.xlane v3, v0;
	_ =	sdelay $0x1  }
0x472: {  	v3 =	vperm.xlane v3, v2;
	v4 =	vadd.s32 v1, v4;
	_ =	sdelay $0x1  }
0x473: {  	v3 =	vadd.s32 v1, v3;
	_ =	sdelay $0x2  }
0x474: {  	[tilespmem:s8], [sflag:$0x2] =	stream.indirect_vreg.gather [hbm4b:s2+s3], $0x80, v4, vm0, $0xb8;
	[tilespmem:$0x1B800] =	vst v63  }
0x475: {  	_ = 	snop  }
0x476: {  	[tilespmem:s7], [sflag:$0x2] =	stream.indirect_vreg.gather [hbm4b:s2+s3], $0x80, v3, vm0, $0xb8;
	[tilespmem:$0x1B800] =	vst v63  }
0x477: {  	v3 =	vld [tilespmem:s16+$0xB0];
	_ =	sdelay $0x4  }
0x478: {  	v62 =	vshll.u32 v3, $0x1  }
0x479: {  	v3 =	vand.u32 $0x7, v3;
	v4 =	vand.u32 $0xFFFFFFF0, v62  }
0x47a: {  	v3 =	vor.u32 v3, v4  }
0x47b: {  	v4 =	vperm.xlane v3, v0;
	_ =	sdelay $0x1  }
0x47c: {  	v3 =	vperm.xlane v3, v2;
	v4 =	vadd.s32 v1, v4;
	_ =	sdelay $0x1  }
0x47d: {  	v3 =	vadd.s32 v1, v3;
	_ =	sdelay $0x2  }
0x47e: {  	[tilespmem:s6], [sflag:$0x2] =	stream.indirect_vreg.gather [hbm4b:s2+s3], $0x80, v4, vm0, $0xb8;
	[tilespmem:$0x1B800] =	vst v63  }
0x47f: {  	_ = 	snop  }
0x480: {  	[tilespmem:s13], [sflag:$0x2] =	stream.indirect_vreg.gather [hbm4b:s2+s3], $0x80, v3, vm0, $0xb8;
	[tilespmem:$0x1B800] =	vst v63  }
0x481: {  	v3 =	vld.msk [tilespmem:s16+$0xC0], $0xff;
	_ =	sdelay $0x4  }
0x482: {  	v63 =	vshll.u32 v3, $0x1  }
0x483: {  	v3 =	vand.u32 $0x7, v3;
	v4 =	vand.u32 $0xFFFFFFF0, v63  }
0x484: {  	v3 =	vor.u32 v3, v4  }
0x485: {  	v3 =	vperm.xlane v3, v0;
	_ =	sdelay $0x1  }
0x486: {  	v3 =	vadd.s32 v1, v3;
	_ =	sdelay $0x4  }
0x487: {  	[tilespmem:s0], [sflag:$0x2] =	stream.indirect_vreg.gather [hbm4b:s2+s3], $0x80, v3, vm0, $0xb8;
	[tilespmem:$0x1B800] =	vst v63  }
0x488: {  	_ =	swait.ge [sflag:s18], $0xC800  }
0x489: {  	s21 =	rddreg [dreg:$0x6];
	[sflag:s18] =	ssyncset.done $0x0  }
0x48a: {  	[sflag:s18] =	ssyncadd.s32 $0xFFFF3800;
	s21 =	sadd.s32 s20, s21  }
0x48b: {  	[hbm4b:s21+s3] =	stream.linear.scatter [tilespmem:s14], [sflag:$0x3], $0xC800, $0x38;
	[tilespmem:$0x1B800] =	vst v63  }
0x48c: {  	_ =	swait.ge [sflag:s12], $0xC800  }
0x48d: {  	[sflag:s12] =	ssyncset.done $0x0  }
0x48e: {  	[sflag:s12] =	ssyncadd.s32 $0xFFFF3800  }
0x48f: {  	_ =	swait.ge [sflag:s19], $0xC800  }
0x490: {  	p0 =	sne.s32 s20, $0x22600;
	[sflag:s19] =	ssyncset.done $0x0  }
.Ltmp2:
0x491: {  	s21 =	sadd.s32 $0x1900, s21;
	[sflag:s19] =	ssyncadd.s32 $0xFFFF3800;
	(pc) =	sbr.rel @p0 .LBB2_6-.Ltmp2, $4  }
0x492: {  	[hbm4b:s21+s3] =	stream.linear.scatter [tilespmem:s11], [sflag:$0x3], $0xC800, $0x38;
	[tilespmem:$0x1B800] =	vst v63  }
0x493: {  	_ =	swait.ge [sflag:s12], $0xC800  }
0x494: {  	s16 =	sadd.s32 $0x190, s16;
	[sflag:s12] =	ssyncset.done $0x0  }
0x495: {  	s20 =	sadd.s32 $0x3200, s20;
	s21 =	simm.s32 $0x3000;
	[sflag:s12] =	ssyncadd.s32 $0xFFFF3800  }
0x496: {  	v3 =	vld [tilespmem:$0x26C0];
	_ =	sdelay $0x4  }
0x497: {  	v4 =	vshll.u32 v3, $0x1  }
0x498: {  	v3 =	vand.u32 $0x7, v3;
	v4 =	vand.u32 $0xFFFFFFF0, v4  }
0x499: {  	v3 =	vor.u32 v3, v4  }
0x49a: {  	v4 =	vperm.xlane v3, v0;
	_ =	sdelay $0x1  }
0x49b: {  	v3 =	vperm.xlane v3, v2;
	v4 =	vadd.s32 v1, v4;
	_ =	sdelay $0x1  }
0x49c: {  	v3 =	vadd.s32 v1, v3;
	_ =	sdelay $0x2  }
0x49d: {  	[tilespmem:s14], [sflag:$0x1] =	stream.indirect_vreg.gather [hbm4b:s2+s3], $0x80, v4, vm0, $0xb8;
	[tilespmem:$0x1B800] =	vst v63  }
0x49e: {  	_ = 	snop  }
0x49f: {  	[tilespmem:s21], [sflag:$0x1] =	stream.indirect_vreg.gather [hbm4b:s2+s3], $0x80, v3, vm0, $0xb8;
	[tilespmem:$0x1B800] =	vst v63  }
0x4a0: {  	v3 =	vld [tilespmem:$0x26D0];
	_ =	sdelay $0x4  }
0x4a1: {  	v52 =	vshll.u32 v3, $0x1  }
0x4a2: {  	v3 =	vand.u32 $0x7, v3;
	v4 =	vand.u32 $0xFFFFFFF0, v52  }
0x4a3: {  	v3 =	vor.u32 v3, v4  }
0x4a4: {  	v4 =	vperm.xlane v3, v0;
	_ =	sdelay $0x1  }
0x4a5: {  	v3 =	vperm.xlane v3, v2;
	v4 =	vadd.s32 v1, v4;
	_ =	sdelay $0x1  }
0x4a6: {  	v3 =	vadd.s32 v1, v3;
	_ =	sdelay $0x2  }
0x4a7: {  	[tilespmem:s15], [sflag:$0x1] =	stream.indirect_vreg.gather [hbm4b:s2+s3], $0x80, v4, vm0, $0xb8;
	[tilespmem:$0x1B800] =	vst v63  }
0x4a8: {  	_ = 	snop  }
0x4a9: {  	[tilespmem:s22], [sflag:$0x1] =	stream.indirect_vreg.gather [hbm4b:s2+s3], $0x80, v3, vm0, $0xb8;
	[tilespmem:$0x1B800] =	vst v63  }
0x4aa: {  	v3 =	vld [tilespmem:$0x26E0];
	_ =	sdelay $0x4  }
0x4ab: {  	v53 =	vshll.u32 v3, $0x1  }
0x4ac: {  	v3 =	vand.u32 $0x7, v3;
	v4 =	vand.u32 $0xFFFFFFF0, v53  }
0x4ad: {  	v3 =	vor.u32 v3, v4  }
0x4ae: {  	v4 =	vperm.xlane v3, v0;
	_ =	sdelay $0x1  }
0x4af: {  	v3 =	vperm.xlane v3, v2;
	v4 =	vadd.s32 v1, v4;
	_ =	sdelay $0x1  }
0x4b0: {  	v3 =	vadd.s32 v1, v3;
	_ =	sdelay $0x1  }
0x4b1: {  	s0 =	simm.s32 $0x4800  }
0x4b2: {  	[tilespmem:s0], [sflag:$0x1] =	stream.indirect_vreg.gather [hbm4b:s2+s3], $0x80, v4, vm0, $0xb8;
	[tilespmem:$0x1B800] =	vst v63  }
0x4b3: {  	s16 =	simm.s32 $0x5000  }
0x4b4: {  	[tilespmem:s16], [sflag:$0x1] =	stream.indirect_vreg.gather [hbm4b:s2+s3], $0x80, v3, vm0, $0xb8;
	[tilespmem:$0x1B800] =	vst v63  }
0x4b5: {  	v3 =	vld [tilespmem:$0x26F0];
	_ =	sdelay $0x4  }
0x4b6: {  	v54 =	vshll.u32 v3, $0x1  }
0x4b7: {  	v3 =	vand.u32 $0x7, v3;
	v4 =	vand.u32 $0xFFFFFFF0, v54  }
0x4b8: {  	v3 =	vor.u32 v3, v4  }
0x4b9: {  	v4 =	vperm.xlane v3, v0;
	_ =	sdelay $0x1  }
0x4ba: {  	v3 =	vperm.xlane v3, v2;
	v4 =	vadd.s32 v1, v4;
	_ =	sdelay $0x1  }
0x4bb: {  	v3 =	vadd.s32 v1, v3;
	_ =	sdelay $0x1  }
0x4bc: {  	s20 =	simm.s32 $0x5800  }
0x4bd: {  	[tilespmem:s20], [sflag:$0x1] =	stream.indirect_vreg.gather [hbm4b:s2+s3], $0x80, v4, vm0, $0xb8;
	[tilespmem:$0x1B800] =	vst v63  }
0x4be: {  	s16 =	simm.s32 $0x6000  }
0x4bf: {  	[tilespmem:s16], [sflag:$0x1] =	stream.indirect_vreg.gather [hbm4b:s2+s3], $0x80, v3, vm0, $0xb8;
	[tilespmem:$0x1B800] =	vst v63  }
0x4c0: {  	v3 =	vld [tilespmem:$0x2700];
	_ =	sdelay $0x4  }
0x4c1: {  	v55 =	vshll.u32 v3, $0x1  }
0x4c2: {  	v3 =	vand.u32 $0x7, v3;
	v4 =	vand.u32 $0xFFFFFFF0, v55  }
0x4c3: {  	v3 =	vor.u32 v3, v4  }
0x4c4: {  	v4 =	vperm.xlane v3, v0;
	_ =	sdelay $0x1  }
0x4c5: {  	v3 =	vperm.xlane v3, v2;
	v4 =	vadd.s32 v1, v4;
	_ =	sdelay $0x1  }
0x4c6: {  	v3 =	vadd.s32 v1, v3;
	_ =	sdelay $0x1  }
0x4c7: {  	s20 =	simm.s32 $0x6800  }
0x4c8: {  	[tilespmem:s20], [sflag:$0x1] =	stream.indirect_vreg.gather [hbm4b:s2+s3], $0x80, v4, vm0, $0xb8;
	[tilespmem:$0x1B800] =	vst v63  }
0x4c9: {  	s16 =	simm.s32 $0x7000  }
0x4ca: {  	[tilespmem:s16], [sflag:$0x1] =	stream.indirect_vreg.gather [hbm4b:s2+s3], $0x80, v3, vm0, $0xb8;
	[tilespmem:$0x1B800] =	vst v63  }
0x4cb: {  	v3 =	vld [tilespmem:$0x2710];
	_ =	sdelay $0x4  }
0x4cc: {  	v56 =	vshll.u32 v3, $0x1  }
0x4cd: {  	v3 =	vand.u32 $0x7, v3;
	v4 =	vand.u32 $0xFFFFFFF0, v56  }
0x4ce: {  	v3 =	vor.u32 v3, v4  }
0x4cf: {  	v4 =	vperm.xlane v3, v0;
	_ =	sdelay $0x1  }
0x4d0: {  	v3 =	vperm.xlane v3, v2;
	v4 =	vadd.s32 v1, v4;
	_ =	sdelay $0x1  }
0x4d1: {  	v3 =	vadd.s32 v1, v3;
	_ =	sdelay $0x1  }
0x4d2: {  	s20 =	simm.s32 $0x7800  }
0x4d3: {  	[tilespmem:s20], [sflag:$0x1] =	stream.indirect_vreg.gather [hbm4b:s2+s3], $0x80, v4, vm0, $0xb8;
	[tilespmem:$0x1B800] =	vst v63  }
0x4d4: {  	s16 =	simm.s32 $0x8000  }
0x4d5: {  	[tilespmem:s16], [sflag:$0x1] =	stream.indirect_vreg.gather [hbm4b:s2+s3], $0x80, v3, vm0, $0xb8;
	[tilespmem:$0x1B800] =	vst v63  }
0x4d6: {  	v3 =	vld [tilespmem:$0x2720];
	_ =	sdelay $0x4  }
0x4d7: {  	v57 =	vshll.u32 v3, $0x1  }
0x4d8: {  	v3 =	vand.u32 $0x7, v3;
	v4 =	vand.u32 $0xFFFFFFF0, v57  }
0x4d9: {  	v3 =	vor.u32 v3, v4  }
0x4da: {  	v4 =	vperm.xlane v3, v0;
	_ =	sdelay $0x1  }
0x4db: {  	v3 =	vperm.xlane v3, v2;
	v4 =	vadd.s32 v1, v4;
	_ =	sdelay $0x1  }
0x4dc: {  	v3 =	vadd.s32 v1, v3;
	_ =	sdelay $0x1  }
0x4dd: {  	s20 =	simm.s32 $0x8800  }
0x4de: {  	[tilespmem:s20], [sflag:$0x1] =	stream.indirect_vreg.gather [hbm4b:s2+s3], $0x80, v4, vm0, $0xb8;
	[tilespmem:$0x1B800] =	vst v63  }
0x4df: {  	s16 =	simm.s32 $0x9000  }
0x4e0: {  	[tilespmem:s16], [sflag:$0x1] =	stream.indirect_vreg.gather [hbm4b:s2+s3], $0x80, v3, vm0, $0xb8;
	[tilespmem:$0x1B800] =	vst v63  }
0x4e1: {  	v3 =	vld [tilespmem:$0x2730];
	_ =	sdelay $0x4  }
0x4e2: {  	v58 =	vshll.u32 v3, $0x1  }
0x4e3: {  	v3 =	vand.u32 $0x7, v3;
	v4 =	vand.u32 $0xFFFFFFF0, v58  }
0x4e4: {  	v3 =	vor.u32 v3, v4  }
0x4e5: {  	v4 =	vperm.xlane v3, v0;
	_ =	sdelay $0x1  }
0x4e6: {  	v3 =	vperm.xlane v3, v2;
	v4 =	vadd.s32 v1, v4;
	_ =	sdelay $0x1  }
0x4e7: {  	v3 =	vadd.s32 v1, v3;
	_ =	sdelay $0x1  }
0x4e8: {  	s20 =	simm.s32 $0x9800  }
0x4e9: {  	[tilespmem:s20], [sflag:$0x1] =	stream.indirect_vreg.gather [hbm4b:s2+s3], $0x80, v4, vm0, $0xb8;
	[tilespmem:$0x1B800] =	vst v63  }
0x4ea: {  	s16 =	simm.s32 $0xA000  }
0x4eb: {  	[tilespmem:s16], [sflag:$0x1] =	stream.indirect_vreg.gather [hbm4b:s2+s3], $0x80, v3, vm0, $0xb8;
	[tilespmem:$0x1B800] =	vst v63  }
0x4ec: {  	v3 =	vld [tilespmem:$0x2740];
	_ =	sdelay $0x4  }
0x4ed: {  	v59 =	vshll.u32 v3, $0x1  }
0x4ee: {  	v3 =	vand.u32 $0x7, v3;
	v4 =	vand.u32 $0xFFFFFFF0, v59  }
0x4ef: {  	v3 =	vor.u32 v3, v4  }
0x4f0: {  	v4 =	vperm.xlane v3, v0;
	_ =	sdelay $0x1  }
0x4f1: {  	v3 =	vperm.xlane v3, v2;
	v4 =	vadd.s32 v1, v4;
	_ =	sdelay $0x1  }
0x4f2: {  	v3 =	vadd.s32 v1, v3;
	_ =	sdelay $0x1  }
0x4f3: {  	s20 =	simm.s32 $0xA800  }
0x4f4: {  	[tilespmem:s20], [sflag:$0x1] =	stream.indirect_vreg.gather [hbm4b:s2+s3], $0x80, v4, vm0, $0xb8;
	[tilespmem:$0x1B800] =	vst v63  }
0x4f5: {  	s16 =	simm.s32 $0xB000  }
0x4f6: {  	[tilespmem:s16], [sflag:$0x1] =	stream.indirect_vreg.gather [hbm4b:s2+s3], $0x80, v3, vm0, $0xb8;
	[tilespmem:$0x1B800] =	vst v63  }
0x4f7: {  	v3 =	vld [tilespmem:$0x2750];
	_ =	sdelay $0x4  }
0x4f8: {  	v60 =	vshll.u32 v3, $0x1  }
0x4f9: {  	v3 =	vand.u32 $0x7, v3;
	v4 =	vand.u32 $0xFFFFFFF0, v60  }
0x4fa: {  	v3 =	vor.u32 v3, v4  }
0x4fb: {  	v4 =	vperm.xlane v3, v0;
	_ =	sdelay $0x1  }
0x4fc: {  	v3 =	vperm.xlane v3, v2;
	v4 =	vadd.s32 v1, v4;
	_ =	sdelay $0x1  }
0x4fd: {  	v3 =	vadd.s32 v1, v3;
	_ =	sdelay $0x1  }
0x4fe: {  	s20 =	simm.s32 $0xB800  }
0x4ff: {  	[tilespmem:s20], [sflag:$0x1] =	stream.indirect_vreg.gather [hbm4b:s2+s3], $0x80, v4, vm0, $0xb8;
	[tilespmem:$0x1B800] =	vst v63  }
0x500: {  	s16 =	simm.s32 $0xC000  }
0x501: {  	[tilespmem:s16], [sflag:$0x1] =	stream.indirect_vreg.gather [hbm4b:s2+s3], $0x80, v3, vm0, $0xb8;
	[tilespmem:$0x1B800] =	vst v63  }
0x502: {  	v3 =	vld [tilespmem:$0x2760];
	_ =	sdelay $0x4  }
0x503: {  	v61 =	vshll.u32 v3, $0x1  }
0x504: {  	v3 =	vand.u32 $0x7, v3;
	v4 =	vand.u32 $0xFFFFFFF0, v61  }
0x505: {  	v3 =	vor.u32 v3, v4  }
0x506: {  	v4 =	vperm.xlane v3, v0;
	_ =	sdelay $0x1  }
0x507: {  	v3 =	vperm.xlane v3, v2;
	v4 =	vadd.s32 v1, v4;
	_ =	sdelay $0x1  }
0x508: {  	v3 =	vadd.s32 v1, v3;
	_ =	sdelay $0x1  }
0x509: {  	s20 =	simm.s32 $0xC800  }
0x50a: {  	[tilespmem:s20], [sflag:$0x1] =	stream.indirect_vreg.gather [hbm4b:s2+s3], $0x80, v4, vm0, $0xb8;
	[tilespmem:$0x1B800] =	vst v63  }
0x50b: {  	s16 =	simm.s32 $0xD000  }
0x50c: {  	[tilespmem:s16], [sflag:$0x1] =	stream.indirect_vreg.gather [hbm4b:s2+s3], $0x80, v3, vm0, $0xb8;
	[tilespmem:$0x1B800] =	vst v63  }
0x50d: {  	v3 =	vld [tilespmem:$0x2770];
	_ =	sdelay $0x4  }
0x50e: {  	v62 =	vshll.u32 v3, $0x1  }
0x50f: {  	v3 =	vand.u32 $0x7, v3;
	v4 =	vand.u32 $0xFFFFFFF0, v62  }
0x510: {  	v3 =	vor.u32 v3, v4  }
0x511: {  	v4 =	vperm.xlane v3, v0;
	_ =	sdelay $0x1  }
0x512: {  	v3 =	vperm.xlane v3, v2;
	v4 =	vadd.s32 v1, v4;
	_ =	sdelay $0x1  }
0x513: {  	v3 =	vadd.s32 v1, v3;
	_ =	sdelay $0x1  }
0x514: {  	s20 =	simm.s32 $0xD800  }
0x515: {  	[tilespmem:s20], [sflag:$0x1] =	stream.indirect_vreg.gather [hbm4b:s2+s3], $0x80, v4, vm0, $0xb8;
	[tilespmem:$0x1B800] =	vst v63  }
0x516: {  	s16 =	simm.s32 $0xE000  }
0x517: {  	[tilespmem:s16], [sflag:$0x1] =	stream.indirect_vreg.gather [hbm4b:s2+s3], $0x80, v3, vm0, $0xb8;
	[tilespmem:$0x1B800] =	vst v63  }
0x518: {  	v3 =	vld.msk [tilespmem:$0x2780], $0xff;
	_ =	sdelay $0x4  }
0x519: {  	v63 =	vshll.u32 v3, $0x1  }
0x51a: {  	v3 =	vand.u32 $0x7, v3;
	v4 =	vand.u32 $0xFFFFFFF0, v63  }
0x51b: {  	v3 =	vor.u32 v3, v4  }
0x51c: {  	v3 =	vperm.xlane v3, v0;
	_ =	sdelay $0x1  }
0x51d: {  	v3 =	vadd.s32 v1, v3;
	_ =	sdelay $0x3  }
0x51e: {  	s20 =	simm.s32 $0xE800  }
0x51f: {  	[tilespmem:s20], [sflag:$0x1] =	stream.indirect_vreg.gather [hbm4b:s2+s3], $0x80, v3, vm0, $0xb8;
	[tilespmem:$0x1B800] =	vst v63  }
0x520: {  	_ =	swait.ge [sflag:s18], $0xC800  }
0x521: {  	[sflag:s18] =	ssyncset.done $0x0  }
0x522: {  	s16 =	rddreg [dreg:$0xb];
	[sflag:s18] =	ssyncadd.s32 $0xFFFF3800  }
0x523: {  	[hbm4b:s16+s3] =	stream.linear.scatter [tilespmem:s14], [sflag:$0x3], $0xC800, $0x38;
	[tilespmem:$0x1B800] =	vst v63  }
0x524: {  	_ =	swait.ge [sflag:s12], $0xC800  }
0x525: {  	s16 =	rddreg [dreg:$0xd]  }
0x526: {  	s20 =	rddreg [dreg:$0xc];
	s0 =	sadd.s32 $0x1, s16  }
0x527: {  	p0 =	sne.s32 s0, s20  }
.Ltmp3:
0x528: {  	_ = 	snop;
	(pc) =	sbr.rel @p0 .LBB2_1-.Ltmp3, $3  }
0x529: {  	_ =	sdelay $0x1  }
0x52a: {  	[sflag:s12] =	ssyncset.done $0x0  }
0x52b: {  	[sflag:s12] =	ssyncadd.s32 $0xFFFF3800  }
0x52c: {  	_ =	sfence.sel $0x180000  }
0x52d: {  	[bflag:$0x0] =	sbarrier.arrive $0xFFFF  }
0x52e: {  	_ =	strace $0x90000047  }
0x52f: {  	s0 =	stileid.u32;
	[bflag:$0x2] =	sbarrier.arrive $0xFFFF  }
0x530: {  	p0 =	sne.s32 s0, $0x0;
	s0 =	rddreg [dreg:$0x3]  }
0x531: {  	s0 =	sadd.s32 @!p0 $0x100000, s0  }
0x532: {  	[sflag:s0] =	ssyncadd.tile.s32 @!p0 $0x1;
	_ =	shalt  }
.Lfunc_end2:
_tile_overlayer_lowered:
.L_overlay_start_2:
0x533: {  	(tag) =	ssettag $0x2  }
0x534: {  	s0 =	rddreg [dreg:$0x0];
	s2 =	stileid.u32  }
0x535: {  	s1 =	rddreg [dreg:$0x1];
	p0 =	sne.s32 s2, $0x0  }
0x536: {  	s3 =	rddreg [dreg:$0x2];
	[bflag:$0x3] =	sbarrier.arrive $0xFFFF;
	s2 =	simm.s32 @!p0 $0x1C03  }
0x537: {  	[timem:s3], [sflag:s2] =	dma.local @!p0 [hbm:s0], s1  }
0x538: {  	s0 =	simm.s32 @!p0 $0x3  }
0x539: {  	_ =	swait.ge @!p0 [sflag:s0], s1  }
0x53a: {  	s1 =	ssub.s32 @!p0 $0x0, s1;
	[sflag:s0] =	ssyncset.done @!p0 $0x0  }
0x53b: {  	[sflag:s0] =	ssyncadd.s32 @!p0 s1  }
0x53c: {  	[bflag:$0x3] =	sbarrier.arrive $0xFFFF  }
0x53d: {  	_ =	shalt  }

// kernel: kernel.14.cloned.1.call-start
scs
__scs_entry_jumppad:
0x0: {  	(pc) =	sbr.rel $0x88, $3  }
0x1: {  	(tag) =	ssettag $0x0;
	lr =	simm.s32 $0x1  }
0x2: {  	[smem:$0x3F95] =	sst lr;
	_ =	strace $0xD0000000  }
0x3: {  	_ = 	snop  }
0x4: {  	_ = 	snop  }
0x5: {  	_ = 	snop  }
0x6: {  	_ = 	snop  }
0x7: {  	_ = 	snop  }
__scs_overlays_trampoline_lowered:
0x8: {  	[smem:$0x3FA4] =	sst s0  }
0x9: {  	[smem:$0x3FA5] =	sst s1  }
0xa: {  	[smem:$0x3FA6] =	sst s2  }
0xb: {  	[smem:$0x3FA7] =	sst s3  }
0xc: {  	[smem:$0x3FA8] =	sst s4  }
0xd: {  	[smem:$0x3FA9] =	sst s5  }
0xe: {  	[smem:$0x3FAA] =	sst s6  }
0xf: {  	[smem:$0x3FAB] =	sst s7  }
0x10: {  	[smem:$0x3FAC] =	sst s8  }
0x11: {  	[smem:$0x3FAD] =	sst s9;
	s0 =	simm.s32 @!p0 $0x0  }
0x12: {  	s1 =	sld [smem:$0x3F93];
	s0 =	simm.s32 @p0 $0x1  }
0x13: {  	[smem:$0x3FAE] =	sst s0;
	s0 =	simm.s32 @!p1 $0x0  }
0x14: {  	s2 =	sld [smem:$0x3F92];
	s0 =	simm.s32 @p1 $0x1  }
0x15: {  	[smem:$0x3FAF] =	sst s0;
	s0 =	simm.s32 @!p2 $0x0  }
0x16: {  	s3 =	sld [smem:$0x3FDB];
	s0 =	simm.s32 @p2 $0x1  }
0x17: {  	s4 =	simm.s32 $0x1BF5;
	[smem:$0x3FB1] =	sst s0  }
0x18: {  	s0 =	sld [smem:$0x3F94];
	_ =	swait.ge [sflag:s4], $0x0  }
0x19: {  	s7 =	sld [smem:$0x3F95]  }
0x1a: {  	s8 =	sadd.s32 $0xFFFFE003, lr  }
0x1b: {  	s9 =	sadd.s32 $0xFFFFFEF7, lr;
	s5 =	simm.s32 $0xFFFFFFFF;
	p2 =	slt.u32 s8, $0xFFFFF086  }
0x1c: {  	p1 =	slt.u32 s9, $0xF7A;
	s5 =	simm.s32 @!p2 $0x0  }
0x1d: {  	s5 =	simm.s32 @p1 $0x1;
	p0 =	seq.s32 s7, s2  }
0x1e: {  	s7 =	smul.u32 @!p0 $0xF7A, s2;
	p2 =	seq.s32 @!p0 s5, $0x0  }
0x1f: {  	s9 =	smul.u32 $0xF7A, s1;
	s8 =	simm.s32 @!p0 $0x1BF5;
	p2 =	por !p2, p0  }
0x20: {  	[sflag:s8] =	ssyncset.s32 @!p0 $0xFFFFF086;
	s6 =	sadd.s32 @!p0 s3, s7;
	s7 =	simm.s32 @!p0 $0x108  }
0x21: {  	s3 =	sadd.s32 s3, s9;
	s6 =	sadd.s32 @!p0 $0x88, s6;
	s7 =	simm.s32 @p2 $0x1082  }
0x22: {  	[simem:s7], [sflag:s8] =	dma.local @!p0 [hbm:s6], $0xF7A  }
0x23: {  	s9 =	sor.u32 $0xD0000000, s2;
	s6 =	simm.s32 $0x108;
	_ =	swait.ge @!p0 [sflag:s8], $0x0  }
0x24: {  	s3 =	sadd.s32 $0x88, s3;
	s6 =	simm.s32 @!p1 $0x1082;
	[sflag:s4] =	ssyncset.s32 $0xFFFFF086  }
0x25: {  	[simem:s6], [sflag:s4] =	dma.local [hbm:s3], $0xF7A  }
0x26: {  	[smem:$0x3F95] =	sst s1;
	(tag) =	ssettag s2;
	_ =	strace s9  }
0x27: {  	s1 =	sld [smem:$0x3FA5]  }
0x28: {  	s2 =	sld [smem:$0x3FA6]  }
0x29: {  	s4 =	sld [smem:$0x3FA8]  }
0x2a: {  	p0 =	seq.s32 s5, $0x0;
	s5 =	sld [smem:$0x3FA9]  }
0x2b: {  	s6 =	sld [smem:$0x3FAA]  }
0x2c: {  	s7 =	sld [smem:$0x3FAB]  }
0x2d: {  	s3 =	simm.s32 $0x108;
	s8 =	sld [smem:$0x3FAC]  }
0x2e: {  	s3 =	simm.s32 @!p0 $0x1082;
	s9 =	sld [smem:$0x3FAD]  }
0x2f: {  	lr =	sadd.s32 s0, s3;
	s0 =	sld [smem:$0x3FA4]  }
0x30: {  	s3 =	sld [smem:$0x3FA7]  }
0x31: {  	[smem:$0x3FB0] =	sst s10  }
0x32: {  	s10 =	sld [smem:$0x3FAE];
	_ =	sdelay $0x3  }
0x33: {  	p0 =	seq.s32 s10, $0x1;
	s10 =	sld [smem:$0x3FB0];
	_ =	sdelay $0x3  }
0x34: {  	[smem:$0x3FB0] =	sst s10  }
0x35: {  	s10 =	sld [smem:$0x3FAF];
	_ =	sdelay $0x3  }
0x36: {  	p1 =	seq.s32 s10, $0x1;
	s10 =	sld [smem:$0x3FB0];
	_ =	sdelay $0x3  }
0x37: {  	[smem:$0x3FB0] =	sst s10  }
0x38: {  	s10 =	sld [smem:$0x3FB1]  }
0x39: {  	_ = 	snop;
	(pc) =	sbr.ind lr, $3  }
0x3a: {  	_ = 	snop  }
0x3b: {  	_ = 	snop  }
0x3c: {  	p2 =	seq.s32 s10, $0x1;
	s10 =	sld [smem:$0x3FB0]  }
0x3d: {  	_ =	shalt  }
0x3e: {  	_ =	shalt  }
0x3f: {  	_ =	shalt  }
0x40: {  	_ =	shalt  }
0x41: {  	_ =	shalt  }
0x42: {  	_ =	shalt  }
0x43: {  	_ =	shalt  }
0x44: {  	_ =	shalt  }
0x45: {  	_ =	shalt  }
0x46: {  	_ =	shalt  }
0x47: {  	_ =	shalt  }
0x48: {  	_ =	shalt  }
0x49: {  	_ =	shalt  }
0x4a: {  	_ =	shalt  }
0x4b: {  	_ =	shalt  }
0x4c: {  	_ =	shalt  }
0x4d: {  	_ =	shalt  }
0x4e: {  	_ =	shalt  }
0x4f: {  	_ =	shalt  }
0x50: {  	_ =	shalt  }
0x51: {  	_ =	shalt  }
0x52: {  	_ =	shalt  }
0x53: {  	_ =	shalt  }
0x54: {  	_ =	shalt  }
0x55: {  	_ =	shalt  }
0x56: {  	_ =	shalt  }
0x57: {  	_ =	shalt  }
0x58: {  	_ =	shalt  }
0x59: {  	_ =	shalt  }
0x5a: {  	_ =	shalt  }
0x5b: {  	_ =	shalt  }
0x5c: {  	_ =	shalt  }
0x5d: {  	_ =	shalt  }
0x5e: {  	_ =	shalt  }
0x5f: {  	_ =	shalt  }
0x60: {  	_ =	shalt  }
0x61: {  	_ =	shalt  }
0x62: {  	_ =	shalt  }
0x63: {  	_ =	shalt  }
0x64: {  	_ =	shalt  }
0x65: {  	_ =	shalt  }
0x66: {  	_ =	shalt  }
0x67: {  	_ =	shalt  }
0x68: {  	_ =	shalt  }
0x69: {  	_ =	shalt  }
0x6a: {  	_ =	shalt  }
0x6b: {  	_ =	shalt  }
0x6c: {  	_ =	shalt  }
0x6d: {  	_ =	shalt  }
0x6e: {  	_ =	shalt  }
0x6f: {  	_ =	shalt  }
0x70: {  	_ =	shalt  }
0x71: {  	_ =	shalt  }
0x72: {  	_ =	shalt  }
0x73: {  	_ =	shalt  }
0x74: {  	_ =	shalt  }
0x75: {  	_ =	shalt  }
0x76: {  	_ =	shalt  }
0x77: {  	_ =	shalt  }
0x78: {  	_ =	shalt  }
0x79: {  	_ =	shalt  }
0x7a: {  	_ =	shalt  }
0x7b: {  	_ =	shalt  }
0x7c: {  	_ =	shalt  }
0x7d: {  	_ =	shalt  }
0x7e: {  	_ =	shalt  }
0x7f: {  	_ =	shalt  }
0x80: {  	_ =	shalt  }
0x81: {  	_ =	shalt  }
0x82: {  	_ =	shalt  }
0x83: {  	_ =	shalt  }
0x84: {  	_ =	shalt  }
0x85: {  	_ =	shalt  }
0x86: {  	_ =	shalt  }
0x87: {  	_ =	shalt  }
.Lfunc_end0:
.L_simem_size_0:
called_computation.1_lowered:
.L_overlay_start_0:
0x88: {  	s2 =	sld [smem:$0x3FD9]  }
0x89: {  	s3 =	sld [smem:$0x3FFE];
	_ =	sdelay $0x1  }
0x8a: {  	s1 =	srdreg.scid  }
0x8b: {  	s0 =	sand.u32 $0x1, s1  }
0x8c: {  	s14 =	sshll.u32 s0, $0xA;
	s2 =	sadd.s32 s3, s2  }
0x8d: {  	s2 =	sadd.s32 s2, s14  }
0x8e: {  	[smem:$0x3FBC] =	sst s2  }
0x8f: {  	_ = 	snop  }
0x90: {  	s2 =	sld [smem:$0x3FD0];
	_ =	sdelay $0x2  }
0x91: {  	s15 =	simm.s32 $0xB;
	s4 =	simm.s32 $0x10  }
0x92: {  	[smem:s4], [sflag:s15] =	dma.local [hbm:s2], $0x1  }
0x93: {  	_ =	swait.eq [sflag:s15], $0x1  }
0x94: {  	[sflag:s15] =	ssyncset.done $0x0  }
0x95: {  	[sflag:s15] =	ssyncadd.s32 $0xFFFFFFFF  }
0x96: {  	s16 =	sld [smem:$0x11];
	(tm) =	ssettm $0x1  }
0x97: {  	s17 =	sld [smem:$0x3FFB];
	_ =	sdelay $0x3  }
0x98: {  	_ =	strace s17  }
0x99: {  	s3 =	sld [smem:$0x3FFC];
	_ =	sdelay $0x3  }
0x9a: {  	_ =	strace s3  }
0x9b: {  	s3 =	sld [smem:$0x3FFD];
	_ =	sdelay $0x3  }
0x9c: {  	_ =	strace s3  }
0x9d: {  	_ =	strace $0x8FFFFFFF  }
0x9e: {  	s18 =	sld [smem:$0x3FDB];
	_ =	sdelay $0x1  }
0x9f: {  	s19 =	simm.s32 $_scs_section_size  }
0xa0: {  	s5 =	simm.s32 $_size__tile_overlayer_lowered;
	s6 =	simm.s32 $_tile_overlayer_lowered  }
0xa1: {  	s22 =	simm.s32 $0x1BFF;
	s21 =	sshll.u32 s6, $0x1;
	s3 =	sadd.s32 s19, s18  }
0xa2: {  	s7 =	simm.s32 $0x0;
	s20 =	sshll.u32 s5, $0x1;
	s5 =	sadd.s32 s21, s3  }
0xa3: {  	[timem:s7], [sflag:s22] =	dma.local [hbm:s5], s20  }
0xa4: {  	_ =	swait.ge [sflag:s22], s20  }
0xa5: {  	s4 =	ssub.s32 $0x0, s20;
	[sflag:s22] =	ssyncset.done $0x0  }
0xa6: {  	[sflag:s22] =	ssyncadd.s32 s4;
	_ =	sdelay $0x1  }
0xa7: {  	s23 =	simm.s32 $0x1B8B  }
0xa8: {  	_ =	swait.ge [sflag:s23], $0x1  }
0xa9: {  	[sflag:s23] =	ssyncset.done $0x0  }
0xaa: {  	s25 =	simm.s32 $0x1B8E;
	s24 =	sld [smem:$0x3FFE];
	[sflag:s23] =	ssyncadd.s32 $0xFFFFFFFF  }
0xab: {  	s26 =	simm.s32 $execute0_lowered;
	[smem:$0x3FD2] =	sst s25  }
0xac: {  	s5 =	sshll.u32 s26, $0x1;
	_ =	strace $0x80000049;
	[dreg:$0x1] =	wrdreg $0xFFFFFFFF  }
0xad: {  	s28 =	simm.s32 $_size_execute0_lowered;
	s3 =	sadd.s32 s3, s5;
	[dreg:$0x0] =	wrdreg $0x0  }
0xae: {  	s5 =	sshll.u32 s28, $0x1;
	[dreg:$0x2] =	wrdreg s3  }
0xaf: {  	[dreg:$0x3] =	wrdreg s5  }
0xb0: {  	[dreg:$0x4] =	wrdreg $0xC0  }
0xb1: {  	_ =	task [dreg:s7], $0x5FFFF  }
0xb2: {  	[dreg:$0x1] =	wrdreg $0xFFFFFFFF  }
0xb3: {  	[dreg:$0x0] =	wrdreg $0x60  }
0xb4: {  	[dreg:$0x2] =	wrdreg s24  }
0xb5: {  	[dreg:$0x3] =	wrdreg s16  }
0xb6: {  	[dreg:$0x4] =	wrdreg $0x65000  }
0xb7: {  	[dreg:$0x5] =	wrdreg $0xA  }
0xb8: {  	_ =	task.clear_ibuf [dreg:s7], $0x6FFFF;
	_ =	strace $0x90000049  }
0xb9: {  	s29 =	simm.s32 $0xA;
	_ =	strace $0x8000004B  }
0xba: {  	_ =	swait.ge [sflag:s29], $0x1  }
0xbb: {  	[sflag:s29] =	ssyncadd.s32 $0xFFFFFFFF  }
0xbc: {  	_ =	strace $0x9000004B  }
0xbd: {  	_ =	sfence  }
0xbe: {  	s30 =	sld [smem:$0x0];
	_ =	sdelay $0x2  }
0xbf: {  	s31 =	sshll.u32 s1, $0xD;
	s1 =	sshrl.u32 s1, $0x2  }
0xc0: {  	s3 =	sand.u32 $0x4000, s31;
	s1 =	sadd.s32 s1, s30  }
0xc1: {  	s0 =	sor.u32 s3, s0;
	s1 =	sshll.u32 s1, $0x11  }
0xc2: {  	s0 =	sor.u32 s1, s0  }
0xc3: {  	s0 =	sadd.s32 $0x8F2B, s0  }
0xc4: {  	[sflag:s0] =	ssyncadd.remote.s32 $0x1  }
0xc5: {  	_ =	sfence.sel $0xFFFF  }
0xc6: {  	[dreg:$0x0] =	wrdreg $0xFFFFFFFF;
	(pc) =	sbr.abs _section_cstart, $3  }
0xc7: {  	[dreg:$0x1] =	wrdreg $0xFFFFFFFF  }
0xc8: {  	_ =	task.clear_ibuf [dreg:s7], $0x2FFFF;
	_ =	strace $0x9FFFFFFF  }
0xc9: {  	(tm) =	ssettm $0x7FFFFFFF  }
tec
execute0_lowered:
.L_overlay_start_1:
0x0: {  	(tag) =	ssettag $0x1  }
0x1: {  	s4 =	rddreg [dreg:$0x0]  }
0x2: {  	s1 =	rddreg [dreg:$0x1]  }
0x3: {  	s0 =	srdreg.scid;
	s7 =	stileid.u32  }
0x4: {  	s2 =	rddreg [dreg:$0x2];
	s3 =	simm.s32 $0x0;
	s9 =	smul.u32 $0x1388, s7  }
0x5: {  	s11 =	simm.s32 $0xC8;
	s5 =	sand.u32 $0x1, s0;
	s10 =	smul.u32 $0x13880, s7  }
0x6: {  	s12 =	simm.s32 $0x0;
	s0 =	rddreg [dreg:$0x3];
	s6 =	smul.u32 $0x138800, s5  }
0x7: {  	[smem:$0x7FF] =	sst s3;
	p0 =	sne.s32 s7, $0x0;
	s8 =	smul.u32 $0x13880, s5  }
0x8: {  	_ =	strace $0x8000004A;
	s30 =	smul.u32 $0x27100, s5;
	s5 =	ssub.s32 $0x2, s5  }
0x9: {  	s31 =	sshrl.u32 s5, $0x1;
	s6 =	sadd.s32 s6, s4;
	s8 =	sadd.s32 s9, s8  }
0xa: {  	s5 =	ssub.s32 s5, s31;
	s9 =	simm.s32 $0x1;
	s8 =	sshrl.u32 s8, $0x3  }
0xb: {  	s6 =	sadd.s32 s10, s6;
	s5 =	smax.u32 s5, $0x1;
	s10 =	simm.s32 $0x100  }
0xc: {  	s8 =	sadd.s32 s8, s4;
	s4 =	sadd.s32 s30, s4;
	s6 =	sadd.s32 $0xF4AA00, s6  }
0xd: {  	s4 =	sadd.s32 $0x11BBA00, s4;
	s7 =	sadd.s32 $0x3600, s8;
	s8 =	sshrl.u32 @!p0 s2, $0x3  }
.LBB2_1:
0xe: {  	s13 =	simm.s32 @!p0 $0x1C01  }
0xf: {  	[spmem:s8], [sflag:s13] =	dma.local @!p0 [hbm:s1], $0x27100  }
0x10: {  	s13 =	simm.s32 @!p0 $0x1  }
0x11: {  	_ =	swait.ge @!p0 [sflag:s13], $0x27100  }
0x12: {  	[sflag:s13] =	ssyncset.done @!p0 $0x0  }
0x13: {  	[sflag:s13] =	ssyncadd.s32 @!p0 $0xFFFD8F00  }
0x14: {  	s31 =	sadd.s32 $0x0, s7;
	[bflag:$0x0] =	sbarrier.arrive $0xFFFF  }
0x15: {  	[tilespmem:s3], [sflag:$0x1] =	stream.linear.gather [hbm4b:s31+s3], $0xC8, $0x38;
	[tilespmem:$0x19D80] =	vst v63  }
0x16: {  	_ =	swait.ge [sflag:s9], $0xC8  }
0x17: {  	[sflag:s9] =	ssyncset.done $0x0  }
0x18: {  	[sflag:s9] =	ssyncadd.s32 $0xFFFFFF38  }
0x19: {  	[tilespmem:s10], [sflag:$0x1] =	stream.linear.gather [hbm4b:s6+s3], $0x6400, $0x38;
	[tilespmem:$0x19D80] =	vst v63  }
0x1a: {  	_ =	swait.ge [sflag:s9], $0x6400  }
0x1b: {  	[sflag:s9] =	ssyncset.done $0x0  }
0x1c: {  	[sflag:s9] =	ssyncadd.s32 $0xFFFF9C00  }
0x1d: {  	[spmem:s2] =	stream.indirect.scatter.add.f32 [tilespmem:s10], [sflag:$0x1], $0x80, s3, s11, $0xb8;
	[tilespmem:$0x19D80] =	vst v63  }
0x1e: {  	s14 =	simm.s32 $0x19;
	_ =	swait.ge [sflag:s9], $0x6400  }
0x1f: {  	s15 =	simm.s32 $0x32;
	s13 =	sadd.s32 $0xC80, s6;
	[sflag:s9] =	ssyncset.done $0x0  }
.LBB2_2:
0x20: {  	s16 =	sadd.s32 s14, s7  }
0x21: {  	[sflag:s9] =	ssyncadd.s32 $0xFFFF9C00;
	s14 =	smov.u32 s15;
	s17 =	sadd.s32 $0x19, s15  }
0x22: {  	[tilespmem:s3], [sflag:$0x1] =	stream.linear.gather [hbm4b:s16+s3], $0xC8, $0x38;
	[tilespmem:$0x19D80] =	vst v63  }
0x23: {  	p1 =	sne.s32 s15, $0x258;
	_ =	swait.ge [sflag:s9], $0xC8  }
0x24: {  	[sflag:s9] =	ssyncset.done $0x0  }
0x25: {  	[sflag:s9] =	ssyncadd.s32 $0xFFFFFF38  }
0x26: {  	[tilespmem:s10], [sflag:$0x1] =	stream.linear.gather [hbm4b:s13+s3], $0x6400, $0x38;
	[tilespmem:$0x19D80] =	vst v63  }
0x27: {  	_ =	swait.ge [sflag:s9], $0x6400  }
.Ltmp0:
0x28: {  	[sflag:s9] =	ssyncset.done $0x0;
	(pc) =	sbr.rel @p1 .LBB2_2-.Ltmp0, $4  }
0x29: {  	[sflag:s9] =	ssyncadd.s32 $0xFFFF9C00  }
0x2a: {  	[spmem:s2] =	stream.indirect.scatter.add.f32 [tilespmem:s10], [sflag:$0x1], $0x80, s3, s11, $0xb8;
	[tilespmem:$0x19D80] =	vst v63  }
0x2b: {  	_ =	swait.ge [sflag:s9], $0x6400  }
0x2c: {  	s15 =	smov.u32 s17;
	s13 =	sadd.s32 $0xC80, s13;
	[sflag:s9] =	ssyncset.done $0x0  }
0x2d: {  	s14 =	sadd.s32 s14, s7;
	[sflag:s9] =	ssyncadd.s32 $0xFFFF9C00  }
0x2e: {  	[tilespmem:s3], [sflag:$0x1] =	stream.linear.gather [hbm4b:s14+s3], $0xC8, $0x38;
	[tilespmem:$0x19D80] =	vst v63  }
0x2f: {  	_ =	swait.ge [sflag:s9], $0xC8  }
0x30: {  	[sflag:s9] =	ssyncset.done $0x0  }
0x31: {  	[sflag:s9] =	ssyncadd.s32 $0xFFFFFF38  }
0x32: {  	[tilespmem:s10], [sflag:$0x1] =	stream.linear.gather [hbm4b:s13+s3], $0x6400, $0x38;
	[tilespmem:$0x19D80] =	vst v63  }
0x33: {  	_ =	swait.ge [sflag:s9], $0x6400  }
0x34: {  	[sflag:s9] =	ssyncset.done $0x0  }
0x35: {  	[sflag:s9] =	ssyncadd.s32 $0xFFFF9C00  }
0x36: {  	[spmem:s2] =	stream.indirect.scatter.add.f32 [tilespmem:s10], [sflag:$0x1], $0x80, s3, s11, $0xb8;
	[tilespmem:$0x19D80] =	vst v63  }
0x37: {  	_ =	swait.ge [sflag:s9], $0x6400  }
0x38: {  	[sflag:s9] =	ssyncset.done $0x0  }
0x39: {  	s12 =	sadd.s32 $0x1, s12;
	[sflag:s9] =	ssyncadd.s32 $0xFFFF9C00  }
0x3a: {  	p1 =	sne.s32 s12, s5;
	s13 =	simm.s32 @!p0 $0x1C01;
	[bflag:$0x0] =	sbarrier.arrive $0xFFFF  }
0x3b: {  	[hbm:s4], [sflag:s13] =	dma.local @!p0 [spmem:s8], $0x27100  }
.Ltmp1:
0x3c: {  	_ = 	snop;
	(pc) =	sbr.rel @p1 .LBB2_1-.Ltmp1, $4  }
0x3d: {  	s13 =	simm.s32 @!p0 $0x1  }
0x3e: {  	_ =	swait.ge @!p0 [sflag:s13], $0x27100  }
0x3f: {  	[sflag:s13] =	ssyncset.done @!p0 $0x0  }
0x40: {  	[sflag:s13] =	ssyncadd.s32 @!p0 $0xFFFD8F00  }
0x41: {  	_ =	sfence.sel $0x180000  }
0x42: {  	[bflag:$0x0] =	sbarrier.arrive $0xFFFF  }
0x43: {  	_ =	strace $0x9000004A  }
0x44: {  	s0 =	sadd.s32 @!p0 $0x100000, s0;
	[bflag:$0x2] =	sbarrier.arrive $0xFFFF  }
0x45: {  	[sflag:s0] =	ssyncadd.tile.s32 @!p0 $0x1;
	_ =	shalt  }
.Lfunc_end2:
_tile_overlayer_lowered:
.L_overlay_start_2:
0x46: {  	(tag) =	ssettag $0x2  }
0x47: {  	s0 =	rddreg [dreg:$0x0];
	s2 =	stileid.u32  }
0x48: {  	s1 =	rddreg [dreg:$0x1];
	p0 =	sne.s32 s2, $0x0  }
0x49: {  	s3 =	rddreg [dreg:$0x2];
	[bflag:$0x3] =	sbarrier.arrive $0xFFFF;
	s2 =	simm.s32 @!p0 $0x1C01  }
0x4a: {  	[timem:s3], [sflag:s2] =	dma.local @!p0 [hbm:s0], s1  }
0x4b: {  	s0 =	simm.s32 @!p0 $0x1  }
0x4c: {  	_ =	swait.ge @!p0 [sflag:s0], s1  }
0x4d: {  	s1 =	ssub.s32 @!p0 $0x0, s1;
	[sflag:s0] =	ssyncset.done @!p0 $0x0  }
0x4e: {  	[sflag:s0] =	ssyncadd.s32 @!p0 s1  }
0x4f: {  	[bflag:$0x3] =	sbarrier.arrive $0xFFFF  }
0x50: {  	_ =	shalt  }

// kernel: kernel.17.cloned.1.call-start
scs
__scs_entry_jumppad:
0x0: {  	(pc) =	sbr.rel $0x88, $3  }
0x1: {  	(tag) =	ssettag $0x0;
	lr =	simm.s32 $0x1  }
0x2: {  	[smem:$0x3F95] =	sst lr;
	_ =	strace $0xD0000000  }
0x3: {  	_ = 	snop  }
0x4: {  	_ = 	snop  }
0x5: {  	_ = 	snop  }
0x6: {  	_ = 	snop  }
0x7: {  	_ = 	snop  }
__scs_overlays_trampoline_lowered:
0x8: {  	[smem:$0x3FA4] =	sst s0  }
0x9: {  	[smem:$0x3FA5] =	sst s1  }
0xa: {  	[smem:$0x3FA6] =	sst s2  }
0xb: {  	[smem:$0x3FA7] =	sst s3  }
0xc: {  	[smem:$0x3FA8] =	sst s4  }
0xd: {  	[smem:$0x3FA9] =	sst s5  }
0xe: {  	[smem:$0x3FAA] =	sst s6  }
0xf: {  	[smem:$0x3FAB] =	sst s7  }
0x10: {  	[smem:$0x3FAC] =	sst s8  }
0x11: {  	[smem:$0x3FAD] =	sst s9;
	s0 =	simm.s32 @!p0 $0x0  }
0x12: {  	s1 =	sld [smem:$0x3F93];
	s0 =	simm.s32 @p0 $0x1  }
0x13: {  	[smem:$0x3FAE] =	sst s0;
	s0 =	simm.s32 @!p1 $0x0  }
0x14: {  	s2 =	sld [smem:$0x3F92];
	s0 =	simm.s32 @p1 $0x1  }
0x15: {  	[smem:$0x3FAF] =	sst s0;
	s0 =	simm.s32 @!p2 $0x0  }
0x16: {  	s3 =	sld [smem:$0x3FDB];
	s0 =	simm.s32 @p2 $0x1  }
0x17: {  	s4 =	simm.s32 $0x1BF5;
	[smem:$0x3FB1] =	sst s0  }
0x18: {  	s0 =	sld [smem:$0x3F94];
	_ =	swait.ge [sflag:s4], $0x0  }
0x19: {  	s7 =	sld [smem:$0x3F95]  }
0x1a: {  	s8 =	sadd.s32 $0xFFFFE003, lr  }
0x1b: {  	s9 =	sadd.s32 $0xFFFFFEF7, lr;
	s5 =	simm.s32 $0xFFFFFFFF;
	p2 =	slt.u32 s8, $0xFFFFF086  }
0x1c: {  	p1 =	slt.u32 s9, $0xF7A;
	s5 =	simm.s32 @!p2 $0x0  }
0x1d: {  	s5 =	simm.s32 @p1 $0x1;
	p0 =	seq.s32 s7, s2  }
0x1e: {  	s7 =	smul.u32 @!p0 $0xF7A, s2;
	p2 =	seq.s32 @!p0 s5, $0x0  }
0x1f: {  	s9 =	smul.u32 $0xF7A, s1;
	s8 =	simm.s32 @!p0 $0x1BF5;
	p2 =	por !p2, p0  }
0x20: {  	[sflag:s8] =	ssyncset.s32 @!p0 $0xFFFFF086;
	s6 =	sadd.s32 @!p0 s3, s7;
	s7 =	simm.s32 @!p0 $0x108  }
0x21: {  	s3 =	sadd.s32 s3, s9;
	s6 =	sadd.s32 @!p0 $0x88, s6;
	s7 =	simm.s32 @p2 $0x1082  }
0x22: {  	[simem:s7], [sflag:s8] =	dma.local @!p0 [hbm:s6], $0xF7A  }
0x23: {  	s9 =	sor.u32 $0xD0000000, s2;
	s6 =	simm.s32 $0x108;
	_ =	swait.ge @!p0 [sflag:s8], $0x0  }
0x24: {  	s3 =	sadd.s32 $0x88, s3;
	s6 =	simm.s32 @!p1 $0x1082;
	[sflag:s4] =	ssyncset.s32 $0xFFFFF086  }
0x25: {  	[simem:s6], [sflag:s4] =	dma.local [hbm:s3], $0xF7A  }
0x26: {  	[smem:$0x3F95] =	sst s1;
	(tag) =	ssettag s2;
	_ =	strace s9  }
0x27: {  	s1 =	sld [smem:$0x3FA5]  }
0x28: {  	s2 =	sld [smem:$0x3FA6]  }
0x29: {  	s4 =	sld [smem:$0x3FA8]  }
0x2a: {  	p0 =	seq.s32 s5, $0x0;
	s5 =	sld [smem:$0x3FA9]  }
0x2b: {  	s6 =	sld [smem:$0x3FAA]  }
0x2c: {  	s7 =	sld [smem:$0x3FAB]  }
0x2d: {  	s3 =	simm.s32 $0x108;
	s8 =	sld [smem:$0x3FAC]  }
0x2e: {  	s3 =	simm.s32 @!p0 $0x1082;
	s9 =	sld [smem:$0x3FAD]  }
0x2f: {  	lr =	sadd.s32 s0, s3;
	s0 =	sld [smem:$0x3FA4]  }
0x30: {  	s3 =	sld [smem:$0x3FA7]  }
0x31: {  	[smem:$0x3FB0] =	sst s10  }
0x32: {  	s10 =	sld [smem:$0x3FAE];
	_ =	sdelay $0x3  }
0x33: {  	p0 =	seq.s32 s10, $0x1;
	s10 =	sld [smem:$0x3FB0];
	_ =	sdelay $0x3  }
0x34: {  	[smem:$0x3FB0] =	sst s10  }
0x35: {  	s10 =	sld [smem:$0x3FAF];
	_ =	sdelay $0x3  }
0x36: {  	p1 =	seq.s32 s10, $0x1;
	s10 =	sld [smem:$0x3FB0];
	_ =	sdelay $0x3  }
0x37: {  	[smem:$0x3FB0] =	sst s10  }
0x38: {  	s10 =	sld [smem:$0x3FB1]  }
0x39: {  	_ = 	snop;
	(pc) =	sbr.ind lr, $3  }
0x3a: {  	_ = 	snop  }
0x3b: {  	_ = 	snop  }
0x3c: {  	p2 =	seq.s32 s10, $0x1;
	s10 =	sld [smem:$0x3FB0]  }
0x3d: {  	_ =	shalt  }
0x3e: {  	_ =	shalt  }
0x3f: {  	_ =	shalt  }
0x40: {  	_ =	shalt  }
0x41: {  	_ =	shalt  }
0x42: {  	_ =	shalt  }
0x43: {  	_ =	shalt  }
0x44: {  	_ =	shalt  }
0x45: {  	_ =	shalt  }
0x46: {  	_ =	shalt  }
0x47: {  	_ =	shalt  }
0x48: {  	_ =	shalt  }
0x49: {  	_ =	shalt  }
0x4a: {  	_ =	shalt  }
0x4b: {  	_ =	shalt  }
0x4c: {  	_ =	shalt  }
0x4d: {  	_ =	shalt  }
0x4e: {  	_ =	shalt  }
0x4f: {  	_ =	shalt  }
0x50: {  	_ =	shalt  }
0x51: {  	_ =	shalt  }
0x52: {  	_ =	shalt  }
0x53: {  	_ =	shalt  }
0x54: {  	_ =	shalt  }
0x55: {  	_ =	shalt  }
0x56: {  	_ =	shalt  }
0x57: {  	_ =	shalt  }
0x58: {  	_ =	shalt  }
0x59: {  	_ =	shalt  }
0x5a: {  	_ =	shalt  }
0x5b: {  	_ =	shalt  }
0x5c: {  	_ =	shalt  }
0x5d: {  	_ =	shalt  }
0x5e: {  	_ =	shalt  }
0x5f: {  	_ =	shalt  }
0x60: {  	_ =	shalt  }
0x61: {  	_ =	shalt  }
0x62: {  	_ =	shalt  }
0x63: {  	_ =	shalt  }
0x64: {  	_ =	shalt  }
0x65: {  	_ =	shalt  }
0x66: {  	_ =	shalt  }
0x67: {  	_ =	shalt  }
0x68: {  	_ =	shalt  }
0x69: {  	_ =	shalt  }
0x6a: {  	_ =	shalt  }
0x6b: {  	_ =	shalt  }
0x6c: {  	_ =	shalt  }
0x6d: {  	_ =	shalt  }
0x6e: {  	_ =	shalt  }
0x6f: {  	_ =	shalt  }
0x70: {  	_ =	shalt  }
0x71: {  	_ =	shalt  }
0x72: {  	_ =	shalt  }
0x73: {  	_ =	shalt  }
0x74: {  	_ =	shalt  }
0x75: {  	_ =	shalt  }
0x76: {  	_ =	shalt  }
0x77: {  	_ =	shalt  }
0x78: {  	_ =	shalt  }
0x79: {  	_ =	shalt  }
0x7a: {  	_ =	shalt  }
0x7b: {  	_ =	shalt  }
0x7c: {  	_ =	shalt  }
0x7d: {  	_ =	shalt  }
0x7e: {  	_ =	shalt  }
0x7f: {  	_ =	shalt  }
0x80: {  	_ =	shalt  }
0x81: {  	_ =	shalt  }
0x82: {  	_ =	shalt  }
0x83: {  	_ =	shalt  }
0x84: {  	_ =	shalt  }
0x85: {  	_ =	shalt  }
0x86: {  	_ =	shalt  }
0x87: {  	_ =	shalt  }
.Lfunc_end0:
.L_simem_size_0:
called_computation.2_lowered:
.L_overlay_start_0:
0x88: {  	s2 =	sld [smem:$0x3FD9]  }
0x89: {  	s3 =	sld [smem:$0x3FFE];
	_ =	sdelay $0x1  }
0x8a: {  	s1 =	srdreg.scid  }
0x8b: {  	s0 =	sand.u32 $0x1, s1  }
0x8c: {  	s17 =	sshll.u32 s0, $0xA;
	s2 =	sadd.s32 s3, s2  }
0x8d: {  	s2 =	sadd.s32 s2, s17  }
0x8e: {  	[smem:$0x3FBC] =	sst s2  }
0x8f: {  	_ = 	snop  }
0x90: {  	(tm) =	ssettm $0x1  }
0x91: {  	s18 =	sld [smem:$0x3FFB];
	_ =	sdelay $0x3  }
0x92: {  	_ =	strace s18  }
0x93: {  	s2 =	sld [smem:$0x3FFC];
	_ =	sdelay $0x3  }
0x94: {  	_ =	strace s2  }
0x95: {  	s2 =	sld [smem:$0x3FFD];
	_ =	sdelay $0x3  }
0x96: {  	_ =	strace s2  }
0x97: {  	_ =	strace $0x8FFFFFFF  }
0x98: {  	s19 =	sld [smem:$0x3FDB];
	_ =	sdelay $0x1  }
0x99: {  	s20 =	simm.s32 $_scs_section_size  }
0x9a: {  	s4 =	simm.s32 $_size__tile_overlayer_lowered;
	s5 =	simm.s32 $_tile_overlayer_lowered  }
0x9b: {  	s6 =	simm.s32 $0x1BFF;
	s21 =	sshll.u32 s5, $0x1;
	s3 =	sadd.s32 s20, s19  }
0x9c: {  	s22 =	simm.s32 $0x0;
	s4 =	sshll.u32 s4, $0x1;
	s5 =	sadd.s32 s21, s3  }
0x9d: {  	[timem:s22], [sflag:s6] =	dma.local [hbm:s5], s4  }
0x9e: {  	_ =	swait.ge [sflag:s6], s4  }
0x9f: {  	s4 =	ssub.s32 $0x0, s4;
	[sflag:s6] =	ssyncset.done $0x0  }
0xa0: {  	[sflag:s6] =	ssyncadd.s32 s4;
	_ =	sdelay $0x1  }
0xa1: {  	s23 =	simm.s32 $0x1B8B  }
0xa2: {  	_ =	swait.ge [sflag:s23], $0x1  }
0xa3: {  	[sflag:s23] =	ssyncset.done $0x0  }
0xa4: {  	[sflag:s23] =	ssyncadd.s32 $0xFFFFFFFF  }
0xa5: {  	s4 =	sld [smem:$0x0]  }
0xa6: {  	s5 =	sand.u32 $0xFFFFFFFE, s1  }
0xa7: {  	p0 =	sne.s32 s1, s5  }
0xa8: {  	s5 =	sshll.u32 @p0 s5, $0xE  }
0xa9: {  	s5 =	sadd.s32 @p0 $0x11B8D, s5;
	s6 =	sshll.u32 @p0 s4, $0x11  }
0xaa: {  	s5 =	sor.u32 @p0 s6, s5  }
0xab: {  	[sflag:s5] =	ssyncadd.remote.s32 @p0 $0x1;
	_ =	sdelay $0x1  }
0xac: {  	s5 =	simm.s32 @p0 $0x1B8D  }
0xad: {  	_ =	swait.eq @p0 [sflag:s5], $0x1  }
0xae: {  	[sflag:s5] =	ssyncadd.s32 @p0 $0xFFFFFFFF  }
0xaf: {  	s6 =	sshll.u32 @!p0 s1, $0xE  }
0xb0: {  	s6 =	sor.u32 @!p0 $0x4000, s6;
	s5 =	simm.s32 @!p0 $0x1B8D  }
0xb1: {  	s4 =	sshll.u32 @!p0 s4, $0x11;
	s6 =	sadd.s32 @!p0 $0x11B8D, s6;
	_ =	swait.eq @!p0 [sflag:s5], $0x1  }
0xb2: {  	s4 =	sor.u32 @!p0 s4, s6;
	[sflag:s5] =	ssyncadd.s32 @!p0 $0xFFFFFFFF  }
0xb3: {  	s25 =	simm.s32 $0x1B8E;
	s24 =	sld [smem:$0x3FFE];
	[sflag:s4] =	ssyncadd.remote.s32 @!p0 $0x1  }
0xb4: {  	s26 =	simm.s32 $execute0_lowered;
	[smem:$0x3FD2] =	sst s25  }
0xb5: {  	s5 =	sshll.u32 s26, $0x1;
	_ =	strace $0x8000004F;
	[dreg:$0x1] =	wrdreg $0xFFFFFFFF  }
0xb6: {  	s28 =	simm.s32 $_size_execute0_lowered;
	s3 =	sadd.s32 s3, s5;
	[dreg:$0x0] =	wrdreg $0x0  }
0xb7: {  	s5 =	sshll.u32 s28, $0x1;
	[dreg:$0x2] =	wrdreg s3  }
0xb8: {  	[dreg:$0x3] =	wrdreg s5  }
0xb9: {  	[dreg:$0x4] =	wrdreg $0xC0  }
0xba: {  	_ =	task [dreg:s22], $0x5FFFF  }
0xbb: {  	[dreg:$0x1] =	wrdreg $0xFFFFFFFF  }
0xbc: {  	[dreg:$0x0] =	wrdreg $0x60  }
0xbd: {  	[dreg:$0x2] =	wrdreg s24  }
0xbe: {  	[dreg:$0x3] =	wrdreg $0xA  }
0xbf: {  	_ =	task.clear_ibuf [dreg:s22], $0x4FFFF;
	_ =	strace $0x9000004F  }
0xc0: {  	s29 =	simm.s32 $0xA;
	_ =	strace $0x80000051  }
0xc1: {  	_ =	swait.ge [sflag:s29], $0x1  }
0xc2: {  	[sflag:s29] =	ssyncadd.s32 $0xFFFFFFFF  }
0xc3: {  	_ =	strace $0x90000051  }
0xc4: {  	_ =	sfence  }
0xc5: {  	s30 =	sld [smem:$0x0];
	_ =	sdelay $0x2  }
0xc6: {  	s31 =	sshll.u32 s1, $0xD;
	s1 =	sshrl.u32 s1, $0x2  }
0xc7: {  	s4 =	sand.u32 $0x4000, s31;
	s1 =	sadd.s32 s1, s30  }
0xc8: {  	s0 =	sor.u32 s4, s0;
	s1 =	sshll.u32 s1, $0x11  }
0xc9: {  	s0 =	sor.u32 s1, s0  }
0xca: {  	s0 =	sadd.s32 $0x8F2B, s0  }
0xcb: {  	[sflag:s0] =	ssyncadd.remote.s32 $0x1  }
0xcc: {  	_ =	sfence.sel $0xFFFF  }
0xcd: {  	[dreg:$0x0] =	wrdreg $0xFFFFFFFF;
	(pc) =	sbr.abs _section_cstart, $3  }
0xce: {  	[dreg:$0x1] =	wrdreg $0xFFFFFFFF  }
0xcf: {  	_ =	task.clear_ibuf [dreg:s22], $0x2FFFF;
	_ =	strace $0x9FFFFFFF  }
0xd0: {  	(tm) =	ssettm $0x7FFFFFFF  }
0xd1: {  	_ =	shalt  }
tec
execute0_lowered:
.L_overlay_start_1:
0x0: {  	(tag) =	ssettag $0x1  }
0x1: {  	s6 =	rddreg [dreg:$0x0]  }
0x2: {  	s0 =	rddreg [dreg:$0x1]  }
0x3: {  	s1 =	simm.s32 $0x0;
	s2 =	srdreg.scid;
	s11 =	simm.s32 $0xC8  }
0x4: {  	s12 =	simm.s32 $0x6500;
	s13 =	simm.s32 $0x1;
	s14 =	simm.s32 $0xC900  }
0x5: {  	s15 =	simm.s32 $0x0;
	[smem:$0x7FF] =	sst s1;
	s3 =	sadd.s32 $0x1209C00, s6  }
0x6: {  	s7 =	sand.u32 $0x1, s2;
	s4 =	sadd.s32 $0x190EA00, s6;
	s2 =	stileid.u32  }
0x7: {  	s5 =	sadd.s32 $0x3600, s6;
	s6 =	sadd.s32 $0x8600, s6;
	s8 =	ssub.s32 $0x2, s7  }
0x8: {  	_ =	strace $0x80000050;
	s10 =	sshll.u32 s2, $0x1;
	s9 =	sshrl.u32 s8, $0x1  }
0x9: {  	s7 =	sor.u32 s7, s10;
	s10 =	simm.s32 $0x100;
	s8 =	ssub.s32 s8, s9  }
0xa: {  	s7 =	smul.u32 $0x1388, s7;
	s9 =	simm.s32 $0x2;
	s8 =	smax.u32 s8, $0x1  }
.LBB2_1:
0xb: {  	s16 =	simm.s32 $0x0  }
.LBB2_2:
0xc: {  	s17 =	smul.u32 $0xC8, s16;
	_ =	sdelay $0x1  }
0xd: {  	s17 =	sadd.s32 s7, s17  }
0xe: {  	s18 =	sshrl.u32 s17, $0x3  }
0xf: {  	s19 =	simm.s32 $0x0;
	s18 =	sadd.s32 s5, s18  }
0x10: {  	[tilespmem:s19], [sflag:$0x2] =	stream.linear.gather [hbm4b:s18+s19], $0xC8, $0x38;
	[tilespmem:$0x12D00] =	vst v63  }
0x11: {  	_ =	swait.ge [sflag:s9], $0xC8  }
0x12: {  	s17 =	sshll.u32 s17, $0x4;
	[sflag:s9] =	ssyncset.done $0x0  }
0x13: {  	s31 =	sadd.s32 s4, s17;
	[sflag:s9] =	ssyncadd.s32 $0xFFFFFF38  }
0x14: {  	[tilespmem:s10], [sflag:$0x2] =	stream.linear.gather [hbm4b:s31+s19], $0x6400, $0x38;
	[tilespmem:$0x12D00] =	vst v63  }
0x15: {  	_ =	swait.ge [sflag:s9], $0x6400  }
0x16: {  	[sflag:s9] =	ssyncset.done $0x0  }
0x17: {  	[sflag:s9] =	ssyncadd.s32 $0xFFFF9C00  }
0x18: {  	[tilespmem:s12], [sflag:$0x1] =	stream.indirect.gather [hbm4b:s3+s11], $0x80, s19, s11, $0xb8;
	[tilespmem:$0x12D00] =	vst v63  }
0x19: {  	_ =	swait.ge [sflag:s13], $0x6400  }
0x1a: {  	[sflag:s13] =	ssyncset.done $0x0  }
0x1b: {  	s20 =	simm.s32 $0x0;
	[sflag:s13] =	ssyncadd.s32 $0xFFFF9C00  }
0x1c: {  	v0 =	vld [tilespmem:s20+$0x6500];
	_ =	sdelay $0x4  }
0x1d: {  	(erf) = vrcp.f32 v0;
	_ =	sdelay $0x2  }
0x1e: {  	s18 =	simm.s32 $0x80  }
0x1f: {  	v1 =	vld [tilespmem:s18+$0x6500];
	_ =	sdelay $0x3  }
0x20: {  	v2 =	vld [tilespmem:s20+$0x100]  }
0x21: {  	s19 =	simm.s32 $0x100;
	v3 =	vpop (erf);
	(erf) = vrcp.f32 v1  }
0x22: {  	v0 =	vld [tilespmem:s19+$0x6500];
	_ =	sdelay $0x2  }
0x23: {  	v2 =	vmul.f32 v3, v2  }
0x24: {  	s21 =	simm.s32 $0x600;
	v1 =	vld [tilespmem:s18+$0x100]  }
.LBB2_3:
0x25: {  	s22 =	sshra.s32 s21, $0x2;
	p0 =	sne.s32 s21, $0x18E00;
	s21 =	sadd.s32 $0x200, s21;
	(erf) = vrcp.f32 v0;
	[tilespmem:s20+$0xC900] =	vst v2  }
.Ltmp0:
0x26: {  	s20 =	smov.u32 s18;
	s18 =	smov.u32 s19;
	v0 =	vld [tilespmem:s22+$0x6500];
	(pc) =	sbr.rel @p0 .LBB2_3-.Ltmp0, $4  }
0x27: {  	s19 =	smov.u32 s22  }
0x28: {  	v2 =	vpop (erf)  }
0x29: {  	v2 =	vmul.f32 v2, v1  }
0x2a: {  	v1 =	vld [tilespmem:s18+$0x100]  }
0x2b: {  	(erf) = vrcp.f32 v0;
	_ =	sdelay $0x3  }
0x2c: {  	[tilespmem:s20+$0xC900] =	vst v2  }
0x2d: {  	v61 =	vld [tilespmem:s19+$0x100];
	_ =	sdelay $0x2  }
0x2e: {  	v62 =	vpop (erf)  }
0x2f: {  	v1 =	vmul.f32 v62, v1;
	v63 =	vpop (erf)  }
0x30: {  	s16 =	sadd.s32 $0x1, s16;
	v0 =	vmul.f32 v63, v61  }
0x31: {  	p0 =	sne.s32 s16, $0x19;
	[tilespmem:s18+$0xC900] =	vst v1  }
.Ltmp1:
0x32: {  	s17 =	sadd.s32 s6, s17;
	[tilespmem:s19+$0xC900] =	vst v0;
	(pc) =	sbr.rel @p0 .LBB2_2-.Ltmp1, $4  }
0x33: {  	[hbm4b:s17+s1] =	stream.linear.scatter [tilespmem:s14], [sflag:$0x2], $0x6400, $0x38;
	[tilespmem:$0x12D00] =	vst v63  }
0x34: {  	_ =	swait.ge [sflag:s9], $0x6400  }
0x35: {  	[sflag:s9] =	ssyncset.done $0x0  }
0x36: {  	[sflag:s9] =	ssyncadd.s32 $0xFFFF9C00  }
0x37: {  	s15 =	sadd.s32 $0x1, s15  }
0x38: {  	p0 =	sne.s32 s15, s8  }
.Ltmp2:
0x39: {  	_ = 	snop;
	(pc) =	sbr.rel @p0 .LBB2_1-.Ltmp2, $1  }
0x3a: {  	_ =	sdelay $0x3  }
0x3b: {  	_ =	sfence.sel $0x180000  }
0x3c: {  	[bflag:$0x0] =	sbarrier.arrive $0xFFFF  }
0x3d: {  	p0 =	sne.s32 s2, $0x0;
	_ =	strace $0x90000050  }
0x3e: {  	s0 =	sadd.s32 @!p0 $0x100000, s0;
	[bflag:$0x2] =	sbarrier.arrive $0xFFFF  }
0x3f: {  	[sflag:s0] =	ssyncadd.tile.s32 @!p0 $0x1;
	_ =	shalt  }
.Lfunc_end2:
_tile_overlayer_lowered:
.L_overlay_start_2:
0x40: {  	(tag) =	ssettag $0x2  }
0x41: {  	s0 =	rddreg [dreg:$0x0];
	s2 =	stileid.u32  }
0x42: {  	s1 =	rddreg [dreg:$0x1];
	p0 =	sne.s32 s2, $0x0  }
0x43: {  	s3 =	rddreg [dreg:$0x2];
	[bflag:$0x3] =	sbarrier.arrive $0xFFFF;
	s2 =	simm.s32 @!p0 $0x1C02  }
0x44: {  	[timem:s3], [sflag:s2] =	dma.local @!p0 [hbm:s0], s1  }
0x45: {  	s0 =	simm.s32 @!p0 $0x2  }
0x46: {  	_ =	swait.ge @!p0 [sflag:s0], s1  }
0x47: {  	s1 =	ssub.s32 @!p0 $0x0, s1;
	[sflag:s0] =	ssyncset.done @!p0 $0x0  }
0x48: {  	[sflag:s0] =	ssyncadd.s32 @!p0 s1  }
0x49: {  	[bflag:$0x3] =	sbarrier.arrive $0xFFFF  }
0x4a: {  	_ =	shalt  }

// kernel: kernel.20.cloned.1.call-start
scs
__scs_entry_jumppad:
0x0: {  	(pc) =	sbr.rel $0x88, $3  }
0x1: {  	(tag) =	ssettag $0x0;
	lr =	simm.s32 $0x1  }
0x2: {  	[smem:$0x3F95] =	sst lr;
	_ =	strace $0xD0000000  }
0x3: {  	_ = 	snop  }
0x4: {  	_ = 	snop  }
0x5: {  	_ = 	snop  }
0x6: {  	_ = 	snop  }
0x7: {  	_ = 	snop  }
__scs_overlays_trampoline_lowered:
0x8: {  	[smem:$0x3FA4] =	sst s0  }
0x9: {  	[smem:$0x3FA5] =	sst s1  }
0xa: {  	[smem:$0x3FA6] =	sst s2  }
0xb: {  	[smem:$0x3FA7] =	sst s3  }
0xc: {  	[smem:$0x3FA8] =	sst s4  }
0xd: {  	[smem:$0x3FA9] =	sst s5  }
0xe: {  	[smem:$0x3FAA] =	sst s6  }
0xf: {  	[smem:$0x3FAB] =	sst s7  }
0x10: {  	[smem:$0x3FAC] =	sst s8  }
0x11: {  	[smem:$0x3FAD] =	sst s9;
	s0 =	simm.s32 @!p0 $0x0  }
0x12: {  	s1 =	sld [smem:$0x3F93];
	s0 =	simm.s32 @p0 $0x1  }
0x13: {  	[smem:$0x3FAE] =	sst s0;
	s0 =	simm.s32 @!p1 $0x0  }
0x14: {  	s2 =	sld [smem:$0x3F92];
	s0 =	simm.s32 @p1 $0x1  }
0x15: {  	[smem:$0x3FAF] =	sst s0;
	s0 =	simm.s32 @!p2 $0x0  }
0x16: {  	s3 =	sld [smem:$0x3FDB];
	s0 =	simm.s32 @p2 $0x1  }
0x17: {  	s4 =	simm.s32 $0x1BF5;
	[smem:$0x3FB1] =	sst s0  }
0x18: {  	s0 =	sld [smem:$0x3F94];
	_ =	swait.ge [sflag:s4], $0x0  }
0x19: {  	s7 =	sld [smem:$0x3F95]  }
0x1a: {  	s8 =	sadd.s32 $0xFFFFE003, lr  }
0x1b: {  	s9 =	sadd.s32 $0xFFFFFEF7, lr;
	s5 =	simm.s32 $0xFFFFFFFF;
	p2 =	slt.u32 s8, $0xFFFFF086  }
0x1c: {  	p1 =	slt.u32 s9, $0xF7A;
	s5 =	simm.s32 @!p2 $0x0  }
0x1d: {  	s5 =	simm.s32 @p1 $0x1;
	p0 =	seq.s32 s7, s2  }
0x1e: {  	s7 =	smul.u32 @!p0 $0xF7A, s2;
	p2 =	seq.s32 @!p0 s5, $0x0  }
0x1f: {  	s9 =	smul.u32 $0xF7A, s1;
	s8 =	simm.s32 @!p0 $0x1BF5;
	p2 =	por !p2, p0  }
0x20: {  	[sflag:s8] =	ssyncset.s32 @!p0 $0xFFFFF086;
	s6 =	sadd.s32 @!p0 s3, s7;
	s7 =	simm.s32 @!p0 $0x108  }
0x21: {  	s3 =	sadd.s32 s3, s9;
	s6 =	sadd.s32 @!p0 $0x88, s6;
	s7 =	simm.s32 @p2 $0x1082  }
0x22: {  	[simem:s7], [sflag:s8] =	dma.local @!p0 [hbm:s6], $0xF7A  }
0x23: {  	s9 =	sor.u32 $0xD0000000, s2;
	s6 =	simm.s32 $0x108;
	_ =	swait.ge @!p0 [sflag:s8], $0x0  }
0x24: {  	s3 =	sadd.s32 $0x88, s3;
	s6 =	simm.s32 @!p1 $0x1082;
	[sflag:s4] =	ssyncset.s32 $0xFFFFF086  }
0x25: {  	[simem:s6], [sflag:s4] =	dma.local [hbm:s3], $0xF7A  }
0x26: {  	[smem:$0x3F95] =	sst s1;
	(tag) =	ssettag s2;
	_ =	strace s9  }
0x27: {  	s1 =	sld [smem:$0x3FA5]  }
0x28: {  	s2 =	sld [smem:$0x3FA6]  }
0x29: {  	s4 =	sld [smem:$0x3FA8]  }
0x2a: {  	p0 =	seq.s32 s5, $0x0;
	s5 =	sld [smem:$0x3FA9]  }
0x2b: {  	s6 =	sld [smem:$0x3FAA]  }
0x2c: {  	s7 =	sld [smem:$0x3FAB]  }
0x2d: {  	s3 =	simm.s32 $0x108;
	s8 =	sld [smem:$0x3FAC]  }
0x2e: {  	s3 =	simm.s32 @!p0 $0x1082;
	s9 =	sld [smem:$0x3FAD]  }
0x2f: {  	lr =	sadd.s32 s0, s3;
	s0 =	sld [smem:$0x3FA4]  }
0x30: {  	s3 =	sld [smem:$0x3FA7]  }
0x31: {  	[smem:$0x3FB0] =	sst s10  }
0x32: {  	s10 =	sld [smem:$0x3FAE];
	_ =	sdelay $0x3  }
0x33: {  	p0 =	seq.s32 s10, $0x1;
	s10 =	sld [smem:$0x3FB0];
	_ =	sdelay $0x3  }
0x34: {  	[smem:$0x3FB0] =	sst s10  }
0x35: {  	s10 =	sld [smem:$0x3FAF];
	_ =	sdelay $0x3  }
0x36: {  	p1 =	seq.s32 s10, $0x1;
	s10 =	sld [smem:$0x3FB0];
	_ =	sdelay $0x3  }
0x37: {  	[smem:$0x3FB0] =	sst s10  }
0x38: {  	s10 =	sld [smem:$0x3FB1]  }
0x39: {  	_ = 	snop;
	(pc) =	sbr.ind lr, $3  }
0x3a: {  	_ = 	snop  }
0x3b: {  	_ = 	snop  }
0x3c: {  	p2 =	seq.s32 s10, $0x1;
	s10 =	sld [smem:$0x3FB0]  }
0x3d: {  	_ =	shalt  }
0x3e: {  	_ =	shalt  }
0x3f: {  	_ =	shalt  }
0x40: {  	_ =	shalt  }
0x41: {  	_ =	shalt  }
0x42: {  	_ =	shalt  }
0x43: {  	_ =	shalt  }
0x44: {  	_ =	shalt  }
0x45: {  	_ =	shalt  }
0x46: {  	_ =	shalt  }
0x47: {  	_ =	shalt  }
0x48: {  	_ =	shalt  }
0x49: {  	_ =	shalt  }
0x4a: {  	_ =	shalt  }
0x4b: {  	_ =	shalt  }
0x4c: {  	_ =	shalt  }
0x4d: {  	_ =	shalt  }
0x4e: {  	_ =	shalt  }
0x4f: {  	_ =	shalt  }
0x50: {  	_ =	shalt  }
0x51: {  	_ =	shalt  }
0x52: {  	_ =	shalt  }
0x53: {  	_ =	shalt  }
0x54: {  	_ =	shalt  }
0x55: {  	_ =	shalt  }
0x56: {  	_ =	shalt  }
0x57: {  	_ =	shalt  }
0x58: {  	_ =	shalt  }
0x59: {  	_ =	shalt  }
0x5a: {  	_ =	shalt  }
0x5b: {  	_ =	shalt  }
0x5c: {  	_ =	shalt  }
0x5d: {  	_ =	shalt  }
0x5e: {  	_ =	shalt  }
0x5f: {  	_ =	shalt  }
0x60: {  	_ =	shalt  }
0x61: {  	_ =	shalt  }
0x62: {  	_ =	shalt  }
0x63: {  	_ =	shalt  }
0x64: {  	_ =	shalt  }
0x65: {  	_ =	shalt  }
0x66: {  	_ =	shalt  }
0x67: {  	_ =	shalt  }
0x68: {  	_ =	shalt  }
0x69: {  	_ =	shalt  }
0x6a: {  	_ =	shalt  }
0x6b: {  	_ =	shalt  }
0x6c: {  	_ =	shalt  }
0x6d: {  	_ =	shalt  }
0x6e: {  	_ =	shalt  }
0x6f: {  	_ =	shalt  }
0x70: {  	_ =	shalt  }
0x71: {  	_ =	shalt  }
0x72: {  	_ =	shalt  }
0x73: {  	_ =	shalt  }
0x74: {  	_ =	shalt  }
0x75: {  	_ =	shalt  }
0x76: {  	_ =	shalt  }
0x77: {  	_ =	shalt  }
0x78: {  	_ =	shalt  }
0x79: {  	_ =	shalt  }
0x7a: {  	_ =	shalt  }
0x7b: {  	_ =	shalt  }
0x7c: {  	_ =	shalt  }
0x7d: {  	_ =	shalt  }
0x7e: {  	_ =	shalt  }
0x7f: {  	_ =	shalt  }
0x80: {  	_ =	shalt  }
0x81: {  	_ =	shalt  }
0x82: {  	_ =	shalt  }
0x83: {  	_ =	shalt  }
0x84: {  	_ =	shalt  }
0x85: {  	_ =	shalt  }
0x86: {  	_ =	shalt  }
0x87: {  	_ =	shalt  }
.Lfunc_end0:
.L_simem_size_0:
called_computation.3_lowered:
.L_overlay_start_0:
0x88: {  	s2 =	sld [smem:$0x3FD9]  }
0x89: {  	s3 =	sld [smem:$0x3FFE];
	_ =	sdelay $0x1  }
0x8a: {  	s1 =	srdreg.scid  }
0x8b: {  	s0 =	sand.u32 $0x1, s1  }
0x8c: {  	s15 =	sshll.u32 s0, $0xA;
	s2 =	sadd.s32 s3, s2  }
0x8d: {  	s2 =	sadd.s32 s2, s15  }
0x8e: {  	[smem:$0x3FBC] =	sst s2  }
0x8f: {  	_ = 	snop  }
0x90: {  	s2 =	sld [smem:$0x3FD0];
	_ =	sdelay $0x2  }
0x91: {  	s4 =	simm.s32 $0xB;
	s16 =	simm.s32 $0x10  }
0x92: {  	[smem:s16], [sflag:s4] =	dma.local [hbm:s2], $0x1  }
0x93: {  	_ =	swait.eq [sflag:s4], $0x1  }
0x94: {  	[sflag:s4] =	ssyncset.done $0x0  }
0x95: {  	s17 =	sld [smem:$0x10];
	[sflag:s4] =	ssyncadd.s32 $0xFFFFFFFF  }
0x96: {  	s18 =	sld [smem:$0x11];
	(tm) =	ssettm $0x1  }
0x97: {  	s19 =	sld [smem:$0x3FFB];
	_ =	sdelay $0x3  }
0x98: {  	_ =	strace s19  }
0x99: {  	s2 =	sld [smem:$0x3FFC];
	_ =	sdelay $0x3  }
0x9a: {  	_ =	strace s2  }
0x9b: {  	s2 =	sld [smem:$0x3FFD];
	_ =	sdelay $0x3  }
0x9c: {  	_ =	strace s2  }
0x9d: {  	_ =	strace $0x8FFFFFFF  }
0x9e: {  	s20 =	sld [smem:$0x3FDB];
	_ =	sdelay $0x1  }
0x9f: {  	s5 =	simm.s32 $_scs_section_size  }
0xa0: {  	s6 =	simm.s32 $_size__tile_overlayer_lowered;
	s7 =	simm.s32 $_tile_overlayer_lowered  }
0xa1: {  	s8 =	simm.s32 $0x1BFF;
	s21 =	sshll.u32 s7, $0x1;
	s5 =	sadd.s32 s5, s20  }
0xa2: {  	s22 =	simm.s32 $0x0;
	s6 =	sshll.u32 s6, $0x1;
	s7 =	sadd.s32 s21, s5  }
0xa3: {  	[timem:s22], [sflag:s8] =	dma.local [hbm:s7], s6  }
0xa4: {  	_ =	swait.ge [sflag:s8], s6  }
0xa5: {  	s6 =	ssub.s32 $0x0, s6;
	[sflag:s8] =	ssyncset.done $0x0  }
0xa6: {  	[sflag:s8] =	ssyncadd.s32 s6;
	_ =	sdelay $0x1  }
0xa7: {  	s23 =	simm.s32 $0x1B8B  }
0xa8: {  	_ =	swait.ge [sflag:s23], $0x1  }
0xa9: {  	[sflag:s23] =	ssyncset.done $0x0  }
0xaa: {  	[sflag:s23] =	ssyncadd.s32 $0xFFFFFFFF  }
0xab: {  	s6 =	sld [smem:$0x0]  }
0xac: {  	s7 =	sand.u32 $0xFFFFFFFE, s1  }
0xad: {  	p0 =	sne.s32 s1, s7  }
0xae: {  	s7 =	sshll.u32 @p0 s7, $0xE  }
0xaf: {  	s7 =	sadd.s32 @p0 $0x11B8D, s7;
	s8 =	sshll.u32 @p0 s6, $0x11  }
0xb0: {  	s7 =	sor.u32 @p0 s8, s7  }
0xb1: {  	[sflag:s7] =	ssyncadd.remote.s32 @p0 $0x1;
	_ =	sdelay $0x1  }
0xb2: {  	s7 =	simm.s32 @p0 $0x1B8D  }
0xb3: {  	_ =	swait.eq @p0 [sflag:s7], $0x1  }
0xb4: {  	[sflag:s7] =	ssyncadd.s32 @p0 $0xFFFFFFFF  }
0xb5: {  	s8 =	sshll.u32 @!p0 s1, $0xE  }
0xb6: {  	s8 =	sor.u32 @!p0 $0x4000, s8;
	s7 =	simm.s32 @!p0 $0x1B8D  }
0xb7: {  	s6 =	sshll.u32 @!p0 s6, $0x11;
	s8 =	sadd.s32 @!p0 $0x11B8D, s8;
	_ =	swait.eq @!p0 [sflag:s7], $0x1  }
0xb8: {  	s6 =	sor.u32 @!p0 s6, s8;
	[sflag:s7] =	ssyncadd.s32 @!p0 $0xFFFFFFFF  }
0xb9: {  	s25 =	simm.s32 $0x1B8E;
	s24 =	sld [smem:$0x3FFE];
	[sflag:s6] =	ssyncadd.remote.s32 @!p0 $0x1  }
0xba: {  	s26 =	simm.s32 $execute0_lowered;
	[smem:$0x3FD2] =	sst s25  }
0xbb: {  	s7 =	sshll.u32 s26, $0x1;
	_ =	strace $0x8000004C;
	[dreg:$0x1] =	wrdreg $0xFFFFFFFF  }
0xbc: {  	s28 =	simm.s32 $_size_execute0_lowered;
	s5 =	sadd.s32 s5, s7;
	[dreg:$0x0] =	wrdreg $0x0  }
0xbd: {  	s7 =	sshll.u32 s28, $0x1;
	[dreg:$0x2] =	wrdreg s5  }
0xbe: {  	[dreg:$0x3] =	wrdreg s7  }
0xbf: {  	[dreg:$0x4] =	wrdreg $0xC0  }
0xc0: {  	_ =	task [dreg:s22], $0x5FFFF  }
0xc1: {  	[dreg:$0x1] =	wrdreg $0xFFFFFFFF  }
0xc2: {  	[dreg:$0x0] =	wrdreg $0x60  }
0xc3: {  	[dreg:$0x2] =	wrdreg s24  }
0xc4: {  	[dreg:$0x3] =	wrdreg s18  }
0xc5: {  	[dreg:$0x4] =	wrdreg s17  }
0xc6: {  	[dreg:$0x5] =	wrdreg $0x65000  }
0xc7: {  	[dreg:$0x6] =	wrdreg $0x9  }
0xc8: {  	_ =	task.clear_ibuf [dreg:s22], $0x7FFFF;
	_ =	strace $0x9000004C  }
0xc9: {  	s29 =	simm.s32 $0x9;
	_ =	strace $0x8000004E  }
0xca: {  	_ =	swait.ge [sflag:s29], $0x1  }
0xcb: {  	[sflag:s29] =	ssyncadd.s32 $0xFFFFFFFF  }
0xcc: {  	_ =	strace $0x9000004E  }
0xcd: {  	_ =	sfence  }
0xce: {  	s30 =	sld [smem:$0x0];
	_ =	sdelay $0x2  }
0xcf: {  	s31 =	sshll.u32 s1, $0xD;
	s1 =	sshrl.u32 s1, $0x2  }
0xd0: {  	s4 =	sand.u32 $0x4000, s31;
	s1 =	sadd.s32 s1, s30  }
0xd1: {  	s0 =	sor.u32 s4, s0;
	s1 =	sshll.u32 s1, $0x11  }
0xd2: {  	s0 =	sor.u32 s1, s0  }
0xd3: {  	s0 =	sadd.s32 $0x8F2B, s0  }
0xd4: {  	[sflag:s0] =	ssyncadd.remote.s32 $0x1  }
0xd5: {  	_ =	sfence.sel $0xFFFF  }
0xd6: {  	[dreg:$0x0] =	wrdreg $0xFFFFFFFF;
	(pc) =	sbr.abs _section_cstart, $3  }
0xd7: {  	[dreg:$0x1] =	wrdreg $0xFFFFFFFF  }
0xd8: {  	_ =	task.clear_ibuf [dreg:s22], $0x2FFFF;
	_ =	strace $0x9FFFFFFF  }
0xd9: {  	(tm) =	ssettm $0x7FFFFFFF  }
tec
execute0_lowered:
.L_overlay_start_1:
0x0: {  	(tag) =	ssettag $0x1  }
0x1: {  	s4 =	rddreg [dreg:$0x0]  }
0x2: {  	s0 =	rddreg [dreg:$0x1];
	s1 =	srdreg.scid  }
0x3: {  	s5 =	rddreg [dreg:$0x2];
	s7 =	stileid.u32  }
0x4: {  	s2 =	rddreg [dreg:$0x3];
	s3 =	simm.s32 $0x0;
	s9 =	smul.u32 $0x138800, s7  }
0x5: {  	s6 =	sand.u32 $0x1, s1;
	s1 =	rddreg [dreg:$0x4];
	s31 =	smul.u32 $0x4E2, s7  }
0x6: {  	s12 =	simm.s32 $0x0;
	[smem:$0x7FF] =	sst s3;
	s8 =	smul.u32 $0x1388000, s6  }
0x7: {  	p0 =	sne.s32 s7, $0x0;
	s10 =	ssub.s32 $0x2, s6;
	s6 =	smul.u32 $0x27100, s6  }
0x8: {  	_ =	strace $0x8000004D;
	s11 =	sshrl.u32 s10, $0x1;
	s8 =	sadd.s32 s9, s8  }
0x9: {  	s9 =	sadd.s32 s31, s4;
	s10 =	ssub.s32 s10, s11;
	s11 =	simm.s32 $0xC8  }
0xa: {  	s8 =	sshrl.u32 s8, $0x3;
	s7 =	sadd.s32 $0x3600, s9;
	s9 =	simm.s32 $0x1  }
0xb: {  	s8 =	sadd.s32 s8, s4;
	s4 =	sadd.s32 s5, s6;
	s5 =	smax.u32 s10, $0x1  }
0xc: {  	s10 =	simm.s32 $0x100;
	s6 =	sadd.s32 $0x142CA00, s8;
	s8 =	sshrl.u32 @!p0 s2, $0x3  }
.LBB2_1:
0xd: {  	s13 =	simm.s32 @!p0 $0x1C01  }
0xe: {  	[spmem:s8], [sflag:s13] =	dma.local @!p0 [hbm:s0], $0x27100  }
0xf: {  	s13 =	simm.s32 @!p0 $0x1  }
0x10: {  	_ =	swait.ge @!p0 [sflag:s13], $0x27100  }
0x11: {  	[sflag:s13] =	ssyncset.done @!p0 $0x0  }
0x12: {  	[sflag:s13] =	ssyncadd.s32 @!p0 $0xFFFD8F00  }
0x13: {  	s31 =	sadd.s32 $0x0, s7;
	[bflag:$0x0] =	sbarrier.arrive $0xFFFF  }
0x14: {  	[tilespmem:s3], [sflag:$0x1] =	stream.linear.gather [hbm4b:s31+s3], $0xC8, $0x38;
	[tilespmem:$0x19D80] =	vst v63  }
0x15: {  	_ =	swait.ge [sflag:s9], $0xC8  }
0x16: {  	[sflag:s9] =	ssyncset.done $0x0  }
0x17: {  	[sflag:s9] =	ssyncadd.s32 $0xFFFFFF38  }
0x18: {  	[tilespmem:s10], [sflag:$0x1] =	stream.linear.gather [hbm4b:s6+s3], $0x6400, $0x38;
	[tilespmem:$0x19D80] =	vst v63  }
0x19: {  	_ =	swait.ge [sflag:s9], $0x6400  }
0x1a: {  	[sflag:s9] =	ssyncset.done $0x0  }
0x1b: {  	[sflag:s9] =	ssyncadd.s32 $0xFFFF9C00  }
0x1c: {  	[spmem:s2] =	stream.indirect.scatter.add.f32 [tilespmem:s10], [sflag:$0x1], $0x80, s3, s11, $0xb8;
	[tilespmem:$0x19D80] =	vst v63  }
0x1d: {  	s14 =	simm.s32 $0x19;
	_ =	swait.ge [sflag:s9], $0x6400  }
0x1e: {  	s15 =	simm.s32 $0x32;
	s13 =	sadd.s32 $0xC80, s6;
	[sflag:s9] =	ssyncset.done $0x0  }
.LBB2_2:
0x1f: {  	s16 =	sadd.s32 s14, s7  }
0x20: {  	[sflag:s9] =	ssyncadd.s32 $0xFFFF9C00;
	s14 =	smov.u32 s15;
	s17 =	sadd.s32 $0x19, s15  }
0x21: {  	[tilespmem:s3], [sflag:$0x1] =	stream.linear.gather [hbm4b:s16+s3], $0xC8, $0x38;
	[tilespmem:$0x19D80] =	vst v63  }
0x22: {  	p1 =	sne.s32 s15, $0x4C9;
	_ =	swait.ge [sflag:s9], $0xC8  }
0x23: {  	[sflag:s9] =	ssyncset.done $0x0  }
0x24: {  	[sflag:s9] =	ssyncadd.s32 $0xFFFFFF38  }
0x25: {  	[tilespmem:s10], [sflag:$0x1] =	stream.linear.gather [hbm4b:s13+s3], $0x6400, $0x38;
	[tilespmem:$0x19D80] =	vst v63  }
0x26: {  	_ =	swait.ge [sflag:s9], $0x6400  }
.Ltmp0:
0x27: {  	[sflag:s9] =	ssyncset.done $0x0;
	(pc) =	sbr.rel @p1 .LBB2_2-.Ltmp0, $4  }
0x28: {  	[sflag:s9] =	ssyncadd.s32 $0xFFFF9C00  }
0x29: {  	[spmem:s2] =	stream.indirect.scatter.add.f32 [tilespmem:s10], [sflag:$0x1], $0x80, s3, s11, $0xb8;
	[tilespmem:$0x19D80] =	vst v63  }
0x2a: {  	_ =	swait.ge [sflag:s9], $0x6400  }
0x2b: {  	s15 =	smov.u32 s17;
	s13 =	sadd.s32 $0xC80, s13;
	[sflag:s9] =	ssyncset.done $0x0  }
0x2c: {  	s14 =	sadd.s32 s14, s7;
	[sflag:s9] =	ssyncadd.s32 $0xFFFF9C00  }
0x2d: {  	[tilespmem:s3], [sflag:$0x1] =	stream.linear.gather [hbm4b:s14+s3], $0xC8, $0x38;
	[tilespmem:$0x19D80] =	vst v63  }
0x2e: {  	_ =	swait.ge [sflag:s9], $0xC8  }
0x2f: {  	[sflag:s9] =	ssyncset.done $0x0  }
0x30: {  	[sflag:s9] =	ssyncadd.s32 $0xFFFFFF38  }
0x31: {  	[tilespmem:s10], [sflag:$0x1] =	stream.linear.gather [hbm4b:s13+s3], $0x6400, $0x38;
	[tilespmem:$0x19D80] =	vst v63  }
0x32: {  	_ =	swait.ge [sflag:s9], $0x6400  }
0x33: {  	[sflag:s9] =	ssyncset.done $0x0  }
0x34: {  	[sflag:s9] =	ssyncadd.s32 $0xFFFF9C00  }
0x35: {  	[spmem:s2] =	stream.indirect.scatter.add.f32 [tilespmem:s10], [sflag:$0x1], $0x80, s3, s11, $0xb8;
	[tilespmem:$0x19D80] =	vst v63  }
0x36: {  	_ =	swait.ge [sflag:s9], $0x6400  }
0x37: {  	[sflag:s9] =	ssyncset.done $0x0  }
0x38: {  	s12 =	sadd.s32 $0x1, s12;
	[sflag:s9] =	ssyncadd.s32 $0xFFFF9C00  }
0x39: {  	p1 =	sne.s32 s12, s5;
	s13 =	simm.s32 @!p0 $0x1C01;
	[bflag:$0x0] =	sbarrier.arrive $0xFFFF  }
0x3a: {  	[hbm:s4], [sflag:s13] =	dma.local @!p0 [spmem:s8], $0x27100  }
.Ltmp1:
0x3b: {  	_ = 	snop;
	(pc) =	sbr.rel @p1 .LBB2_1-.Ltmp1, $4  }
0x3c: {  	s13 =	simm.s32 @!p0 $0x1  }
0x3d: {  	_ =	swait.ge @!p0 [sflag:s13], $0x27100  }
0x3e: {  	[sflag:s13] =	ssyncset.done @!p0 $0x0  }
0x3f: {  	[sflag:s13] =	ssyncadd.s32 @!p0 $0xFFFD8F00  }
0x40: {  	_ =	sfence.sel $0x180000  }
0x41: {  	[bflag:$0x0] =	sbarrier.arrive $0xFFFF  }
0x42: {  	_ =	strace $0x9000004D  }
0x43: {  	s0 =	sadd.s32 @!p0 $0x100000, s1;
	[bflag:$0x2] =	sbarrier.arrive $0xFFFF  }
0x44: {  	[sflag:s0] =	ssyncadd.tile.s32 @!p0 $0x1;
	_ =	shalt  }
.Lfunc_end2:
_tile_overlayer_lowered:
.L_overlay_start_2:
0x45: {  	(tag) =	ssettag $0x2  }
0x46: {  	s0 =	rddreg [dreg:$0x0];
	s2 =	stileid.u32  }
0x47: {  	s1 =	rddreg [dreg:$0x1];
	p0 =	sne.s32 s2, $0x0  }
0x48: {  	s3 =	rddreg [dreg:$0x2];
	[bflag:$0x3] =	sbarrier.arrive $0xFFFF;
	s2 =	simm.s32 @!p0 $0x1C01  }
0x49: {  	[timem:s3], [sflag:s2] =	dma.local @!p0 [hbm:s0], s1  }
0x4a: {  	s0 =	simm.s32 @!p0 $0x1  }
0x4b: {  	_ =	swait.ge @!p0 [sflag:s0], s1  }
0x4c: {  	s1 =	ssub.s32 @!p0 $0x0, s1;
	[sflag:s0] =	ssyncset.done @!p0 $0x0  }
0x4d: {  	[sflag:s0] =	ssyncadd.s32 @!p0 s1  }
0x4e: {  	[bflag:$0x3] =	sbarrier.arrive $0xFFFF  }
0x4f: {  	_ =	shalt  }

</sc_bundles>
